<compile_context>
chip_gen: v7x
topology: tpu7x:2x2x1
jax: 0.10.2.dev20260603
libtpu: 0.0.44.dev20260713+nightly
codegen_flags: <defaults>
</compile_context>

<pallas_src>
import functools

import jax
import jax.numpy as jnp
from jax import lax
from jax.experimental import pallas as pl
from jax.experimental.pallas import tpu as pltpu
from jax.experimental.pallas import tpu_sc as plsc

N_NODES = 100000
N_EDGES = 3200000
DIM = 4
ROW_W = 8

NC = 2
NS = 16
NW = NC * NS
E_PER_TILE = N_EDGES // NW
CHUNK = 800
N_CHUNKS = E_PER_TILE // CHUNK
GROUPS = CHUNK // 16
N_PAD = 100096
ROWS_PER_TILE = N_PAD // NS


def _make_pass(transpose: bool):
  mesh = plsc.VectorSubcoreMesh(core_axis_name="c", subcore_axis_name="s")

  @functools.partial(
      pl.kernel,
      mesh=mesh,
      compiler_params=pltpu.CompilerParams(
          needs_layout_passes=False, use_tc_tiling_on_sc=False),
      out_type=jax.ShapeDtypeStruct((NC * N_PAD, ROW_W), jnp.float32),
      scratch_types=[
          pltpu.VMEM_SHARED((N_PAD, ROW_W), jnp.float32),
          pltpu.VMEM((CHUNK, DIM * DIM), jnp.float32),
          pltpu.VMEM((CHUNK, DIM * DIM), jnp.float32),
          pltpu.VMEM((CHUNK,), jnp.int32),
          pltpu.VMEM((CHUNK,), jnp.int32),
          pltpu.VMEM((CHUNK,), jnp.int32),
          pltpu.VMEM((CHUNK,), jnp.int32),
          pltpu.VMEM((CHUNK, ROW_W), jnp.float32),
          pltpu.VMEM((CHUNK, ROW_W), jnp.float32),
          pltpu.VMEM((CHUNK, ROW_W), jnp.float32),
          pltpu.SemaphoreType.DMA,
          pltpu.SemaphoreType.DMA,
          pltpu.SemaphoreType.DMA,
      ],
  )
  def pass_kernel(table_hbm, gidx_hbm, sidx_hbm, boo_hbm, zeros_hbm, out_hbm,
                  acc_s, boo0, boo1, gidx0, gidx1, sidx0, sidx1,
                  rows0, rows1, msg_v, sem0, sem1, semg):
    c = lax.axis_index("c")
    s = lax.axis_index("s")
    wid = c * NS + s
    sets = ((boo0, gidx0, sidx0, rows0, sem0),
            (boo1, gidx1, sidx1, rows1, sem1))

    r0 = s * ROWS_PER_TILE
    pltpu.sync_copy(zeros_hbm.at[pl.ds(r0, ROWS_PER_TILE)],
                    acc_s.at[pl.ds(r0, ROWS_PER_TILE)])
    pltpu.sync_copy(zeros_hbm.at[pl.ds(0, CHUNK)], msg_v)
    plsc.subcore_barrier()

    e0 = wid * E_PER_TILE
    lane = lax.iota(jnp.int32, 16)

    def start_dmas(p, base):
      boo_v, gidx_v, sidx_v, _, sem = sets[p]
      pltpu.async_copy(boo_hbm.at[pl.ds(base, CHUNK)], boo_v, sem)
      pltpu.async_copy(gidx_hbm.at[pl.ds(base, CHUNK)], gidx_v, sem)
      pltpu.async_copy(sidx_hbm.at[pl.ds(base, CHUNK)], sidx_v, sem)

    def wait_dmas(p, base):
      boo_v, gidx_v, sidx_v, _, sem = sets[p]
      pltpu.make_async_copy(boo_hbm.at[pl.ds(base, CHUNK)], boo_v, sem).wait()
      pltpu.make_async_copy(gidx_hbm.at[pl.ds(base, CHUNK)], gidx_v, sem).wait()
      pltpu.make_async_copy(sidx_hbm.at[pl.ds(base, CHUNK)], sidx_v, sem).wait()

    def process(p, base):
      boo_v, gidx_v, sidx_v, rows_v, _ = sets[p]
      wait_dmas(p, base)
      pltpu.async_copy(table_hbm.at[gidx_v], rows_v, semg).wait()

      def group_body(g, carry2):
        rows = g * 16 + lane
        xd = [
            plsc.load_gather(rows_v, [rows, jnp.full((16,), d, jnp.int32)])
            for d in range(DIM)
        ]
        for k in range(DIM):
          acc = None
          for d in range(DIM):
            off = d * DIM + k if transpose else k * DIM + d
            b = plsc.load_gather(boo_v, [rows, jnp.full((16,), off, jnp.int32)])
            acc = b * xd[d] if acc is None else acc + b * xd[d]
          plsc.store_scatter(msg_v, [rows, jnp.full((16,), k, jnp.int32)], acc)
        return carry2

      lax.fori_loop(0, GROUPS, group_body, 0)
      pltpu.sync_copy(msg_v, acc_s.at[sidx_v], add=True)

    start_dmas(0, e0)
    start_dmas(1, e0 + CHUNK)

    def pair_body(i2, carry):
      base = e0 + 2 * i2 * CHUNK
      for p in (0, 1):
        process(p, base + p * CHUNK)
        nxt = base + (p + 2) * CHUNK

        @pl.when(2 * i2 + p + 2 < N_CHUNKS)
        def _():
          start_dmas(p, nxt)
      return carry

    lax.fori_loop(0, N_CHUNKS // 2, pair_body, 0)
    if N_CHUNKS % 2:
      process(0, e0 + (N_CHUNKS - 1) * CHUNK)
    plsc.subcore_barrier()
    pltpu.sync_copy(acc_s.at[pl.ds(r0, ROWS_PER_TILE)],
                    out_hbm.at[pl.ds(c * N_PAD + r0, ROWS_PER_TILE)])

  return pass_kernel


_pass_t = _make_pass(transpose=True)
_pass_n = _make_pass(transpose=False)

_CROWS = N_PAD * ROW_W // 128
_CB = 272


def _combine_body(p_ref, o_ref):
  o_ref[...] = p_ref[0] + p_ref[1]


def _combine(partials):
  flat = partials.reshape(NC, _CROWS, 128)
  out = pl.pallas_call(
      _combine_body,
      grid=(_CROWS // _CB,),
      in_specs=[pl.BlockSpec((NC, _CB, 128), lambda i: (0, i, 0))],
      out_specs=pl.BlockSpec((_CB, 128), lambda i: (i, 0)),
      out_shape=jax.ShapeDtypeStruct((_CROWS, 128), jnp.float32),
  )(flat)
  return out.reshape(N_PAD, ROW_W)


def kernel(x, edge_index, boo_values):
  src = edge_index[0].astype(jnp.int32)
  dst = edge_index[1].astype(jnp.int32)
  boo = boo_values.reshape(N_EDGES, DIM * DIM)
  zeros = jnp.zeros((N_PAD, ROW_W), jnp.float32)
  x_pad = zeros.at[:N_NODES, :DIM].set(x)

  p1 = _pass_t(x_pad, src, dst, boo, zeros)
  lt_x = _combine(p1)
  p2 = _pass_n(lt_x, dst, src, boo, zeros)
  return _combine(p2)[:N_NODES, :DIM]

# --- scband reference (transcript-rebuilt; emitter-appended) ---
"""Pipeline reference for scband-llt-82978768159405 (READ-ONLY COPY).

The authoritative reference and input builder live on the scoring server;
editing this copy changes nothing except your own understanding.
"""

import jax, jax.numpy as jnp
import numpy as np

N_NODES = 100000
N_EDGES = 3200000
DIM = 4


def setup_inputs(seed: int = 0) -> dict:
    key = jax.random.key(seed)
    k1, k2, k3 = jax.random.split(key, 3)
    x = jax.random.normal(k1, (N_NODES, DIM), dtype=jnp.float32)
    edge_index = jax.random.randint(k2, (2, N_EDGES), 0, N_NODES, dtype=jnp.int64)
    boo_values = jax.random.normal(k3, (N_EDGES, DIM, DIM), dtype=jnp.float32)
    return {"x": x, "edge_index": edge_index, "boo_values": boo_values}


def reference(x, edge_index, boo_values):
    # LLT: y = L (L^T x), where L is a blocked sparse matrix with blocks boo_values[e]
    # located at (row=edge_index[0,e], col=edge_index[1,e]).
    n = x.shape[0]
    src = edge_index[0]  # row index i
    dst = edge_index[1]  # col index j

    # spmv_t (GraphSpmv(use_transpose=True), flow='source_to_target'):
    # x_j = x[src], message = A_e^T @ x_j, aggregated at dst -> (L^T x)
    xi = jnp.take(x, src, axis=0)                        # [E, dim]
    msg_t = jnp.einsum('edk,ed->ek', boo_values, xi)     # A^T @ x_src
    LT_x = jax.ops.segment_sum(msg_t, dst, num_segments=n)

    # spmv (GraphSpmv(use_transpose=False), flow='target_to_source'):
    # x_j = LT_x[dst], message = A_e @ x_j, aggregated at src -> L (L^T x)
    xj = jnp.take(LT_x, dst, axis=0)                     # [E, dim]
    msg = jnp.einsum('ekd,ed->ek', boo_values, xj)       # A @ LT_x_dst
    L_LT_x = jax.ops.segment_sum(msg, src, num_segments=n)
    return L_LT_x

if __name__ == "__main__":
    import jax
    _d = setup_inputs()
    print(jax.jit(kernel)(*tuple(_d.values())))

</pallas_src>

<mosaic_0001>
#map = affine_map<(d0, d1) -> (0, 0)>
#map1 = affine_map<(d0, d1) -> (0)>
module attributes {stable_mosaic.version = 14 : i64} {
  func.func @pass_kernel(%arg0: i32, %arg1: i32, %arg2: memref<100096x8xf32, #tpu.memory_space<hbm>>, %arg3: memref<3200000xi32, #tpu.memory_space<hbm>>, %arg4: memref<3200000xi32, #tpu.memory_space<hbm>>, %arg5: memref<3200000x16xf32, #tpu.memory_space<hbm>>, %arg6: memref<100096x8xf32, #tpu.memory_space<hbm>>, %arg7: memref<200192x8xf32, #tpu.memory_space<hbm>>, %arg8: memref<100096x8xf32, #tpu.memory_space<vmem_shared>>, %arg9: memref<800x16xf32, #tpu.memory_space<vmem>>, %arg10: memref<800x16xf32, #tpu.memory_space<vmem>>, %arg11: memref<800xi32, #tpu.memory_space<vmem>>, %arg12: memref<800xi32, #tpu.memory_space<vmem>>, %arg13: memref<800xi32, #tpu.memory_space<vmem>>, %arg14: memref<800xi32, #tpu.memory_space<vmem>>, %arg15: memref<800x8xf32, #tpu.memory_space<vmem>>, %arg16: memref<800x8xf32, #tpu.memory_space<vmem>>, %arg17: memref<800x8xf32, #tpu.memory_space<vmem>>, %arg18: memref<!tpu.dma_semaphore, #tpu.memory_space<semaphore_mem>>, %arg19: memref<!tpu.dma_semaphore, #tpu.memory_space<semaphore_mem>>, %arg20: memref<!tpu.dma_semaphore, #tpu.memory_space<semaphore_mem>>) attributes {dimension_semantics = [#tpu.dimension_semantics<core_parallel>, #tpu.dimension_semantics<subcore_parallel>], iteration_bounds = array<i64: 2, 16>, scalar_prefetch = 0 : i64, scratch_operands = 13 : i64, tpu.core_type = #tpu.core_type<sc_vector_subcore>, window_params = [{transform_indices = #map}, {transform_indices = #map1}, {transform_indices = #map1}, {transform_indices = #map}, {transform_indices = #map}, {transform_indices = #map}]} {
    %mul3A = arith.constant 16 : i32
    %mul3A_0 = arith.muli %arg0, %mul3A : i32
    %add3A = arith.addi %mul3A_0, %arg1 : i32
    %mul3A_1 = arith.constant 6256 : i32
    %mul3A_2 = arith.muli %arg1, %mul3A_1 : i32
    "tpu.region"() ({
      %run_scoped3A = tpu.sem_alloc : memref<!tpu.dma_semaphore, #tpu.memory_space<semaphore_mem>>
      %dma_start3A_52 = arith.constant 0 : i32
      %dma_start3A_53 = tpu.memref_slice %arg8[%mul3A_2, %dma_start3A_52] : memref<100096x8xf32, #tpu.memory_space<vmem_shared>> -> memref<6256x8xf32, #tpu.memory_space<vmem_shared>>
      %dma_start3A_54 = arith.constant 0 : i32
      %dma_start3A_55 = tpu.memref_slice %arg6[%mul3A_2, %dma_start3A_54] : memref<100096x8xf32, #tpu.memory_space<hbm>> -> memref<6256x8xf32, #tpu.memory_space<hbm>>
      tpu.enqueue_dma source(%dma_start3A_55 : memref<6256x8xf32, #tpu.memory_space<hbm>>) target(%dma_start3A_53 : memref<6256x8xf32, #tpu.memory_space<vmem_shared>>) target_semaphore(%run_scoped3A : memref<!tpu.dma_semaphore, #tpu.memory_space<semaphore_mem>>)
      %dma_wait3A_56 = arith.constant 0 : i32
      %dma_wait3A_57 = tpu.memref_slice %arg8[%mul3A_2, %dma_wait3A_56] : memref<100096x8xf32, #tpu.memory_space<vmem_shared>> -> memref<6256x8xf32, #tpu.memory_space<vmem_shared>>
      %dma_wait3A_58 = arith.constant 0 : i32
      %dma_wait3A_59 = tpu.memref_slice %arg6[%mul3A_2, %dma_wait3A_58] : memref<100096x8xf32, #tpu.memory_space<hbm>> -> memref<6256x8xf32, #tpu.memory_space<hbm>>
      tpu.wait_dma2 semaphore(%run_scoped3A : memref<!tpu.dma_semaphore, #tpu.memory_space<semaphore_mem>>) src(%dma_wait3A_59 : memref<6256x8xf32, #tpu.memory_space<hbm>>) dst(%dma_wait3A_57 : memref<6256x8xf32, #tpu.memory_space<vmem_shared>>)
      tpu.yield
    }) : () -> ()
    "tpu.region"() ({
      %run_scoped3A = tpu.sem_alloc : memref<!tpu.dma_semaphore, #tpu.memory_space<semaphore_mem>>
      %dma_start3A_52 = arith.constant 0 : i32
      %dma_start3A_53 = arith.constant 0 : i32
      %dma_start3A_54 = tpu.memref_slice %arg6[%dma_start3A_52, %dma_start3A_53] : memref<100096x8xf32, #tpu.memory_space<hbm>> -> memref<800x8xf32, #tpu.memory_space<hbm>>
      %dma_start3A_55 = arith.constant 0 : i32
      %dma_start3A_56 = arith.constant 0 : i32
      %dma_start3A_57 = tpu.memref_slice %arg6[%dma_start3A_55, %dma_start3A_56] : memref<100096x8xf32, #tpu.memory_space<hbm>> -> memref<800x8xf32, #tpu.memory_space<hbm>>
      tpu.enqueue_dma source(%dma_start3A_57 : memref<800x8xf32, #tpu.memory_space<hbm>>) target(%arg17 : memref<800x8xf32, #tpu.memory_space<vmem>>) target_semaphore(%run_scoped3A : memref<!tpu.dma_semaphore, #tpu.memory_space<semaphore_mem>>)
      %dma_wait3A_58 = arith.constant 0 : i32
      %dma_wait3A_59 = arith.constant 0 : i32
      %dma_wait3A_60 = tpu.memref_slice %arg6[%dma_wait3A_58, %dma_wait3A_59] : memref<100096x8xf32, #tpu.memory_space<hbm>> -> memref<800x8xf32, #tpu.memory_space<hbm>>
      %dma_wait3A_61 = arith.constant 0 : i32
      %dma_wait3A_62 = arith.constant 0 : i32
      %dma_wait3A_63 = tpu.memref_slice %arg6[%dma_wait3A_61, %dma_wait3A_62] : memref<100096x8xf32, #tpu.memory_space<hbm>> -> memref<800x8xf32, #tpu.memory_space<hbm>>
      tpu.wait_dma2 semaphore(%run_scoped3A : memref<!tpu.dma_semaphore, #tpu.memory_space<semaphore_mem>>) src(%dma_wait3A_63 : memref<800x8xf32, #tpu.memory_space<hbm>>) dst(%arg17 : memref<800x8xf32, #tpu.memory_space<vmem>>)
      tpu.yield
    }) : () -> ()
    %barrier3A = arith.constant 0 : index
    tpu.barrier barrier_id(%barrier3A)
    %mul3A_3 = arith.constant 100000 : i32
    %mul3A_4 = arith.muli %add3A, %mul3A_3 : i32
    %iota3A = tpu.iota {dimensions = array<i32: 0>} : vector<16xi32>
    %dma_start3A = arith.constant 0 : i32
    %dma_start3A_5 = tpu.memref_slice %arg5[%mul3A_4, %dma_start3A] : memref<3200000x16xf32, #tpu.memory_space<hbm>> -> memref<800x16xf32, #tpu.memory_space<hbm>>
    %dma_start3A_6 = arith.constant 0 : i32
    %dma_start3A_7 = tpu.memref_slice %arg5[%mul3A_4, %dma_start3A_6] : memref<3200000x16xf32, #tpu.memory_space<hbm>> -> memref<800x16xf32, #tpu.memory_space<hbm>>
    tpu.enqueue_dma source(%dma_start3A_7 : memref<800x16xf32, #tpu.memory_space<hbm>>) target(%arg9 : memref<800x16xf32, #tpu.memory_space<vmem>>) target_semaphore(%arg18 : memref<!tpu.dma_semaphore, #tpu.memory_space<semaphore_mem>>)
    %dma_start3A_8 = tpu.memref_slice %arg3[%mul3A_4] : memref<3200000xi32, #tpu.memory_space<hbm>> -> memref<800xi32, #tpu.memory_space<hbm>>
    %dma_start3A_9 = tpu.memref_slice %arg3[%mul3A_4] : memref<3200000xi32, #tpu.memory_space<hbm>> -> memref<800xi32, #tpu.memory_space<hbm>>
    tpu.enqueue_dma source(%dma_start3A_9 : memref<800xi32, #tpu.memory_space<hbm>>) target(%arg11 : memref<800xi32, #tpu.memory_space<vmem>>) target_semaphore(%arg18 : memref<!tpu.dma_semaphore, #tpu.memory_space<semaphore_mem>>)
    %dma_start3A_10 = tpu.memref_slice %arg4[%mul3A_4] : memref<3200000xi32, #tpu.memory_space<hbm>> -> memref<800xi32, #tpu.memory_space<hbm>>
    %dma_start3A_11 = tpu.memref_slice %arg4[%mul3A_4] : memref<3200000xi32, #tpu.memory_space<hbm>> -> memref<800xi32, #tpu.memory_space<hbm>>
    tpu.enqueue_dma source(%dma_start3A_11 : memref<800xi32, #tpu.memory_space<hbm>>) target(%arg13 : memref<800xi32, #tpu.memory_space<vmem>>) target_semaphore(%arg18 : memref<!tpu.dma_semaphore, #tpu.memory_space<semaphore_mem>>)
    %add3A_12 = arith.constant 800 : i32
    %add3A_13 = arith.addi %mul3A_4, %add3A_12 : i32
    %dma_start3A_14 = arith.constant 0 : i32
    %dma_start3A_15 = tpu.memref_slice %arg5[%add3A_13, %dma_start3A_14] : memref<3200000x16xf32, #tpu.memory_space<hbm>> -> memref<800x16xf32, #tpu.memory_space<hbm>>
    %dma_start3A_16 = arith.constant 0 : i32
    %dma_start3A_17 = tpu.memref_slice %arg5[%add3A_13, %dma_start3A_16] : memref<3200000x16xf32, #tpu.memory_space<hbm>> -> memref<800x16xf32, #tpu.memory_space<hbm>>
    tpu.enqueue_dma source(%dma_start3A_17 : memref<800x16xf32, #tpu.memory_space<hbm>>) target(%arg10 : memref<800x16xf32, #tpu.memory_space<vmem>>) target_semaphore(%arg19 : memref<!tpu.dma_semaphore, #tpu.memory_space<semaphore_mem>>)
    %dma_start3A_18 = tpu.memref_slice %arg3[%add3A_13] : memref<3200000xi32, #tpu.memory_space<hbm>> -> memref<800xi32, #tpu.memory_space<hbm>>
    %dma_start3A_19 = tpu.memref_slice %arg3[%add3A_13] : memref<3200000xi32, #tpu.memory_space<hbm>> -> memref<800xi32, #tpu.memory_space<hbm>>
    tpu.enqueue_dma source(%dma_start3A_19 : memref<800xi32, #tpu.memory_space<hbm>>) target(%arg12 : memref<800xi32, #tpu.memory_space<vmem>>) target_semaphore(%arg19 : memref<!tpu.dma_semaphore, #tpu.memory_space<semaphore_mem>>)
    %dma_start3A_20 = tpu.memref_slice %arg4[%add3A_13] : memref<3200000xi32, #tpu.memory_space<hbm>> -> memref<800xi32, #tpu.memory_space<hbm>>
    %dma_start3A_21 = tpu.memref_slice %arg4[%add3A_13] : memref<3200000xi32, #tpu.memory_space<hbm>> -> memref<800xi32, #tpu.memory_space<hbm>>
    tpu.enqueue_dma source(%dma_start3A_21 : memref<800xi32, #tpu.memory_space<hbm>>) target(%arg14 : memref<800xi32, #tpu.memory_space<vmem>>) target_semaphore(%arg19 : memref<!tpu.dma_semaphore, #tpu.memory_space<semaphore_mem>>)
    %scan3A = arith.constant 0 : i32
    %scan3A_22 = arith.constant 0 : i32
    %scan3A_23 = arith.constant 62 : i32
    %scan3A_24 = arith.addi %scan3A_22, %scan3A_23 : i32
    %scan3A_25 = arith.constant 1 : i32
    scf.for %scan3A_52 = %scan3A_22 to %scan3A_24 step %scan3A_25  : i32 {
      %mul3A_53 = arith.constant 2 : i32
      %mul3A_54 = arith.muli %mul3A_53, %scan3A_52 : i32
      %mul3A_55 = arith.constant 800 : i32
      %mul3A_56 = arith.muli %mul3A_54, %mul3A_55 : i32
      %add3A_57 = arith.addi %mul3A_4, %mul3A_56 : i32
      %add3A_58 = arith.constant 0 : i32
      %add3A_59 = arith.addi %add3A_57, %add3A_58 : i32
      %dma_wait3A_60 = arith.constant 0 : i32
      %dma_wait3A_61 = tpu.memref_slice %arg5[%add3A_59, %dma_wait3A_60] : memref<3200000x16xf32, #tpu.memory_space<hbm>> -> memref<800x16xf32, #tpu.memory_space<hbm>>
      %dma_wait3A_62 = arith.constant 0 : i32
      %dma_wait3A_63 = tpu.memref_slice %arg5[%add3A_59, %dma_wait3A_62] : memref<3200000x16xf32, #tpu.memory_space<hbm>> -> memref<800x16xf32, #tpu.memory_space<hbm>>
      tpu.wait_dma2 semaphore(%arg18 : memref<!tpu.dma_semaphore, #tpu.memory_space<semaphore_mem>>) src(%dma_wait3A_63 : memref<800x16xf32, #tpu.memory_space<hbm>>) dst(%arg9 : memref<800x16xf32, #tpu.memory_space<vmem>>)
      %dma_wait3A_64 = tpu.memref_slice %arg3[%add3A_59] : memref<3200000xi32, #tpu.memory_space<hbm>> -> memref<800xi32, #tpu.memory_space<hbm>>
      %dma_wait3A_65 = tpu.memref_slice %arg3[%add3A_59] : memref<3200000xi32, #tpu.memory_space<hbm>> -> memref<800xi32, #tpu.memory_space<hbm>>
      tpu.wait_dma2 semaphore(%arg18 : memref<!tpu.dma_semaphore, #tpu.memory_space<semaphore_mem>>) src(%dma_wait3A_65 : memref<800xi32, #tpu.memory_space<hbm>>) dst(%arg11 : memref<800xi32, #tpu.memory_space<vmem>>)
      %dma_wait3A_66 = tpu.memref_slice %arg4[%add3A_59] : memref<3200000xi32, #tpu.memory_space<hbm>> -> memref<800xi32, #tpu.memory_space<hbm>>
      %dma_wait3A_67 = tpu.memref_slice %arg4[%add3A_59] : memref<3200000xi32, #tpu.memory_space<hbm>> -> memref<800xi32, #tpu.memory_space<hbm>>
      tpu.wait_dma2 semaphore(%arg18 : memref<!tpu.dma_semaphore, #tpu.memory_space<semaphore_mem>>) src(%dma_wait3A_67 : memref<800xi32, #tpu.memory_space<hbm>>) dst(%arg13 : memref<800xi32, #tpu.memory_space<vmem>>)
      %dma_start3A_68 = arith.constant 0 : i32
      %dma_start3A_69 = arith.constant 0 : i32
      %dma_start3A_70 = tpu.memref_slice %arg2[%dma_start3A_68, %dma_start3A_69] : memref<100096x8xf32, #tpu.memory_space<hbm>> -> memref<100096x8xf32, #tpu.memory_space<hbm>>
      tpu.enqueue_indirect_dma source(%dma_start3A_70 : memref<100096x8xf32, #tpu.memory_space<hbm>>) target(%arg15 : memref<800x8xf32, #tpu.memory_space<vmem>>) offsets(%arg11 : memref<800xi32, #tpu.memory_space<vmem>>) semaphore(%arg20 : memref<!tpu.dma_semaphore, #tpu.memory_space<semaphore_mem>>)
      %dma_wait3A_71 = arith.constant 0 : i32
      %dma_wait3A_72 = arith.constant 0 : i32
      %dma_wait3A_73 = tpu.memref_slice %arg2[%dma_wait3A_71, %dma_wait3A_72] : memref<100096x8xf32, #tpu.memory_space<hbm>> -> memref<100096x8xf32, #tpu.memory_space<hbm>>
      tpu.wait_indirect_dma semaphore(%arg20 : memref<!tpu.dma_semaphore, #tpu.memory_space<semaphore_mem>>) src(%dma_wait3A_73 : memref<100096x8xf32, #tpu.memory_space<hbm>>) dst(%arg15 : memref<800x8xf32, #tpu.memory_space<vmem>>)
      %scan3A_74 = arith.constant 0 : i32
      %scan3A_75 = arith.constant 0 : i32
      %scan3A_76 = arith.constant 50 : i32
      %scan3A_77 = arith.addi %scan3A_75, %scan3A_76 : i32
      %scan3A_78 = arith.constant 1 : i32
      scf.for %scan3A_125 = %scan3A_75 to %scan3A_77 step %scan3A_78  : i32 {
        %mul3A_126 = arith.constant 16 : i32
        %mul3A_127 = arith.muli %scan3A_125, %mul3A_126 : i32
        %add3A_128 = vector.broadcast %mul3A_127 : i32 to vector<16xi32>
        %add3A_129 = arith.addi %add3A_128, %iota3A : vector<16xi32>
        %broadcast_in_dim3A = arith.constant 0 : i32
        %broadcast_in_dim3A_130 = vector.broadcast %broadcast_in_dim3A : i32 to vector<16xi32>
        %gather3A = tpu.vector_load_idx %arg15[%add3A_129, %broadcast_in_dim3A_130] : memref<800x8xf32, #tpu.memory_space<vmem>>[vector<16xi32>, vector<16xi32>], vector<16xf32>,
        %broadcast_in_dim3A_131 = arith.constant 1 : i32
        %broadcast_in_dim3A_132 = vector.broadcast %broadcast_in_dim3A_131 : i32 to vector<16xi32>
        %gather3A_133 = tpu.vector_load_idx %arg15[%add3A_129, %broadcast_in_dim3A_132] : memref<800x8xf32, #tpu.memory_space<vmem>>[vector<16xi32>, vector<16xi32>], vector<16xf32>,
        %broadcast_in_dim3A_134 = arith.constant 2 : i32
        %broadcast_in_dim3A_135 = vector.broadcast %broadcast_in_dim3A_134 : i32 to vector<16xi32>
        %gather3A_136 = tpu.vector_load_idx %arg15[%add3A_129, %broadcast_in_dim3A_135] : memref<800x8xf32, #tpu.memory_space<vmem>>[vector<16xi32>, vector<16xi32>], vector<16xf32>,
        %broadcast_in_dim3A_137 = arith.constant 3 : i32
        %broadcast_in_dim3A_138 = vector.broadcast %broadcast_in_dim3A_137 : i32 to vector<16xi32>
        %gather3A_139 = tpu.vector_load_idx %arg15[%add3A_129, %broadcast_in_dim3A_138] : memref<800x8xf32, #tpu.memory_space<vmem>>[vector<16xi32>, vector<16xi32>], vector<16xf32>,
        %broadcast_in_dim3A_140 = arith.constant 0 : i32
        %broadcast_in_dim3A_141 = vector.broadcast %broadcast_in_dim3A_140 : i32 to vector<16xi32>
        %gather3A_142 = tpu.vector_load_idx %arg9[%add3A_129, %broadcast_in_dim3A_141] : memref<800x16xf32, #tpu.memory_space<vmem>>[vector<16xi32>, vector<16xi32>], vector<16xf32>,
        %mul3A_143 = arith.mulf %gather3A_142, %gather3A : vector<16xf32>
        %broadcast_in_dim3A_144 = arith.constant 4 : i32
        %broadcast_in_dim3A_145 = vector.broadcast %broadcast_in_dim3A_144 : i32 to vector<16xi32>
        %gather3A_146 = tpu.vector_load_idx %arg9[%add3A_129, %broadcast_in_dim3A_145] : memref<800x16xf32, #tpu.memory_space<vmem>>[vector<16xi32>, vector<16xi32>], vector<16xf32>,
        %mul3A_147 = arith.mulf %gather3A_146, %gather3A_133 : vector<16xf32>
        %add3A_148 = arith.addf %mul3A_143, %mul3A_147 : vector<16xf32>
        %broadcast_in_dim3A_149 = arith.constant 8 : i32
        %broadcast_in_dim3A_150 = vector.broadcast %broadcast_in_dim3A_149 : i32 to vector<16xi32>
        %gather3A_151 = tpu.vector_load_idx %arg9[%add3A_129, %broadcast_in_dim3A_150] : memref<800x16xf32, #tpu.memory_space<vmem>>[vector<16xi32>, vector<16xi32>], vector<16xf32>,
        %mul3A_152 = arith.mulf %gather3A_151, %gather3A_136 : vector<16xf32>
        %add3A_153 = arith.addf %add3A_148, %mul3A_152 : vector<16xf32>
        %broadcast_in_dim3A_154 = arith.constant 12 : i32
        %broadcast_in_dim3A_155 = vector.broadcast %broadcast_in_dim3A_154 : i32 to vector<16xi32>
        %gather3A_156 = tpu.vector_load_idx %arg9[%add3A_129, %broadcast_in_dim3A_155] : memref<800x16xf32, #tpu.memory_space<vmem>>[vector<16xi32>, vector<16xi32>], vector<16xf32>,
        %mul3A_157 = arith.mulf %gather3A_156, %gather3A_139 : vector<16xf32>
        %add3A_158 = arith.addf %add3A_153, %mul3A_157 : vector<16xf32>
        %broadcast_in_dim3A_159 = arith.constant 0 : i32
        %broadcast_in_dim3A_160 = vector.broadcast %broadcast_in_dim3A_159 : i32 to vector<16xi32>
        tpu.vector_store_idx %arg17[%add3A_129, %broadcast_in_dim3A_160], %add3A_158 : memref<800x8xf32, #tpu.memory_space<vmem>>[vector<16xi32>, vector<16xi32>], vector<16xf32>,
        %broadcast_in_dim3A_161 = arith.constant 1 : i32
        %broadcast_in_dim3A_162 = vector.broadcast %broadcast_in_dim3A_161 : i32 to vector<16xi32>
        %gather3A_163 = tpu.vector_load_idx %arg9[%add3A_129, %broadcast_in_dim3A_162] : memref<800x16xf32, #tpu.memory_space<vmem>>[vector<16xi32>, vector<16xi32>], vector<16xf32>,
        %mul3A_164 = arith.mulf %gather3A_163, %gather3A : vector<16xf32>
        %broadcast_in_dim3A_165 = arith.constant 5 : i32
        %broadcast_in_dim3A_166 = vector.broadcast %broadcast_in_dim3A_165 : i32 to vector<16xi32>
        %gather3A_167 = tpu.vector_load_idx %arg9[%add3A_129, %broadcast_in_dim3A_166] : memref<800x16xf32, #tpu.memory_space<vmem>>[vector<16xi32>, vector<16xi32>], vector<16xf32>,
        %mul3A_168 = arith.mulf %gather3A_167, %gather3A_133 : vector<16xf32>
        %add3A_169 = arith.addf %mul3A_164, %mul3A_168 : vector<16xf32>
        %broadcast_in_dim3A_170 = arith.constant 9 : i32
        %broadcast_in_dim3A_171 = vector.broadcast %broadcast_in_dim3A_170 : i32 to vector<16xi32>
        %gather3A_172 = tpu.vector_load_idx %arg9[%add3A_129, %broadcast_in_dim3A_171] : memref<800x16xf32, #tpu.memory_space<vmem>>[vector<16xi32>, vector<16xi32>], vector<16xf32>,
        %mul3A_173 = arith.mulf %gather3A_172, %gather3A_136 : vector<16xf32>
        %add3A_174 = arith.addf %add3A_169, %mul3A_173 : vector<16xf32>
        %broadcast_in_dim3A_175 = arith.constant 13 : i32
        %broadcast_in_dim3A_176 = vector.broadcast %broadcast_in_dim3A_175 : i32 to vector<16xi32>
        %gather3A_177 = tpu.vector_load_idx %arg9[%add3A_129, %broadcast_in_dim3A_176] : memref<800x16xf32, #tpu.memory_space<vmem>>[vector<16xi32>, vector<16xi32>], vector<16xf32>,
        %mul3A_178 = arith.mulf %gather3A_177, %gather3A_139 : vector<16xf32>
        %add3A_179 = arith.addf %add3A_174, %mul3A_178 : vector<16xf32>
        %broadcast_in_dim3A_180 = arith.constant 1 : i32
        %broadcast_in_dim3A_181 = vector.broadcast %broadcast_in_dim3A_180 : i32 to vector<16xi32>
        tpu.vector_store_idx %arg17[%add3A_129, %broadcast_in_dim3A_181], %add3A_179 : memref<800x8xf32, #tpu.memory_space<vmem>>[vector<16xi32>, vector<16xi32>], vector<16xf32>,
        %broadcast_in_dim3A_182 = arith.constant 2 : i32
        %broadcast_in_dim3A_183 = vector.broadcast %broadcast_in_dim3A_182 : i32 to vector<16xi32>
        %gather3A_184 = tpu.vector_load_idx %arg9[%add3A_129, %broadcast_in_dim3A_183] : memref<800x16xf32, #tpu.memory_space<vmem>>[vector<16xi32>, vector<16xi32>], vector<16xf32>,
        %mul3A_185 = arith.mulf %gather3A_184, %gather3A : vector<16xf32>
        %broadcast_in_dim3A_186 = arith.constant 6 : i32
        %broadcast_in_dim3A_187 = vector.broadcast %broadcast_in_dim3A_186 : i32 to vector<16xi32>
        %gather3A_188 = tpu.vector_load_idx %arg9[%add3A_129, %broadcast_in_dim3A_187] : memref<800x16xf32, #tpu.memory_space<vmem>>[vector<16xi32>, vector<16xi32>], vector<16xf32>,
        %mul3A_189 = arith.mulf %gather3A_188, %gather3A_133 : vector<16xf32>
        %add3A_190 = arith.addf %mul3A_185, %mul3A_189 : vector<16xf32>
        %broadcast_in_dim3A_191 = arith.constant 10 : i32
        %broadcast_in_dim3A_192 = vector.broadcast %broadcast_in_dim3A_191 : i32 to vector<16xi32>
        %gather3A_193 = tpu.vector_load_idx %arg9[%add3A_129, %broadcast_in_dim3A_192] : memref<800x16xf32, #tpu.memory_space<vmem>>[vector<16xi32>, vector<16xi32>], vector<16xf32>,
        %mul3A_194 = arith.mulf %gather3A_193, %gather3A_136 : vector<16xf32>
        %add3A_195 = arith.addf %add3A_190, %mul3A_194 : vector<16xf32>
        %broadcast_in_dim3A_196 = arith.constant 14 : i32
        %broadcast_in_dim3A_197 = vector.broadcast %broadcast_in_dim3A_196 : i32 to vector<16xi32>
        %gather3A_198 = tpu.vector_load_idx %arg9[%add3A_129, %broadcast_in_dim3A_197] : memref<800x16xf32, #tpu.memory_space<vmem>>[vector<16xi32>, vector<16xi32>], vector<16xf32>,
        %mul3A_199 = arith.mulf %gather3A_198, %gather3A_139 : vector<16xf32>
        %add3A_200 = arith.addf %add3A_195, %mul3A_199 : vector<16xf32>
        %broadcast_in_dim3A_201 = arith.constant 2 : i32
        %broadcast_in_dim3A_202 = vector.broadcast %broadcast_in_dim3A_201 : i32 to vector<16xi32>
        tpu.vector_store_idx %arg17[%add3A_129, %broadcast_in_dim3A_202], %add3A_200 : memref<800x8xf32, #tpu.memory_space<vmem>>[vector<16xi32>, vector<16xi32>], vector<16xf32>,
        %broadcast_in_dim3A_203 = arith.constant 3 : i32
        %broadcast_in_dim3A_204 = vector.broadcast %broadcast_in_dim3A_203 : i32 to vector<16xi32>
        %gather3A_205 = tpu.vector_load_idx %arg9[%add3A_129, %broadcast_in_dim3A_204] : memref<800x16xf32, #tpu.memory_space<vmem>>[vector<16xi32>, vector<16xi32>], vector<16xf32>,
        %mul3A_206 = arith.mulf %gather3A_205, %gather3A : vector<16xf32>
        %broadcast_in_dim3A_207 = arith.constant 7 : i32
        %broadcast_in_dim3A_208 = vector.broadcast %broadcast_in_dim3A_207 : i32 to vector<16xi32>
        %gather3A_209 = tpu.vector_load_idx %arg9[%add3A_129, %broadcast_in_dim3A_208] : memref<800x16xf32, #tpu.memory_space<vmem>>[vector<16xi32>, vector<16xi32>], vector<16xf32>,
        %mul3A_210 = arith.mulf %gather3A_209, %gather3A_133 : vector<16xf32>
        %add3A_211 = arith.addf %mul3A_206, %mul3A_210 : vector<16xf32>
        %broadcast_in_dim3A_212 = arith.constant 11 : i32
        %broadcast_in_dim3A_213 = vector.broadcast %broadcast_in_dim3A_212 : i32 to vector<16xi32>
        %gather3A_214 = tpu.vector_load_idx %arg9[%add3A_129, %broadcast_in_dim3A_213] : memref<800x16xf32, #tpu.memory_space<vmem>>[vector<16xi32>, vector<16xi32>], vector<16xf32>,
        %mul3A_215 = arith.mulf %gather3A_214, %gather3A_136 : vector<16xf32>
        %add3A_216 = arith.addf %add3A_211, %mul3A_215 : vector<16xf32>
        %broadcast_in_dim3A_217 = arith.constant 15 : i32
        %broadcast_in_dim3A_218 = vector.broadcast %broadcast_in_dim3A_217 : i32 to vector<16xi32>
        %gather3A_219 = tpu.vector_load_idx %arg9[%add3A_129, %broadcast_in_dim3A_218] : memref<800x16xf32, #tpu.memory_space<vmem>>[vector<16xi32>, vector<16xi32>], vector<16xf32>,
        %mul3A_220 = arith.mulf %gather3A_219, %gather3A_139 : vector<16xf32>
        %add3A_221 = arith.addf %add3A_216, %mul3A_220 : vector<16xf32>
        %broadcast_in_dim3A_222 = arith.constant 3 : i32
        %broadcast_in_dim3A_223 = vector.broadcast %broadcast_in_dim3A_222 : i32 to vector<16xi32>
        tpu.vector_store_idx %arg17[%add3A_129, %broadcast_in_dim3A_223], %add3A_221 : memref<800x8xf32, #tpu.memory_space<vmem>>[vector<16xi32>, vector<16xi32>], vector<16xf32>,
      }
      %scan3A_79 = arith.constant 50 : i32
      "tpu.region"() ({
        %run_scoped3A = tpu.sem_alloc : memref<!tpu.dma_semaphore, #tpu.memory_space<semaphore_mem>>
        %dma_start3A_125 = arith.constant 0 : i32
        %dma_start3A_126 = arith.constant 0 : i32
        %dma_start3A_127 = tpu.memref_slice %arg8[%dma_start3A_125, %dma_start3A_126] : memref<100096x8xf32, #tpu.memory_space<vmem_shared>> -> memref<100096x8xf32, #tpu.memory_space<vmem_shared>>
        tpu.enqueue_indirect_dma source(%arg17 : memref<800x8xf32, #tpu.memory_space<vmem>>) target(%dma_start3A_127 : memref<100096x8xf32, #tpu.memory_space<vmem_shared>>) offsets(%arg13 : memref<800xi32, #tpu.memory_space<vmem>>) semaphore(%run_scoped3A : memref<!tpu.dma_semaphore, #tpu.memory_space<semaphore_mem>>) {add = true}
        %dma_wait3A_128 = arith.constant 0 : i32
        %dma_wait3A_129 = arith.constant 0 : i32
        %dma_wait3A_130 = tpu.memref_slice %arg8[%dma_wait3A_128, %dma_wait3A_129] : memref<100096x8xf32, #tpu.memory_space<vmem_shared>> -> memref<100096x8xf32, #tpu.memory_space<vmem_shared>>
        tpu.wait_indirect_dma semaphore(%run_scoped3A : memref<!tpu.dma_semaphore, #tpu.memory_space<semaphore_mem>>) src(%arg17 : memref<800x8xf32, #tpu.memory_space<vmem>>) dst(%dma_wait3A_130 : memref<100096x8xf32, #tpu.memory_space<vmem_shared>>)
        tpu.yield
      }) : () -> ()
      %add3A_80 = arith.constant 1600 : i32
      %add3A_81 = arith.addi %add3A_57, %add3A_80 : i32
      %mul3A_82 = arith.constant 2 : i32
      %mul3A_83 = arith.muli %mul3A_82, %scan3A_52 : i32
      %add3A_84 = arith.constant 0 : i32
      %add3A_85 = arith.addi %mul3A_83, %add3A_84 : i32
      %add3A_86 = arith.constant 2 : i32
      %add3A_87 = arith.addi %add3A_85, %add3A_86 : i32
      %lt3A = arith.constant 125 : i32
      %lt3A_88 = arith.cmpi slt, %add3A_87, %lt3A : i32
      %convert_element_type3A = arith.extui %lt3A_88 : i1 to i32
      %cond3A = arith.constant 0 : i32
      %cond3A_89 = arith.cmpi ne, %convert_element_type3A, %cond3A : i32
      scf.if %cond3A_89 {
        %dma_start3A_125 = arith.constant 0 : i32
        %dma_start3A_126 = tpu.memref_slice %arg5[%add3A_81, %dma_start3A_125] : memref<3200000x16xf32, #tpu.memory_space<hbm>> -> memref<800x16xf32, #tpu.memory_space<hbm>>
        %dma_start3A_127 = arith.constant 0 : i32
        %dma_start3A_128 = tpu.memref_slice %arg5[%add3A_81, %dma_start3A_127] : memref<3200000x16xf32, #tpu.memory_space<hbm>> -> memref<800x16xf32, #tpu.memory_space<hbm>>
        tpu.enqueue_dma source(%dma_start3A_128 : memref<800x16xf32, #tpu.memory_space<hbm>>) target(%arg9 : memref<800x16xf32, #tpu.memory_space<vmem>>) target_semaphore(%arg18 : memref<!tpu.dma_semaphore, #tpu.memory_space<semaphore_mem>>)
        %dma_start3A_129 = tpu.memref_slice %arg3[%add3A_81] : memref<3200000xi32, #tpu.memory_space<hbm>> -> memref<800xi32, #tpu.memory_space<hbm>>
        %dma_start3A_130 = tpu.memref_slice %arg3[%add3A_81] : memref<3200000xi32, #tpu.memory_space<hbm>> -> memref<800xi32, #tpu.memory_space<hbm>>
        tpu.enqueue_dma source(%dma_start3A_130 : memref<800xi32, #tpu.memory_space<hbm>>) target(%arg11 : memref<800xi32, #tpu.memory_space<vmem>>) target_semaphore(%arg18 : memref<!tpu.dma_semaphore, #tpu.memory_space<semaphore_mem>>)
        %dma_start3A_131 = tpu.memref_slice %arg4[%add3A_81] : memref<3200000xi32, #tpu.memory_space<hbm>> -> memref<800xi32, #tpu.memory_space<hbm>>
        %dma_start3A_132 = tpu.memref_slice %arg4[%add3A_81] : memref<3200000xi32, #tpu.memory_space<hbm>> -> memref<800xi32, #tpu.memory_space<hbm>>
        tpu.enqueue_dma source(%dma_start3A_132 : memref<800xi32, #tpu.memory_space<hbm>>) target(%arg13 : memref<800xi32, #tpu.memory_space<vmem>>) target_semaphore(%arg18 : memref<!tpu.dma_semaphore, #tpu.memory_space<semaphore_mem>>)
      } else {
      }
      %add3A_90 = arith.constant 800 : i32
      %add3A_91 = arith.addi %add3A_57, %add3A_90 : i32
      %dma_wait3A_92 = arith.constant 0 : i32
      %dma_wait3A_93 = tpu.memref_slice %arg5[%add3A_91, %dma_wait3A_92] : memref<3200000x16xf32, #tpu.memory_space<hbm>> -> memref<800x16xf32, #tpu.memory_space<hbm>>
      %dma_wait3A_94 = arith.constant 0 : i32
      %dma_wait3A_95 = tpu.memref_slice %arg5[%add3A_91, %dma_wait3A_94] : memref<3200000x16xf32, #tpu.memory_space<hbm>> -> memref<800x16xf32, #tpu.memory_space<hbm>>
      tpu.wait_dma2 semaphore(%arg19 : memref<!tpu.dma_semaphore, #tpu.memory_space<semaphore_mem>>) src(%dma_wait3A_95 : memref<800x16xf32, #tpu.memory_space<hbm>>) dst(%arg10 : memref<800x16xf32, #tpu.memory_space<vmem>>)
      %dma_wait3A_96 = tpu.memref_slice %arg3[%add3A_91] : memref<3200000xi32, #tpu.memory_space<hbm>> -> memref<800xi32, #tpu.memory_space<hbm>>
      %dma_wait3A_97 = tpu.memref_slice %arg3[%add3A_91] : memref<3200000xi32, #tpu.memory_space<hbm>> -> memref<800xi32, #tpu.memory_space<hbm>>
      tpu.wait_dma2 semaphore(%arg19 : memref<!tpu.dma_semaphore, #tpu.memory_space<semaphore_mem>>) src(%dma_wait3A_97 : memref<800xi32, #tpu.memory_space<hbm>>) dst(%arg12 : memref<800xi32, #tpu.memory_space<vmem>>)
      %dma_wait3A_98 = tpu.memref_slice %arg4[%add3A_91] : memref<3200000xi32, #tpu.memory_space<hbm>> -> memref<800xi32, #tpu.memory_space<hbm>>
      %dma_wait3A_99 = tpu.memref_slice %arg4[%add3A_91] : memref<3200000xi32, #tpu.memory_space<hbm>> -> memref<800xi32, #tpu.memory_space<hbm>>
      tpu.wait_dma2 semaphore(%arg19 : memref<!tpu.dma_semaphore, #tpu.memory_space<semaphore_mem>>) src(%dma_wait3A_99 : memref<800xi32, #tpu.memory_space<hbm>>) dst(%arg14 : memref<800xi32, #tpu.memory_space<vmem>>)
      %dma_start3A_100 = arith.constant 0 : i32
      %dma_start3A_101 = arith.constant 0 : i32
      %dma_start3A_102 = tpu.memref_slice %arg2[%dma_start3A_100, %dma_start3A_101] : memref<100096x8xf32, #tpu.memory_space<hbm>> -> memref<100096x8xf32, #tpu.memory_space<hbm>>
      tpu.enqueue_indirect_dma source(%dma_start3A_102 : memref<100096x8xf32, #tpu.memory_space<hbm>>) target(%arg16 : memref<800x8xf32, #tpu.memory_space<vmem>>) offsets(%arg12 : memref<800xi32, #tpu.memory_space<vmem>>) semaphore(%arg20 : memref<!tpu.dma_semaphore, #tpu.memory_space<semaphore_mem>>)
      %dma_wait3A_103 = arith.constant 0 : i32
      %dma_wait3A_104 = arith.constant 0 : i32
      %dma_wait3A_105 = tpu.memref_slice %arg2[%dma_wait3A_103, %dma_wait3A_104] : memref<100096x8xf32, #tpu.memory_space<hbm>> -> memref<100096x8xf32, #tpu.memory_space<hbm>>
      tpu.wait_indirect_dma semaphore(%arg20 : memref<!tpu.dma_semaphore, #tpu.memory_space<semaphore_mem>>) src(%dma_wait3A_105 : memref<100096x8xf32, #tpu.memory_space<hbm>>) dst(%arg16 : memref<800x8xf32, #tpu.memory_space<vmem>>)
      %scan3A_106 = arith.constant 0 : i32
      %scan3A_107 = arith.constant 0 : i32
      %scan3A_108 = arith.constant 50 : i32
      %scan3A_109 = arith.addi %scan3A_107, %scan3A_108 : i32
      %scan3A_110 = arith.constant 1 : i32
      scf.for %scan3A_125 = %scan3A_107 to %scan3A_109 step %scan3A_110  : i32 {
        %mul3A_126 = arith.constant 16 : i32
        %mul3A_127 = arith.muli %scan3A_125, %mul3A_126 : i32
        %add3A_128 = vector.broadcast %mul3A_127 : i32 to vector<16xi32>
        %add3A_129 = arith.addi %add3A_128, %iota3A : vector<16xi32>
        %broadcast_in_dim3A = arith.constant 0 : i32
        %broadcast_in_dim3A_130 = vector.broadcast %broadcast_in_dim3A : i32 to vector<16xi32>
        %gather3A = tpu.vector_load_idx %arg16[%add3A_129, %broadcast_in_dim3A_130] : memref<800x8xf32, #tpu.memory_space<vmem>>[vector<16xi32>, vector<16xi32>], vector<16xf32>,
        %broadcast_in_dim3A_131 = arith.constant 1 : i32
        %broadcast_in_dim3A_132 = vector.broadcast %broadcast_in_dim3A_131 : i32 to vector<16xi32>
        %gather3A_133 = tpu.vector_load_idx %arg16[%add3A_129, %broadcast_in_dim3A_132] : memref<800x8xf32, #tpu.memory_space<vmem>>[vector<16xi32>, vector<16xi32>], vector<16xf32>,
        %broadcast_in_dim3A_134 = arith.constant 2 : i32
        %broadcast_in_dim3A_135 = vector.broadcast %broadcast_in_dim3A_134 : i32 to vector<16xi32>
        %gather3A_136 = tpu.vector_load_idx %arg16[%add3A_129, %broadcast_in_dim3A_135] : memref<800x8xf32, #tpu.memory_space<vmem>>[vector<16xi32>, vector<16xi32>], vector<16xf32>,
        %broadcast_in_dim3A_137 = arith.constant 3 : i32
        %broadcast_in_dim3A_138 = vector.broadcast %broadcast_in_dim3A_137 : i32 to vector<16xi32>
        %gather3A_139 = tpu.vector_load_idx %arg16[%add3A_129, %broadcast_in_dim3A_138] : memref<800x8xf32, #tpu.memory_space<vmem>>[vector<16xi32>, vector<16xi32>], vector<16xf32>,
        %broadcast_in_dim3A_140 = arith.constant 0 : i32
        %broadcast_in_dim3A_141 = vector.broadcast %broadcast_in_dim3A_140 : i32 to vector<16xi32>
        %gather3A_142 = tpu.vector_load_idx %arg10[%add3A_129, %broadcast_in_dim3A_141] : memref<800x16xf32, #tpu.memory_space<vmem>>[vector<16xi32>, vector<16xi32>], vector<16xf32>,
        %mul3A_143 = arith.mulf %gather3A_142, %gather3A : vector<16xf32>
        %broadcast_in_dim3A_144 = arith.constant 4 : i32
        %broadcast_in_dim3A_145 = vector.broadcast %broadcast_in_dim3A_144 : i32 to vector<16xi32>
        %gather3A_146 = tpu.vector_load_idx %arg10[%add3A_129, %broadcast_in_dim3A_145] : memref<800x16xf32, #tpu.memory_space<vmem>>[vector<16xi32>, vector<16xi32>], vector<16xf32>,
        %mul3A_147 = arith.mulf %gather3A_146, %gather3A_133 : vector<16xf32>
        %add3A_148 = arith.addf %mul3A_143, %mul3A_147 : vector<16xf32>
        %broadcast_in_dim3A_149 = arith.constant 8 : i32
        %broadcast_in_dim3A_150 = vector.broadcast %broadcast_in_dim3A_149 : i32 to vector<16xi32>
        %gather3A_151 = tpu.vector_load_idx %arg10[%add3A_129, %broadcast_in_dim3A_150] : memref<800x16xf32, #tpu.memory_space<vmem>>[vector<16xi32>, vector<16xi32>], vector<16xf32>,
        %mul3A_152 = arith.mulf %gather3A_151, %gather3A_136 : vector<16xf32>
        %add3A_153 = arith.addf %add3A_148, %mul3A_152 : vector<16xf32>
        %broadcast_in_dim3A_154 = arith.constant 12 : i32
        %broadcast_in_dim3A_155 = vector.broadcast %broadcast_in_dim3A_154 : i32 to vector<16xi32>
        %gather3A_156 = tpu.vector_load_idx %arg10[%add3A_129, %broadcast_in_dim3A_155] : memref<800x16xf32, #tpu.memory_space<vmem>>[vector<16xi32>, vector<16xi32>], vector<16xf32>,
        %mul3A_157 = arith.mulf %gather3A_156, %gather3A_139 : vector<16xf32>
        %add3A_158 = arith.addf %add3A_153, %mul3A_157 : vector<16xf32>
        %broadcast_in_dim3A_159 = arith.constant 0 : i32
        %broadcast_in_dim3A_160 = vector.broadcast %broadcast_in_dim3A_159 : i32 to vector<16xi32>
        tpu.vector_store_idx %arg17[%add3A_129, %broadcast_in_dim3A_160], %add3A_158 : memref<800x8xf32, #tpu.memory_space<vmem>>[vector<16xi32>, vector<16xi32>], vector<16xf32>,
        %broadcast_in_dim3A_161 = arith.constant 1 : i32
        %broadcast_in_dim3A_162 = vector.broadcast %broadcast_in_dim3A_161 : i32 to vector<16xi32>
        %gather3A_163 = tpu.vector_load_idx %arg10[%add3A_129, %broadcast_in_dim3A_162] : memref<800x16xf32, #tpu.memory_space<vmem>>[vector<16xi32>, vector<16xi32>], vector<16xf32>,
        %mul3A_164 = arith.mulf %gather3A_163, %gather3A : vector<16xf32>
        %broadcast_in_dim3A_165 = arith.constant 5 : i32
        %broadcast_in_dim3A_166 = vector.broadcast %broadcast_in_dim3A_165 : i32 to vector<16xi32>
        %gather3A_167 = tpu.vector_load_idx %arg10[%add3A_129, %broadcast_in_dim3A_166] : memref<800x16xf32, #tpu.memory_space<vmem>>[vector<16xi32>, vector<16xi32>], vector<16xf32>,
        %mul3A_168 = arith.mulf %gather3A_167, %gather3A_133 : vector<16xf32>
        %add3A_169 = arith.addf %mul3A_164, %mul3A_168 : vector<16xf32>
        %broadcast_in_dim3A_170 = arith.constant 9 : i32
        %broadcast_in_dim3A_171 = vector.broadcast %broadcast_in_dim3A_170 : i32 to vector<16xi32>
        %gather3A_172 = tpu.vector_load_idx %arg10[%add3A_129, %broadcast_in_dim3A_171] : memref<800x16xf32, #tpu.memory_space<vmem>>[vector<16xi32>, vector<16xi32>], vector<16xf32>,
        %mul3A_173 = arith.mulf %gather3A_172, %gather3A_136 : vector<16xf32>
        %add3A_174 = arith.addf %add3A_169, %mul3A_173 : vector<16xf32>
        %broadcast_in_dim3A_175 = arith.constant 13 : i32
        %broadcast_in_dim3A_176 = vector.broadcast %broadcast_in_dim3A_175 : i32 to vector<16xi32>
        %gather3A_177 = tpu.vector_load_idx %arg10[%add3A_129, %broadcast_in_dim3A_176] : memref<800x16xf32, #tpu.memory_space<vmem>>[vector<16xi32>, vector<16xi32>], vector<16xf32>,
        %mul3A_178 = arith.mulf %gather3A_177, %gather3A_139 : vector<16xf32>
        %add3A_179 = arith.addf %add3A_174, %mul3A_178 : vector<16xf32>
        %broadcast_in_dim3A_180 = arith.constant 1 : i32
        %broadcast_in_dim3A_181 = vector.broadcast %broadcast_in_dim3A_180 : i32 to vector<16xi32>
        tpu.vector_store_idx %arg17[%add3A_129, %broadcast_in_dim3A_181], %add3A_179 : memref<800x8xf32, #tpu.memory_space<vmem>>[vector<16xi32>, vector<16xi32>], vector<16xf32>,
        %broadcast_in_dim3A_182 = arith.constant 2 : i32
        %broadcast_in_dim3A_183 = vector.broadcast %broadcast_in_dim3A_182 : i32 to vector<16xi32>
        %gather3A_184 = tpu.vector_load_idx %arg10[%add3A_129, %broadcast_in_dim3A_183] : memref<800x16xf32, #tpu.memory_space<vmem>>[vector<16xi32>, vector<16xi32>], vector<16xf32>,
        %mul3A_185 = arith.mulf %gather3A_184, %gather3A : vector<16xf32>
        %broadcast_in_dim3A_186 = arith.constant 6 : i32
        %broadcast_in_dim3A_187 = vector.broadcast %broadcast_in_dim3A_186 : i32 to vector<16xi32>
        %gather3A_188 = tpu.vector_load_idx %arg10[%add3A_129, %broadcast_in_dim3A_187] : memref<800x16xf32, #tpu.memory_space<vmem>>[vector<16xi32>, vector<16xi32>], vector<16xf32>,
        %mul3A_189 = arith.mulf %gather3A_188, %gather3A_133 : vector<16xf32>
        %add3A_190 = arith.addf %mul3A_185, %mul3A_189 : vector<16xf32>
        %broadcast_in_dim3A_191 = arith.constant 10 : i32
        %broadcast_in_dim3A_192 = vector.broadcast %broadcast_in_dim3A_191 : i32 to vector<16xi32>
        %gather3A_193 = tpu.vector_load_idx %arg10[%add3A_129, %broadcast_in_dim3A_192] : memref<800x16xf32, #tpu.memory_space<vmem>>[vector<16xi32>, vector<16xi32>], vector<16xf32>,
        %mul3A_194 = arith.mulf %gather3A_193, %gather3A_136 : vector<16xf32>
        %add3A_195 = arith.addf %add3A_190, %mul3A_194 : vector<16xf32>
        %broadcast_in_dim3A_196 = arith.constant 14 : i32
        %broadcast_in_dim3A_197 = vector.broadcast %broadcast_in_dim3A_196 : i32 to vector<16xi32>
        %gather3A_198 = tpu.vector_load_idx %arg10[%add3A_129, %broadcast_in_dim3A_197] : memref<800x16xf32, #tpu.memory_space<vmem>>[vector<16xi32>, vector<16xi32>], vector<16xf32>,
        %mul3A_199 = arith.mulf %gather3A_198, %gather3A_139 : vector<16xf32>
        %add3A_200 = arith.addf %add3A_195, %mul3A_199 : vector<16xf32>
        %broadcast_in_dim3A_201 = arith.constant 2 : i32
        %broadcast_in_dim3A_202 = vector.broadcast %broadcast_in_dim3A_201 : i32 to vector<16xi32>
        tpu.vector_store_idx %arg17[%add3A_129, %broadcast_in_dim3A_202], %add3A_200 : memref<800x8xf32, #tpu.memory_space<vmem>>[vector<16xi32>, vector<16xi32>], vector<16xf32>,
        %broadcast_in_dim3A_203 = arith.constant 3 : i32
        %broadcast_in_dim3A_204 = vector.broadcast %broadcast_in_dim3A_203 : i32 to vector<16xi32>
        %gather3A_205 = tpu.vector_load_idx %arg10[%add3A_129, %broadcast_in_dim3A_204] : memref<800x16xf32, #tpu.memory_space<vmem>>[vector<16xi32>, vector<16xi32>], vector<16xf32>,
        %mul3A_206 = arith.mulf %gather3A_205, %gather3A : vector<16xf32>
        %broadcast_in_dim3A_207 = arith.constant 7 : i32
        %broadcast_in_dim3A_208 = vector.broadcast %broadcast_in_dim3A_207 : i32 to vector<16xi32>
        %gather3A_209 = tpu.vector_load_idx %arg10[%add3A_129, %broadcast_in_dim3A_208] : memref<800x16xf32, #tpu.memory_space<vmem>>[vector<16xi32>, vector<16xi32>], vector<16xf32>,
        %mul3A_210 = arith.mulf %gather3A_209, %gather3A_133 : vector<16xf32>
        %add3A_211 = arith.addf %mul3A_206, %mul3A_210 : vector<16xf32>
        %broadcast_in_dim3A_212 = arith.constant 11 : i32
        %broadcast_in_dim3A_213 = vector.broadcast %broadcast_in_dim3A_212 : i32 to vector<16xi32>
        %gather3A_214 = tpu.vector_load_idx %arg10[%add3A_129, %broadcast_in_dim3A_213] : memref<800x16xf32, #tpu.memory_space<vmem>>[vector<16xi32>, vector<16xi32>], vector<16xf32>,
        %mul3A_215 = arith.mulf %gather3A_214, %gather3A_136 : vector<16xf32>
        %add3A_216 = arith.addf %add3A_211, %mul3A_215 : vector<16xf32>
        %broadcast_in_dim3A_217 = arith.constant 15 : i32
        %broadcast_in_dim3A_218 = vector.broadcast %broadcast_in_dim3A_217 : i32 to vector<16xi32>
        %gather3A_219 = tpu.vector_load_idx %arg10[%add3A_129, %broadcast_in_dim3A_218] : memref<800x16xf32, #tpu.memory_space<vmem>>[vector<16xi32>, vector<16xi32>], vector<16xf32>,
        %mul3A_220 = arith.mulf %gather3A_219, %gather3A_139 : vector<16xf32>
        %add3A_221 = arith.addf %add3A_216, %mul3A_220 : vector<16xf32>
        %broadcast_in_dim3A_222 = arith.constant 3 : i32
        %broadcast_in_dim3A_223 = vector.broadcast %broadcast_in_dim3A_222 : i32 to vector<16xi32>
        tpu.vector_store_idx %arg17[%add3A_129, %broadcast_in_dim3A_223], %add3A_221 : memref<800x8xf32, #tpu.memory_space<vmem>>[vector<16xi32>, vector<16xi32>], vector<16xf32>,
      }
      %scan3A_111 = arith.constant 50 : i32
      "tpu.region"() ({
        %run_scoped3A = tpu.sem_alloc : memref<!tpu.dma_semaphore, #tpu.memory_space<semaphore_mem>>
        %dma_start3A_125 = arith.constant 0 : i32
        %dma_start3A_126 = arith.constant 0 : i32
        %dma_start3A_127 = tpu.memref_slice %arg8[%dma_start3A_125, %dma_start3A_126] : memref<100096x8xf32, #tpu.memory_space<vmem_shared>> -> memref<100096x8xf32, #tpu.memory_space<vmem_shared>>
        tpu.enqueue_indirect_dma source(%arg17 : memref<800x8xf32, #tpu.memory_space<vmem>>) target(%dma_start3A_127 : memref<100096x8xf32, #tpu.memory_space<vmem_shared>>) offsets(%arg14 : memref<800xi32, #tpu.memory_space<vmem>>) semaphore(%run_scoped3A : memref<!tpu.dma_semaphore, #tpu.memory_space<semaphore_mem>>) {add = true}
        %dma_wait3A_128 = arith.constant 0 : i32
        %dma_wait3A_129 = arith.constant 0 : i32
        %dma_wait3A_130 = tpu.memref_slice %arg8[%dma_wait3A_128, %dma_wait3A_129] : memref<100096x8xf32, #tpu.memory_space<vmem_shared>> -> memref<100096x8xf32, #tpu.memory_space<vmem_shared>>
        tpu.wait_indirect_dma semaphore(%run_scoped3A : memref<!tpu.dma_semaphore, #tpu.memory_space<semaphore_mem>>) src(%arg17 : memref<800x8xf32, #tpu.memory_space<vmem>>) dst(%dma_wait3A_130 : memref<100096x8xf32, #tpu.memory_space<vmem_shared>>)
        tpu.yield
      }) : () -> ()
      %add3A_112 = arith.constant 2400 : i32
      %add3A_113 = arith.addi %add3A_57, %add3A_112 : i32
      %mul3A_114 = arith.constant 2 : i32
      %mul3A_115 = arith.muli %mul3A_114, %scan3A_52 : i32
      %add3A_116 = arith.constant 1 : i32
      %add3A_117 = arith.addi %mul3A_115, %add3A_116 : i32
      %add3A_118 = arith.constant 2 : i32
      %add3A_119 = arith.addi %add3A_117, %add3A_118 : i32
      %lt3A_120 = arith.constant 125 : i32
      %lt3A_121 = arith.cmpi slt, %add3A_119, %lt3A_120 : i32
      %convert_element_type3A_122 = arith.extui %lt3A_121 : i1 to i32
      %cond3A_123 = arith.constant 0 : i32
      %cond3A_124 = arith.cmpi ne, %convert_element_type3A_122, %cond3A_123 : i32
      scf.if %cond3A_124 {
        %dma_start3A_125 = arith.constant 0 : i32
        %dma_start3A_126 = tpu.memref_slice %arg5[%add3A_113, %dma_start3A_125] : memref<3200000x16xf32, #tpu.memory_space<hbm>> -> memref<800x16xf32, #tpu.memory_space<hbm>>
        %dma_start3A_127 = arith.constant 0 : i32
        %dma_start3A_128 = tpu.memref_slice %arg5[%add3A_113, %dma_start3A_127] : memref<3200000x16xf32, #tpu.memory_space<hbm>> -> memref<800x16xf32, #tpu.memory_space<hbm>>
        tpu.enqueue_dma source(%dma_start3A_128 : memref<800x16xf32, #tpu.memory_space<hbm>>) target(%arg10 : memref<800x16xf32, #tpu.memory_space<vmem>>) target_semaphore(%arg19 : memref<!tpu.dma_semaphore, #tpu.memory_space<semaphore_mem>>)
        %dma_start3A_129 = tpu.memref_slice %arg3[%add3A_113] : memref<3200000xi32, #tpu.memory_space<hbm>> -> memref<800xi32, #tpu.memory_space<hbm>>
        %dma_start3A_130 = tpu.memref_slice %arg3[%add3A_113] : memref<3200000xi32, #tpu.memory_space<hbm>> -> memref<800xi32, #tpu.memory_space<hbm>>
        tpu.enqueue_dma source(%dma_start3A_130 : memref<800xi32, #tpu.memory_space<hbm>>) target(%arg12 : memref<800xi32, #tpu.memory_space<vmem>>) target_semaphore(%arg19 : memref<!tpu.dma_semaphore, #tpu.memory_space<semaphore_mem>>)
        %dma_start3A_131 = tpu.memref_slice %arg4[%add3A_113] : memref<3200000xi32, #tpu.memory_space<hbm>> -> memref<800xi32, #tpu.memory_space<hbm>>
        %dma_start3A_132 = tpu.memref_slice %arg4[%add3A_113] : memref<3200000xi32, #tpu.memory_space<hbm>> -> memref<800xi32, #tpu.memory_space<hbm>>
        tpu.enqueue_dma source(%dma_start3A_132 : memref<800xi32, #tpu.memory_space<hbm>>) target(%arg14 : memref<800xi32, #tpu.memory_space<vmem>>) target_semaphore(%arg19 : memref<!tpu.dma_semaphore, #tpu.memory_space<semaphore_mem>>)
      } else {
      }
    }
    %scan3A_26 = arith.constant 62 : i32
    %add3A_27 = arith.constant 99200 : i32
    %add3A_28 = arith.addi %mul3A_4, %add3A_27 : i32
    %dma_wait3A = arith.constant 0 : i32
    %dma_wait3A_29 = tpu.memref_slice %arg5[%add3A_28, %dma_wait3A] : memref<3200000x16xf32, #tpu.memory_space<hbm>> -> memref<800x16xf32, #tpu.memory_space<hbm>>
    %dma_wait3A_30 = arith.constant 0 : i32
    %dma_wait3A_31 = tpu.memref_slice %arg5[%add3A_28, %dma_wait3A_30] : memref<3200000x16xf32, #tpu.memory_space<hbm>> -> memref<800x16xf32, #tpu.memory_space<hbm>>
    tpu.wait_dma2 semaphore(%arg18 : memref<!tpu.dma_semaphore, #tpu.memory_space<semaphore_mem>>) src(%dma_wait3A_31 : memref<800x16xf32, #tpu.memory_space<hbm>>) dst(%arg9 : memref<800x16xf32, #tpu.memory_space<vmem>>)
    %dma_wait3A_32 = tpu.memref_slice %arg3[%add3A_28] : memref<3200000xi32, #tpu.memory_space<hbm>> -> memref<800xi32, #tpu.memory_space<hbm>>
    %dma_wait3A_33 = tpu.memref_slice %arg3[%add3A_28] : memref<3200000xi32, #tpu.memory_space<hbm>> -> memref<800xi32, #tpu.memory_space<hbm>>
    tpu.wait_dma2 semaphore(%arg18 : memref<!tpu.dma_semaphore, #tpu.memory_space<semaphore_mem>>) src(%dma_wait3A_33 : memref<800xi32, #tpu.memory_space<hbm>>) dst(%arg11 : memref<800xi32, #tpu.memory_space<vmem>>)
    %dma_wait3A_34 = tpu.memref_slice %arg4[%add3A_28] : memref<3200000xi32, #tpu.memory_space<hbm>> -> memref<800xi32, #tpu.memory_space<hbm>>
    %dma_wait3A_35 = tpu.memref_slice %arg4[%add3A_28] : memref<3200000xi32, #tpu.memory_space<hbm>> -> memref<800xi32, #tpu.memory_space<hbm>>
    tpu.wait_dma2 semaphore(%arg18 : memref<!tpu.dma_semaphore, #tpu.memory_space<semaphore_mem>>) src(%dma_wait3A_35 : memref<800xi32, #tpu.memory_space<hbm>>) dst(%arg13 : memref<800xi32, #tpu.memory_space<vmem>>)
    %dma_start3A_36 = arith.constant 0 : i32
    %dma_start3A_37 = arith.constant 0 : i32
    %dma_start3A_38 = tpu.memref_slice %arg2[%dma_start3A_36, %dma_start3A_37] : memref<100096x8xf32, #tpu.memory_space<hbm>> -> memref<100096x8xf32, #tpu.memory_space<hbm>>
    tpu.enqueue_indirect_dma source(%dma_start3A_38 : memref<100096x8xf32, #tpu.memory_space<hbm>>) target(%arg15 : memref<800x8xf32, #tpu.memory_space<vmem>>) offsets(%arg11 : memref<800xi32, #tpu.memory_space<vmem>>) semaphore(%arg20 : memref<!tpu.dma_semaphore, #tpu.memory_space<semaphore_mem>>)
    %dma_wait3A_39 = arith.constant 0 : i32
    %dma_wait3A_40 = arith.constant 0 : i32
    %dma_wait3A_41 = tpu.memref_slice %arg2[%dma_wait3A_39, %dma_wait3A_40] : memref<100096x8xf32, #tpu.memory_space<hbm>> -> memref<100096x8xf32, #tpu.memory_space<hbm>>
    tpu.wait_indirect_dma semaphore(%arg20 : memref<!tpu.dma_semaphore, #tpu.memory_space<semaphore_mem>>) src(%dma_wait3A_41 : memref<100096x8xf32, #tpu.memory_space<hbm>>) dst(%arg15 : memref<800x8xf32, #tpu.memory_space<vmem>>)
    %scan3A_42 = arith.constant 0 : i32
    %scan3A_43 = arith.constant 0 : i32
    %scan3A_44 = arith.constant 50 : i32
    %scan3A_45 = arith.addi %scan3A_43, %scan3A_44 : i32
    %scan3A_46 = arith.constant 1 : i32
    scf.for %scan3A_52 = %scan3A_43 to %scan3A_45 step %scan3A_46  : i32 {
      %mul3A_53 = arith.constant 16 : i32
      %mul3A_54 = arith.muli %scan3A_52, %mul3A_53 : i32
      %add3A_55 = vector.broadcast %mul3A_54 : i32 to vector<16xi32>
      %add3A_56 = arith.addi %add3A_55, %iota3A : vector<16xi32>
      %broadcast_in_dim3A = arith.constant 0 : i32
      %broadcast_in_dim3A_57 = vector.broadcast %broadcast_in_dim3A : i32 to vector<16xi32>
      %gather3A = tpu.vector_load_idx %arg15[%add3A_56, %broadcast_in_dim3A_57] : memref<800x8xf32, #tpu.memory_space<vmem>>[vector<16xi32>, vector<16xi32>], vector<16xf32>,
      %broadcast_in_dim3A_58 = arith.constant 1 : i32
      %broadcast_in_dim3A_59 = vector.broadcast %broadcast_in_dim3A_58 : i32 to vector<16xi32>
      %gather3A_60 = tpu.vector_load_idx %arg15[%add3A_56, %broadcast_in_dim3A_59] : memref<800x8xf32, #tpu.memory_space<vmem>>[vector<16xi32>, vector<16xi32>], vector<16xf32>,
      %broadcast_in_dim3A_61 = arith.constant 2 : i32
      %broadcast_in_dim3A_62 = vector.broadcast %broadcast_in_dim3A_61 : i32 to vector<16xi32>
      %gather3A_63 = tpu.vector_load_idx %arg15[%add3A_56, %broadcast_in_dim3A_62] : memref<800x8xf32, #tpu.memory_space<vmem>>[vector<16xi32>, vector<16xi32>], vector<16xf32>,
      %broadcast_in_dim3A_64 = arith.constant 3 : i32
      %broadcast_in_dim3A_65 = vector.broadcast %broadcast_in_dim3A_64 : i32 to vector<16xi32>
      %gather3A_66 = tpu.vector_load_idx %arg15[%add3A_56, %broadcast_in_dim3A_65] : memref<800x8xf32, #tpu.memory_space<vmem>>[vector<16xi32>, vector<16xi32>], vector<16xf32>,
      %broadcast_in_dim3A_67 = arith.constant 0 : i32
      %broadcast_in_dim3A_68 = vector.broadcast %broadcast_in_dim3A_67 : i32 to vector<16xi32>
      %gather3A_69 = tpu.vector_load_idx %arg9[%add3A_56, %broadcast_in_dim3A_68] : memref<800x16xf32, #tpu.memory_space<vmem>>[vector<16xi32>, vector<16xi32>], vector<16xf32>,
      %mul3A_70 = arith.mulf %gather3A_69, %gather3A : vector<16xf32>
      %broadcast_in_dim3A_71 = arith.constant 4 : i32
      %broadcast_in_dim3A_72 = vector.broadcast %broadcast_in_dim3A_71 : i32 to vector<16xi32>
      %gather3A_73 = tpu.vector_load_idx %arg9[%add3A_56, %broadcast_in_dim3A_72] : memref<800x16xf32, #tpu.memory_space<vmem>>[vector<16xi32>, vector<16xi32>], vector<16xf32>,
      %mul3A_74 = arith.mulf %gather3A_73, %gather3A_60 : vector<16xf32>
      %add3A_75 = arith.addf %mul3A_70, %mul3A_74 : vector<16xf32>
      %broadcast_in_dim3A_76 = arith.constant 8 : i32
      %broadcast_in_dim3A_77 = vector.broadcast %broadcast_in_dim3A_76 : i32 to vector<16xi32>
      %gather3A_78 = tpu.vector_load_idx %arg9[%add3A_56, %broadcast_in_dim3A_77] : memref<800x16xf32, #tpu.memory_space<vmem>>[vector<16xi32>, vector<16xi32>], vector<16xf32>,
      %mul3A_79 = arith.mulf %gather3A_78, %gather3A_63 : vector<16xf32>
      %add3A_80 = arith.addf %add3A_75, %mul3A_79 : vector<16xf32>
      %broadcast_in_dim3A_81 = arith.constant 12 : i32
      %broadcast_in_dim3A_82 = vector.broadcast %broadcast_in_dim3A_81 : i32 to vector<16xi32>
      %gather3A_83 = tpu.vector_load_idx %arg9[%add3A_56, %broadcast_in_dim3A_82] : memref<800x16xf32, #tpu.memory_space<vmem>>[vector<16xi32>, vector<16xi32>], vector<16xf32>,
      %mul3A_84 = arith.mulf %gather3A_83, %gather3A_66 : vector<16xf32>
      %add3A_85 = arith.addf %add3A_80, %mul3A_84 : vector<16xf32>
      %broadcast_in_dim3A_86 = arith.constant 0 : i32
      %broadcast_in_dim3A_87 = vector.broadcast %broadcast_in_dim3A_86 : i32 to vector<16xi32>
      tpu.vector_store_idx %arg17[%add3A_56, %broadcast_in_dim3A_87], %add3A_85 : memref<800x8xf32, #tpu.memory_space<vmem>>[vector<16xi32>, vector<16xi32>], vector<16xf32>,
      %broadcast_in_dim3A_88 = arith.constant 1 : i32
      %broadcast_in_dim3A_89 = vector.broadcast %broadcast_in_dim3A_88 : i32 to vector<16xi32>
      %gather3A_90 = tpu.vector_load_idx %arg9[%add3A_56, %broadcast_in_dim3A_89] : memref<800x16xf32, #tpu.memory_space<vmem>>[vector<16xi32>, vector<16xi32>], vector<16xf32>,
      %mul3A_91 = arith.mulf %gather3A_90, %gather3A : vector<16xf32>
      %broadcast_in_dim3A_92 = arith.constant 5 : i32
      %broadcast_in_dim3A_93 = vector.broadcast %broadcast_in_dim3A_92 : i32 to vector<16xi32>
      %gather3A_94 = tpu.vector_load_idx %arg9[%add3A_56, %broadcast_in_dim3A_93] : memref<800x16xf32, #tpu.memory_space<vmem>>[vector<16xi32>, vector<16xi32>], vector<16xf32>,
      %mul3A_95 = arith.mulf %gather3A_94, %gather3A_60 : vector<16xf32>
      %add3A_96 = arith.addf %mul3A_91, %mul3A_95 : vector<16xf32>
      %broadcast_in_dim3A_97 = arith.constant 9 : i32
      %broadcast_in_dim3A_98 = vector.broadcast %broadcast_in_dim3A_97 : i32 to vector<16xi32>
      %gather3A_99 = tpu.vector_load_idx %arg9[%add3A_56, %broadcast_in_dim3A_98] : memref<800x16xf32, #tpu.memory_space<vmem>>[vector<16xi32>, vector<16xi32>], vector<16xf32>,
      %mul3A_100 = arith.mulf %gather3A_99, %gather3A_63 : vector<16xf32>
      %add3A_101 = arith.addf %add3A_96, %mul3A_100 : vector<16xf32>
      %broadcast_in_dim3A_102 = arith.constant 13 : i32
      %broadcast_in_dim3A_103 = vector.broadcast %broadcast_in_dim3A_102 : i32 to vector<16xi32>
      %gather3A_104 = tpu.vector_load_idx %arg9[%add3A_56, %broadcast_in_dim3A_103] : memref<800x16xf32, #tpu.memory_space<vmem>>[vector<16xi32>, vector<16xi32>], vector<16xf32>,
      %mul3A_105 = arith.mulf %gather3A_104, %gather3A_66 : vector<16xf32>
      %add3A_106 = arith.addf %add3A_101, %mul3A_105 : vector<16xf32>
      %broadcast_in_dim3A_107 = arith.constant 1 : i32
      %broadcast_in_dim3A_108 = vector.broadcast %broadcast_in_dim3A_107 : i32 to vector<16xi32>
      tpu.vector_store_idx %arg17[%add3A_56, %broadcast_in_dim3A_108], %add3A_106 : memref<800x8xf32, #tpu.memory_space<vmem>>[vector<16xi32>, vector<16xi32>], vector<16xf32>,
      %broadcast_in_dim3A_109 = arith.constant 2 : i32
      %broadcast_in_dim3A_110 = vector.broadcast %broadcast_in_dim3A_109 : i32 to vector<16xi32>
      %gather3A_111 = tpu.vector_load_idx %arg9[%add3A_56, %broadcast_in_dim3A_110] : memref<800x16xf32, #tpu.memory_space<vmem>>[vector<16xi32>, vector<16xi32>], vector<16xf32>,
      %mul3A_112 = arith.mulf %gather3A_111, %gather3A : vector<16xf32>
      %broadcast_in_dim3A_113 = arith.constant 6 : i32
      %broadcast_in_dim3A_114 = vector.broadcast %broadcast_in_dim3A_113 : i32 to vector<16xi32>
      %gather3A_115 = tpu.vector_load_idx %arg9[%add3A_56, %broadcast_in_dim3A_114] : memref<800x16xf32, #tpu.memory_space<vmem>>[vector<16xi32>, vector<16xi32>], vector<16xf32>,
      %mul3A_116 = arith.mulf %gather3A_115, %gather3A_60 : vector<16xf32>
      %add3A_117 = arith.addf %mul3A_112, %mul3A_116 : vector<16xf32>
      %broadcast_in_dim3A_118 = arith.constant 10 : i32
      %broadcast_in_dim3A_119 = vector.broadcast %broadcast_in_dim3A_118 : i32 to vector<16xi32>
      %gather3A_120 = tpu.vector_load_idx %arg9[%add3A_56, %broadcast_in_dim3A_119] : memref<800x16xf32, #tpu.memory_space<vmem>>[vector<16xi32>, vector<16xi32>], vector<16xf32>,
      %mul3A_121 = arith.mulf %gather3A_120, %gather3A_63 : vector<16xf32>
      %add3A_122 = arith.addf %add3A_117, %mul3A_121 : vector<16xf32>
      %broadcast_in_dim3A_123 = arith.constant 14 : i32
      %broadcast_in_dim3A_124 = vector.broadcast %broadcast_in_dim3A_123 : i32 to vector<16xi32>
      %gather3A_125 = tpu.vector_load_idx %arg9[%add3A_56, %broadcast_in_dim3A_124] : memref<800x16xf32, #tpu.memory_space<vmem>>[vector<16xi32>, vector<16xi32>], vector<16xf32>,
      %mul3A_126 = arith.mulf %gather3A_125, %gather3A_66 : vector<16xf32>
      %add3A_127 = arith.addf %add3A_122, %mul3A_126 : vector<16xf32>
      %broadcast_in_dim3A_128 = arith.constant 2 : i32
      %broadcast_in_dim3A_129 = vector.broadcast %broadcast_in_dim3A_128 : i32 to vector<16xi32>
      tpu.vector_store_idx %arg17[%add3A_56, %broadcast_in_dim3A_129], %add3A_127 : memref<800x8xf32, #tpu.memory_space<vmem>>[vector<16xi32>, vector<16xi32>], vector<16xf32>,
      %broadcast_in_dim3A_130 = arith.constant 3 : i32
      %broadcast_in_dim3A_131 = vector.broadcast %broadcast_in_dim3A_130 : i32 to vector<16xi32>
      %gather3A_132 = tpu.vector_load_idx %arg9[%add3A_56, %broadcast_in_dim3A_131] : memref<800x16xf32, #tpu.memory_space<vmem>>[vector<16xi32>, vector<16xi32>], vector<16xf32>,
      %mul3A_133 = arith.mulf %gather3A_132, %gather3A : vector<16xf32>
      %broadcast_in_dim3A_134 = arith.constant 7 : i32
      %broadcast_in_dim3A_135 = vector.broadcast %broadcast_in_dim3A_134 : i32 to vector<16xi32>
      %gather3A_136 = tpu.vector_load_idx %arg9[%add3A_56, %broadcast_in_dim3A_135] : memref<800x16xf32, #tpu.memory_space<vmem>>[vector<16xi32>, vector<16xi32>], vector<16xf32>,
      %mul3A_137 = arith.mulf %gather3A_136, %gather3A_60 : vector<16xf32>
      %add3A_138 = arith.addf %mul3A_133, %mul3A_137 : vector<16xf32>
      %broadcast_in_dim3A_139 = arith.constant 11 : i32
      %broadcast_in_dim3A_140 = vector.broadcast %broadcast_in_dim3A_139 : i32 to vector<16xi32>
      %gather3A_141 = tpu.vector_load_idx %arg9[%add3A_56, %broadcast_in_dim3A_140] : memref<800x16xf32, #tpu.memory_space<vmem>>[vector<16xi32>, vector<16xi32>], vector<16xf32>,
      %mul3A_142 = arith.mulf %gather3A_141, %gather3A_63 : vector<16xf32>
      %add3A_143 = arith.addf %add3A_138, %mul3A_142 : vector<16xf32>
      %broadcast_in_dim3A_144 = arith.constant 15 : i32
      %broadcast_in_dim3A_145 = vector.broadcast %broadcast_in_dim3A_144 : i32 to vector<16xi32>
      %gather3A_146 = tpu.vector_load_idx %arg9[%add3A_56, %broadcast_in_dim3A_145] : memref<800x16xf32, #tpu.memory_space<vmem>>[vector<16xi32>, vector<16xi32>], vector<16xf32>,
      %mul3A_147 = arith.mulf %gather3A_146, %gather3A_66 : vector<16xf32>
      %add3A_148 = arith.addf %add3A_143, %mul3A_147 : vector<16xf32>
      %broadcast_in_dim3A_149 = arith.constant 3 : i32
      %broadcast_in_dim3A_150 = vector.broadcast %broadcast_in_dim3A_149 : i32 to vector<16xi32>
      tpu.vector_store_idx %arg17[%add3A_56, %broadcast_in_dim3A_150], %add3A_148 : memref<800x8xf32, #tpu.memory_space<vmem>>[vector<16xi32>, vector<16xi32>], vector<16xf32>,
    }
    %scan3A_47 = arith.constant 50 : i32
    "tpu.region"() ({
      %run_scoped3A = tpu.sem_alloc : memref<!tpu.dma_semaphore, #tpu.memory_space<semaphore_mem>>
      %dma_start3A_52 = arith.constant 0 : i32
      %dma_start3A_53 = arith.constant 0 : i32
      %dma_start3A_54 = tpu.memref_slice %arg8[%dma_start3A_52, %dma_start3A_53] : memref<100096x8xf32, #tpu.memory_space<vmem_shared>> -> memref<100096x8xf32, #tpu.memory_space<vmem_shared>>
      tpu.enqueue_indirect_dma source(%arg17 : memref<800x8xf32, #tpu.memory_space<vmem>>) target(%dma_start3A_54 : memref<100096x8xf32, #tpu.memory_space<vmem_shared>>) offsets(%arg13 : memref<800xi32, #tpu.memory_space<vmem>>) semaphore(%run_scoped3A : memref<!tpu.dma_semaphore, #tpu.memory_space<semaphore_mem>>) {add = true}
      %dma_wait3A_55 = arith.constant 0 : i32
      %dma_wait3A_56 = arith.constant 0 : i32
      %dma_wait3A_57 = tpu.memref_slice %arg8[%dma_wait3A_55, %dma_wait3A_56] : memref<100096x8xf32, #tpu.memory_space<vmem_shared>> -> memref<100096x8xf32, #tpu.memory_space<vmem_shared>>
      tpu.wait_indirect_dma semaphore(%run_scoped3A : memref<!tpu.dma_semaphore, #tpu.memory_space<semaphore_mem>>) src(%arg17 : memref<800x8xf32, #tpu.memory_space<vmem>>) dst(%dma_wait3A_57 : memref<100096x8xf32, #tpu.memory_space<vmem_shared>>)
      tpu.yield
    }) : () -> ()
    %barrier3A_48 = arith.constant 0 : index
    tpu.barrier barrier_id(%barrier3A_48)
    %mul3A_49 = arith.constant 100096 : i32
    %mul3A_50 = arith.muli %arg0, %mul3A_49 : i32
    %add3A_51 = arith.addi %mul3A_50, %mul3A_2 : i32
    "tpu.region"() ({
      %run_scoped3A = tpu.sem_alloc : memref<!tpu.dma_semaphore, #tpu.memory_space<semaphore_mem>>
      %dma_start3A_52 = arith.constant 0 : i32
      %dma_start3A_53 = tpu.memref_slice %arg7[%add3A_51, %dma_start3A_52] : memref<200192x8xf32, #tpu.memory_space<hbm>> -> memref<6256x8xf32, #tpu.memory_space<hbm>>
      %dma_start3A_54 = arith.constant 0 : i32
      %dma_start3A_55 = tpu.memref_slice %arg8[%mul3A_2, %dma_start3A_54] : memref<100096x8xf32, #tpu.memory_space<vmem_shared>> -> memref<6256x8xf32, #tpu.memory_space<vmem_shared>>
      tpu.enqueue_dma source(%dma_start3A_55 : memref<6256x8xf32, #tpu.memory_space<vmem_shared>>) target(%dma_start3A_53 : memref<6256x8xf32, #tpu.memory_space<hbm>>) target_semaphore(%run_scoped3A : memref<!tpu.dma_semaphore, #tpu.memory_space<semaphore_mem>>)
      %dma_wait3A_56 = arith.constant 0 : i32
      %dma_wait3A_57 = tpu.memref_slice %arg7[%add3A_51, %dma_wait3A_56] : memref<200192x8xf32, #tpu.memory_space<hbm>> -> memref<6256x8xf32, #tpu.memory_space<hbm>>
      %dma_wait3A_58 = arith.constant 0 : i32
      %dma_wait3A_59 = tpu.memref_slice %arg8[%mul3A_2, %dma_wait3A_58] : memref<100096x8xf32, #tpu.memory_space<vmem_shared>> -> memref<6256x8xf32, #tpu.memory_space<vmem_shared>>
      tpu.wait_dma2 semaphore(%run_scoped3A : memref<!tpu.dma_semaphore, #tpu.memory_space<semaphore_mem>>) src(%dma_wait3A_59 : memref<6256x8xf32, #tpu.memory_space<vmem_shared>>) dst(%dma_wait3A_57 : memref<6256x8xf32, #tpu.memory_space<hbm>>)
      tpu.yield
    }) : () -> ()
    return
  }
}

#map = affine_map<(d0, d1) -> (0, 0)>
#map1 = affine_map<(d0, d1) -> (0)>
module attributes {stable_mosaic.version = 14 : i64} {
  func.func @pass_kernel(%arg0: i32, %arg1: i32, %arg2: memref<100096x8xf32, #tpu.memory_space<hbm>>, %arg3: memref<3200000xi32, #tpu.memory_space<hbm>>, %arg4: memref<3200000xi32, #tpu.memory_space<hbm>>, %arg5: memref<3200000x16xf32, #tpu.memory_space<hbm>>, %arg6: memref<100096x8xf32, #tpu.memory_space<hbm>>, %arg7: memref<200192x8xf32, #tpu.memory_space<hbm>>, %arg8: memref<100096x8xf32, #tpu.memory_space<vmem_shared>>, %arg9: memref<800x16xf32, #tpu.memory_space<vmem>>, %arg10: memref<800x16xf32, #tpu.memory_space<vmem>>, %arg11: memref<800xi32, #tpu.memory_space<vmem>>, %arg12: memref<800xi32, #tpu.memory_space<vmem>>, %arg13: memref<800xi32, #tpu.memory_space<vmem>>, %arg14: memref<800xi32, #tpu.memory_space<vmem>>, %arg15: memref<800x8xf32, #tpu.memory_space<vmem>>, %arg16: memref<800x8xf32, #tpu.memory_space<vmem>>, %arg17: memref<800x8xf32, #tpu.memory_space<vmem>>, %arg18: memref<!tpu.dma_semaphore, #tpu.memory_space<semaphore_mem>>, %arg19: memref<!tpu.dma_semaphore, #tpu.memory_space<semaphore_mem>>, %arg20: memref<!tpu.dma_semaphore, #tpu.memory_space<semaphore_mem>>) attributes {dimension_semantics = [#tpu.dimension_semantics<core_parallel>, #tpu.dimension_semantics<subcore_parallel>], iteration_bounds = array<i64: 2, 16>, scalar_prefetch = 0 : i64, scratch_operands = 13 : i64, tpu.core_type = #tpu.core_type<sc_vector_subcore>, window_params = [{transform_indices = #map}, {transform_indices = #map1}, {transform_indices = #map1}, {transform_indices = #map}, {transform_indices = #map}, {transform_indices = #map}]} {
    %mul3A = arith.constant 16 : i32
    %mul3A_0 = arith.muli %arg0, %mul3A : i32
    %add3A = arith.addi %mul3A_0, %arg1 : i32
    %mul3A_1 = arith.constant 6256 : i32
    %mul3A_2 = arith.muli %arg1, %mul3A_1 : i32
    "tpu.region"() ({
      %run_scoped3A = tpu.sem_alloc : memref<!tpu.dma_semaphore, #tpu.memory_space<semaphore_mem>>
      %dma_start3A_52 = arith.constant 0 : i32
      %dma_start3A_53 = tpu.memref_slice %arg8[%mul3A_2, %dma_start3A_52] : memref<100096x8xf32, #tpu.memory_space<vmem_shared>> -> memref<6256x8xf32, #tpu.memory_space<vmem_shared>>
      %dma_start3A_54 = arith.constant 0 : i32
      %dma_start3A_55 = tpu.memref_slice %arg6[%mul3A_2, %dma_start3A_54] : memref<100096x8xf32, #tpu.memory_space<hbm>> -> memref<6256x8xf32, #tpu.memory_space<hbm>>
      tpu.enqueue_dma source(%dma_start3A_55 : memref<6256x8xf32, #tpu.memory_space<hbm>>) target(%dma_start3A_53 : memref<6256x8xf32, #tpu.memory_space<vmem_shared>>) target_semaphore(%run_scoped3A : memref<!tpu.dma_semaphore, #tpu.memory_space<semaphore_mem>>)
      %dma_wait3A_56 = arith.constant 0 : i32
      %dma_wait3A_57 = tpu.memref_slice %arg8[%mul3A_2, %dma_wait3A_56] : memref<100096x8xf32, #tpu.memory_space<vmem_shared>> -> memref<6256x8xf32, #tpu.memory_space<vmem_shared>>
      %dma_wait3A_58 = arith.constant 0 : i32
      %dma_wait3A_59 = tpu.memref_slice %arg6[%mul3A_2, %dma_wait3A_58] : memref<100096x8xf32, #tpu.memory_space<hbm>> -> memref<6256x8xf32, #tpu.memory_space<hbm>>
      tpu.wait_dma2 semaphore(%run_scoped3A : memref<!tpu.dma_semaphore, #tpu.memory_space<semaphore_mem>>) src(%dma_wait3A_59 : memref<6256x8xf32, #tpu.memory_space<hbm>>) dst(%dma_wait3A_57 : memref<6256x8xf32, #tpu.memory_space<vmem_shared>>)
      tpu.yield
    }) : () -> ()
    "tpu.region"() ({
      %run_scoped3A = tpu.sem_alloc : memref<!tpu.dma_semaphore, #tpu.memory_space<semaphore_mem>>
      %dma_start3A_52 = arith.constant 0 : i32
      %dma_start3A_53 = arith.constant 0 : i32
      %dma_start3A_54 = tpu.memref_slice %arg6[%dma_start3A_52, %dma_start3A_53] : memref<100096x8xf32, #tpu.memory_space<hbm>> -> memref<800x8xf32, #tpu.memory_space<hbm>>
      %dma_start3A_55 = arith.constant 0 : i32
      %dma_start3A_56 = arith.constant 0 : i32
      %dma_start3A_57 = tpu.memref_slice %arg6[%dma_start3A_55, %dma_start3A_56] : memref<100096x8xf32, #tpu.memory_space<hbm>> -> memref<800x8xf32, #tpu.memory_space<hbm>>
      tpu.enqueue_dma source(%dma_start3A_57 : memref<800x8xf32, #tpu.memory_space<hbm>>) target(%arg17 : memref<800x8xf32, #tpu.memory_space<vmem>>) target_semaphore(%run_scoped3A : memref<!tpu.dma_semaphore, #tpu.memory_space<semaphore_mem>>)
      %dma_wait3A_58 = arith.constant 0 : i32
      %dma_wait3A_59 = arith.constant 0 : i32
      %dma_wait3A_60 = tpu.memref_slice %arg6[%dma_wait3A_58, %dma_wait3A_59] : memref<100096x8xf32, #tpu.memory_space<hbm>> -> memref<800x8xf32, #tpu.memory_space<hbm>>
      %dma_wait3A_61 = arith.constant 0 : i32
      %dma_wait3A_62 = arith.constant 0 : i32
      %dma_wait3A_63 = tpu.memref_slice %arg6[%dma_wait3A_61, %dma_wait3A_62] : memref<100096x8xf32, #tpu.memory_space<hbm>> -> memref<800x8xf32, #tpu.memory_space<hbm>>
      tpu.wait_dma2 semaphore(%run_scoped3A : memref<!tpu.dma_semaphore, #tpu.memory_space<semaphore_mem>>) src(%dma_wait3A_63 : memref<800x8xf32, #tpu.memory_space<hbm>>) dst(%arg17 : memref<800x8xf32, #tpu.memory_space<vmem>>)
      tpu.yield
    }) : () -> ()
    %barrier3A = arith.constant 0 : index
    tpu.barrier barrier_id(%barrier3A)
    %mul3A_3 = arith.constant 100000 : i32
    %mul3A_4 = arith.muli %add3A, %mul3A_3 : i32
    %iota3A = tpu.iota {dimensions = array<i32: 0>} : vector<16xi32>
    %dma_start3A = arith.constant 0 : i32
    %dma_start3A_5 = tpu.memref_slice %arg5[%mul3A_4, %dma_start3A] : memref<3200000x16xf32, #tpu.memory_space<hbm>> -> memref<800x16xf32, #tpu.memory_space<hbm>>
    %dma_start3A_6 = arith.constant 0 : i32
    %dma_start3A_7 = tpu.memref_slice %arg5[%mul3A_4, %dma_start3A_6] : memref<3200000x16xf32, #tpu.memory_space<hbm>> -> memref<800x16xf32, #tpu.memory_space<hbm>>
    tpu.enqueue_dma source(%dma_start3A_7 : memref<800x16xf32, #tpu.memory_space<hbm>>) target(%arg9 : memref<800x16xf32, #tpu.memory_space<vmem>>) target_semaphore(%arg18 : memref<!tpu.dma_semaphore, #tpu.memory_space<semaphore_mem>>)
    %dma_start3A_8 = tpu.memref_slice %arg3[%mul3A_4] : memref<3200000xi32, #tpu.memory_space<hbm>> -> memref<800xi32, #tpu.memory_space<hbm>>
    %dma_start3A_9 = tpu.memref_slice %arg3[%mul3A_4] : memref<3200000xi32, #tpu.memory_space<hbm>> -> memref<800xi32, #tpu.memory_space<hbm>>
    tpu.enqueue_dma source(%dma_start3A_9 : memref<800xi32, #tpu.memory_space<hbm>>) target(%arg11 : memref<800xi32, #tpu.memory_space<vmem>>) target_semaphore(%arg18 : memref<!tpu.dma_semaphore, #tpu.memory_space<semaphore_mem>>)
    %dma_start3A_10 = tpu.memref_slice %arg4[%mul3A_4] : memref<3200000xi32, #tpu.memory_space<hbm>> -> memref<800xi32, #tpu.memory_space<hbm>>
    %dma_start3A_11 = tpu.memref_slice %arg4[%mul3A_4] : memref<3200000xi32, #tpu.memory_space<hbm>> -> memref<800xi32, #tpu.memory_space<hbm>>
    tpu.enqueue_dma source(%dma_start3A_11 : memref<800xi32, #tpu.memory_space<hbm>>) target(%arg13 : memref<800xi32, #tpu.memory_space<vmem>>) target_semaphore(%arg18 : memref<!tpu.dma_semaphore, #tpu.memory_space<semaphore_mem>>)
    %add3A_12 = arith.constant 800 : i32
    %add3A_13 = arith.addi %mul3A_4, %add3A_12 : i32
    %dma_start3A_14 = arith.constant 0 : i32
    %dma_start3A_15 = tpu.memref_slice %arg5[%add3A_13, %dma_start3A_14] : memref<3200000x16xf32, #tpu.memory_space<hbm>> -> memref<800x16xf32, #tpu.memory_space<hbm>>
    %dma_start3A_16 = arith.constant 0 : i32
    %dma_start3A_17 = tpu.memref_slice %arg5[%add3A_13, %dma_start3A_16] : memref<3200000x16xf32, #tpu.memory_space<hbm>> -> memref<800x16xf32, #tpu.memory_space<hbm>>
    tpu.enqueue_dma source(%dma_start3A_17 : memref<800x16xf32, #tpu.memory_space<hbm>>) target(%arg10 : memref<800x16xf32, #tpu.memory_space<vmem>>) target_semaphore(%arg19 : memref<!tpu.dma_semaphore, #tpu.memory_space<semaphore_mem>>)
    %dma_start3A_18 = tpu.memref_slice %arg3[%add3A_13] : memref<3200000xi32, #tpu.memory_space<hbm>> -> memref<800xi32, #tpu.memory_space<hbm>>
    %dma_start3A_19 = tpu.memref_slice %arg3[%add3A_13] : memref<3200000xi32, #tpu.memory_space<hbm>> -> memref<800xi32, #tpu.memory_space<hbm>>
    tpu.enqueue_dma source(%dma_start3A_19 : memref<800xi32, #tpu.memory_space<hbm>>) target(%arg12 : memref<800xi32, #tpu.memory_space<vmem>>) target_semaphore(%arg19 : memref<!tpu.dma_semaphore, #tpu.memory_space<semaphore_mem>>)
    %dma_start3A_20 = tpu.memref_slice %arg4[%add3A_13] : memref<3200000xi32, #tpu.memory_space<hbm>> -> memref<800xi32, #tpu.memory_space<hbm>>
    %dma_start3A_21 = tpu.memref_slice %arg4[%add3A_13] : memref<3200000xi32, #tpu.memory_space<hbm>> -> memref<800xi32, #tpu.memory_space<hbm>>
    tpu.enqueue_dma source(%dma_start3A_21 : memref<800xi32, #tpu.memory_space<hbm>>) target(%arg14 : memref<800xi32, #tpu.memory_space<vmem>>) target_semaphore(%arg19 : memref<!tpu.dma_semaphore, #tpu.memory_space<semaphore_mem>>)
    %scan3A = arith.constant 0 : i32
    %scan3A_22 = arith.constant 0 : i32
    %scan3A_23 = arith.constant 62 : i32
    %scan3A_24 = arith.addi %scan3A_22, %scan3A_23 : i32
    %scan3A_25 = arith.constant 1 : i32
    scf.for %scan3A_52 = %scan3A_22 to %scan3A_24 step %scan3A_25  : i32 {
      %mul3A_53 = arith.constant 2 : i32
      %mul3A_54 = arith.muli %mul3A_53, %scan3A_52 : i32
      %mul3A_55 = arith.constant 800 : i32
      %mul3A_56 = arith.muli %mul3A_54, %mul3A_55 : i32
      %add3A_57 = arith.addi %mul3A_4, %mul3A_56 : i32
      %add3A_58 = arith.constant 0 : i32
      %add3A_59 = arith.addi %add3A_57, %add3A_58 : i32
      %dma_wait3A_60 = arith.constant 0 : i32
      %dma_wait3A_61 = tpu.memref_slice %arg5[%add3A_59, %dma_wait3A_60] : memref<3200000x16xf32, #tpu.memory_space<hbm>> -> memref<800x16xf32, #tpu.memory_space<hbm>>
      %dma_wait3A_62 = arith.constant 0 : i32
      %dma_wait3A_63 = tpu.memref_slice %arg5[%add3A_59, %dma_wait3A_62] : memref<3200000x16xf32, #tpu.memory_space<hbm>> -> memref<800x16xf32, #tpu.memory_space<hbm>>
      tpu.wait_dma2 semaphore(%arg18 : memref<!tpu.dma_semaphore, #tpu.memory_space<semaphore_mem>>) src(%dma_wait3A_63 : memref<800x16xf32, #tpu.memory_space<hbm>>) dst(%arg9 : memref<800x16xf32, #tpu.memory_space<vmem>>)
      %dma_wait3A_64 = tpu.memref_slice %arg3[%add3A_59] : memref<3200000xi32, #tpu.memory_space<hbm>> -> memref<800xi32, #tpu.memory_space<hbm>>
      %dma_wait3A_65 = tpu.memref_slice %arg3[%add3A_59] : memref<3200000xi32, #tpu.memory_space<hbm>> -> memref<800xi32, #tpu.memory_space<hbm>>
      tpu.wait_dma2 semaphore(%arg18 : memref<!tpu.dma_semaphore, #tpu.memory_space<semaphore_mem>>) src(%dma_wait3A_65 : memref<800xi32, #tpu.memory_space<hbm>>) dst(%arg11 : memref<800xi32, #tpu.memory_space<vmem>>)
      %dma_wait3A_66 = tpu.memref_slice %arg4[%add3A_59] : memref<3200000xi32, #tpu.memory_space<hbm>> -> memref<800xi32, #tpu.memory_space<hbm>>
      %dma_wait3A_67 = tpu.memref_slice %arg4[%add3A_59] : memref<3200000xi32, #tpu.memory_space<hbm>> -> memref<800xi32, #tpu.memory_space<hbm>>
      tpu.wait_dma2 semaphore(%arg18 : memref<!tpu.dma_semaphore, #tpu.memory_space<semaphore_mem>>) src(%dma_wait3A_67 : memref<800xi32, #tpu.memory_space<hbm>>) dst(%arg13 : memref<800xi32, #tpu.memory_space<vmem>>)
      %dma_start3A_68 = arith.constant 0 : i32
      %dma_start3A_69 = arith.constant 0 : i32
      %dma_start3A_70 = tpu.memref_slice %arg2[%dma_start3A_68, %dma_start3A_69] : memref<100096x8xf32, #tpu.memory_space<hbm>> -> memref<100096x8xf32, #tpu.memory_space<hbm>>
      tpu.enqueue_indirect_dma source(%dma_start3A_70 : memref<100096x8xf32, #tpu.memory_space<hbm>>) target(%arg15 : memref<800x8xf32, #tpu.memory_space<vmem>>) offsets(%arg11 : memref<800xi32, #tpu.memory_space<vmem>>) semaphore(%arg20 : memref<!tpu.dma_semaphore, #tpu.memory_space<semaphore_mem>>)
      %dma_wait3A_71 = arith.constant 0 : i32
      %dma_wait3A_72 = arith.constant 0 : i32
      %dma_wait3A_73 = tpu.memref_slice %arg2[%dma_wait3A_71, %dma_wait3A_72] : memref<100096x8xf32, #tpu.memory_space<hbm>> -> memref<100096x8xf32, #tpu.memory_space<hbm>>
      tpu.wait_indirect_dma semaphore(%arg20 : memref<!tpu.dma_semaphore, #tpu.memory_space<semaphore_mem>>) src(%dma_wait3A_73 : memref<100096x8xf32, #tpu.memory_space<hbm>>) dst(%arg15 : memref<800x8xf32, #tpu.memory_space<vmem>>)
      %scan3A_74 = arith.constant 0 : i32
      %scan3A_75 = arith.constant 0 : i32
      %scan3A_76 = arith.constant 50 : i32
      %scan3A_77 = arith.addi %scan3A_75, %scan3A_76 : i32
      %scan3A_78 = arith.constant 1 : i32
      scf.for %scan3A_125 = %scan3A_75 to %scan3A_77 step %scan3A_78  : i32 {
        %mul3A_126 = arith.constant 16 : i32
        %mul3A_127 = arith.muli %scan3A_125, %mul3A_126 : i32
        %add3A_128 = vector.broadcast %mul3A_127 : i32 to vector<16xi32>
        %add3A_129 = arith.addi %add3A_128, %iota3A : vector<16xi32>
        %broadcast_in_dim3A = arith.constant 0 : i32
        %broadcast_in_dim3A_130 = vector.broadcast %broadcast_in_dim3A : i32 to vector<16xi32>
        %gather3A = tpu.vector_load_idx %arg15[%add3A_129, %broadcast_in_dim3A_130] : memref<800x8xf32, #tpu.memory_space<vmem>>[vector<16xi32>, vector<16xi32>], vector<16xf32>,
        %broadcast_in_dim3A_131 = arith.constant 1 : i32
        %broadcast_in_dim3A_132 = vector.broadcast %broadcast_in_dim3A_131 : i32 to vector<16xi32>
        %gather3A_133 = tpu.vector_load_idx %arg15[%add3A_129, %broadcast_in_dim3A_132] : memref<800x8xf32, #tpu.memory_space<vmem>>[vector<16xi32>, vector<16xi32>], vector<16xf32>,
        %broadcast_in_dim3A_134 = arith.constant 2 : i32
        %broadcast_in_dim3A_135 = vector.broadcast %broadcast_in_dim3A_134 : i32 to vector<16xi32>
        %gather3A_136 = tpu.vector_load_idx %arg15[%add3A_129, %broadcast_in_dim3A_135] : memref<800x8xf32, #tpu.memory_space<vmem>>[vector<16xi32>, vector<16xi32>], vector<16xf32>,
        %broadcast_in_dim3A_137 = arith.constant 3 : i32
        %broadcast_in_dim3A_138 = vector.broadcast %broadcast_in_dim3A_137 : i32 to vector<16xi32>
        %gather3A_139 = tpu.vector_load_idx %arg15[%add3A_129, %broadcast_in_dim3A_138] : memref<800x8xf32, #tpu.memory_space<vmem>>[vector<16xi32>, vector<16xi32>], vector<16xf32>,
        %broadcast_in_dim3A_140 = arith.constant 0 : i32
        %broadcast_in_dim3A_141 = vector.broadcast %broadcast_in_dim3A_140 : i32 to vector<16xi32>
        %gather3A_142 = tpu.vector_load_idx %arg9[%add3A_129, %broadcast_in_dim3A_141] : memref<800x16xf32, #tpu.memory_space<vmem>>[vector<16xi32>, vector<16xi32>], vector<16xf32>,
        %mul3A_143 = arith.mulf %gather3A_142, %gather3A : vector<16xf32>
        %broadcast_in_dim3A_144 = arith.constant 1 : i32
        %broadcast_in_dim3A_145 = vector.broadcast %broadcast_in_dim3A_144 : i32 to vector<16xi32>
        %gather3A_146 = tpu.vector_load_idx %arg9[%add3A_129, %broadcast_in_dim3A_145] : memref<800x16xf32, #tpu.memory_space<vmem>>[vector<16xi32>, vector<16xi32>], vector<16xf32>,
        %mul3A_147 = arith.mulf %gather3A_146, %gather3A_133 : vector<16xf32>
        %add3A_148 = arith.addf %mul3A_143, %mul3A_147 : vector<16xf32>
        %broadcast_in_dim3A_149 = arith.constant 2 : i32
        %broadcast_in_dim3A_150 = vector.broadcast %broadcast_in_dim3A_149 : i32 to vector<16xi32>
        %gather3A_151 = tpu.vector_load_idx %arg9[%add3A_129, %broadcast_in_dim3A_150] : memref<800x16xf32, #tpu.memory_space<vmem>>[vector<16xi32>, vector<16xi32>], vector<16xf32>,
        %mul3A_152 = arith.mulf %gather3A_151, %gather3A_136 : vector<16xf32>
        %add3A_153 = arith.addf %add3A_148, %mul3A_152 : vector<16xf32>
        %broadcast_in_dim3A_154 = arith.constant 3 : i32
        %broadcast_in_dim3A_155 = vector.broadcast %broadcast_in_dim3A_154 : i32 to vector<16xi32>
        %gather3A_156 = tpu.vector_load_idx %arg9[%add3A_129, %broadcast_in_dim3A_155] : memref<800x16xf32, #tpu.memory_space<vmem>>[vector<16xi32>, vector<16xi32>], vector<16xf32>,
        %mul3A_157 = arith.mulf %gather3A_156, %gather3A_139 : vector<16xf32>
        %add3A_158 = arith.addf %add3A_153, %mul3A_157 : vector<16xf32>
        %broadcast_in_dim3A_159 = arith.constant 0 : i32
        %broadcast_in_dim3A_160 = vector.broadcast %broadcast_in_dim3A_159 : i32 to vector<16xi32>
        tpu.vector_store_idx %arg17[%add3A_129, %broadcast_in_dim3A_160], %add3A_158 : memref<800x8xf32, #tpu.memory_space<vmem>>[vector<16xi32>, vector<16xi32>], vector<16xf32>,
        %broadcast_in_dim3A_161 = arith.constant 4 : i32
        %broadcast_in_dim3A_162 = vector.broadcast %broadcast_in_dim3A_161 : i32 to vector<16xi32>
        %gather3A_163 = tpu.vector_load_idx %arg9[%add3A_129, %broadcast_in_dim3A_162] : memref<800x16xf32, #tpu.memory_space<vmem>>[vector<16xi32>, vector<16xi32>], vector<16xf32>,
        %mul3A_164 = arith.mulf %gather3A_163, %gather3A : vector<16xf32>
        %broadcast_in_dim3A_165 = arith.constant 5 : i32
        %broadcast_in_dim3A_166 = vector.broadcast %broadcast_in_dim3A_165 : i32 to vector<16xi32>
        %gather3A_167 = tpu.vector_load_idx %arg9[%add3A_129, %broadcast_in_dim3A_166] : memref<800x16xf32, #tpu.memory_space<vmem>>[vector<16xi32>, vector<16xi32>], vector<16xf32>,
        %mul3A_168 = arith.mulf %gather3A_167, %gather3A_133 : vector<16xf32>
        %add3A_169 = arith.addf %mul3A_164, %mul3A_168 : vector<16xf32>
        %broadcast_in_dim3A_170 = arith.constant 6 : i32
        %broadcast_in_dim3A_171 = vector.broadcast %broadcast_in_dim3A_170 : i32 to vector<16xi32>
        %gather3A_172 = tpu.vector_load_idx %arg9[%add3A_129, %broadcast_in_dim3A_171] : memref<800x16xf32, #tpu.memory_space<vmem>>[vector<16xi32>, vector<16xi32>], vector<16xf32>,
        %mul3A_173 = arith.mulf %gather3A_172, %gather3A_136 : vector<16xf32>
        %add3A_174 = arith.addf %add3A_169, %mul3A_173 : vector<16xf32>
        %broadcast_in_dim3A_175 = arith.constant 7 : i32
        %broadcast_in_dim3A_176 = vector.broadcast %broadcast_in_dim3A_175 : i32 to vector<16xi32>
        %gather3A_177 = tpu.vector_load_idx %arg9[%add3A_129, %broadcast_in_dim3A_176] : memref<800x16xf32, #tpu.memory_space<vmem>>[vector<16xi32>, vector<16xi32>], vector<16xf32>,
        %mul3A_178 = arith.mulf %gather3A_177, %gather3A_139 : vector<16xf32>
        %add3A_179 = arith.addf %add3A_174, %mul3A_178 : vector<16xf32>
        %broadcast_in_dim3A_180 = arith.constant 1 : i32
        %broadcast_in_dim3A_181 = vector.broadcast %broadcast_in_dim3A_180 : i32 to vector<16xi32>
        tpu.vector_store_idx %arg17[%add3A_129, %broadcast_in_dim3A_181], %add3A_179 : memref<800x8xf32, #tpu.memory_space<vmem>>[vector<16xi32>, vector<16xi32>], vector<16xf32>,
        %broadcast_in_dim3A_182 = arith.constant 8 : i32
        %broadcast_in_dim3A_183 = vector.broadcast %broadcast_in_dim3A_182 : i32 to vector<16xi32>
        %gather3A_184 = tpu.vector_load_idx %arg9[%add3A_129, %broadcast_in_dim3A_183] : memref<800x16xf32, #tpu.memory_space<vmem>>[vector<16xi32>, vector<16xi32>], vector<16xf32>,
        %mul3A_185 = arith.mulf %gather3A_184, %gather3A : vector<16xf32>
        %broadcast_in_dim3A_186 = arith.constant 9 : i32
        %broadcast_in_dim3A_187 = vector.broadcast %broadcast_in_dim3A_186 : i32 to vector<16xi32>
        %gather3A_188 = tpu.vector_load_idx %arg9[%add3A_129, %broadcast_in_dim3A_187] : memref<800x16xf32, #tpu.memory_space<vmem>>[vector<16xi32>, vector<16xi32>], vector<16xf32>,
        %mul3A_189 = arith.mulf %gather3A_188, %gather3A_133 : vector<16xf32>
        %add3A_190 = arith.addf %mul3A_185, %mul3A_189 : vector<16xf32>
        %broadcast_in_dim3A_191 = arith.constant 10 : i32
        %broadcast_in_dim3A_192 = vector.broadcast %broadcast_in_dim3A_191 : i32 to vector<16xi32>
        %gather3A_193 = tpu.vector_load_idx %arg9[%add3A_129, %broadcast_in_dim3A_192] : memref<800x16xf32, #tpu.memory_space<vmem>>[vector<16xi32>, vector<16xi32>], vector<16xf32>,
        %mul3A_194 = arith.mulf %gather3A_193, %gather3A_136 : vector<16xf32>
        %add3A_195 = arith.addf %add3A_190, %mul3A_194 : vector<16xf32>
        %broadcast_in_dim3A_196 = arith.constant 11 : i32
        %broadcast_in_dim3A_197 = vector.broadcast %broadcast_in_dim3A_196 : i32 to vector<16xi32>
        %gather3A_198 = tpu.vector_load_idx %arg9[%add3A_129, %broadcast_in_dim3A_197] : memref<800x16xf32, #tpu.memory_space<vmem>>[vector<16xi32>, vector<16xi32>], vector<16xf32>,
        %mul3A_199 = arith.mulf %gather3A_198, %gather3A_139 : vector<16xf32>
        %add3A_200 = arith.addf %add3A_195, %mul3A_199 : vector<16xf32>
        %broadcast_in_dim3A_201 = arith.constant 2 : i32
        %broadcast_in_dim3A_202 = vector.broadcast %broadcast_in_dim3A_201 : i32 to vector<16xi32>
        tpu.vector_store_idx %arg17[%add3A_129, %broadcast_in_dim3A_202], %add3A_200 : memref<800x8xf32, #tpu.memory_space<vmem>>[vector<16xi32>, vector<16xi32>], vector<16xf32>,
        %broadcast_in_dim3A_203 = arith.constant 12 : i32
        %broadcast_in_dim3A_204 = vector.broadcast %broadcast_in_dim3A_203 : i32 to vector<16xi32>
        %gather3A_205 = tpu.vector_load_idx %arg9[%add3A_129, %broadcast_in_dim3A_204] : memref<800x16xf32, #tpu.memory_space<vmem>>[vector<16xi32>, vector<16xi32>], vector<16xf32>,
        %mul3A_206 = arith.mulf %gather3A_205, %gather3A : vector<16xf32>
        %broadcast_in_dim3A_207 = arith.constant 13 : i32
        %broadcast_in_dim3A_208 = vector.broadcast %broadcast_in_dim3A_207 : i32 to vector<16xi32>
        %gather3A_209 = tpu.vector_load_idx %arg9[%add3A_129, %broadcast_in_dim3A_208] : memref<800x16xf32, #tpu.memory_space<vmem>>[vector<16xi32>, vector<16xi32>], vector<16xf32>,
        %mul3A_210 = arith.mulf %gather3A_209, %gather3A_133 : vector<16xf32>
        %add3A_211 = arith.addf %mul3A_206, %mul3A_210 : vector<16xf32>
        %broadcast_in_dim3A_212 = arith.constant 14 : i32
        %broadcast_in_dim3A_213 = vector.broadcast %broadcast_in_dim3A_212 : i32 to vector<16xi32>
        %gather3A_214 = tpu.vector_load_idx %arg9[%add3A_129, %broadcast_in_dim3A_213] : memref<800x16xf32, #tpu.memory_space<vmem>>[vector<16xi32>, vector<16xi32>], vector<16xf32>,
        %mul3A_215 = arith.mulf %gather3A_214, %gather3A_136 : vector<16xf32>
        %add3A_216 = arith.addf %add3A_211, %mul3A_215 : vector<16xf32>
        %broadcast_in_dim3A_217 = arith.constant 15 : i32
        %broadcast_in_dim3A_218 = vector.broadcast %broadcast_in_dim3A_217 : i32 to vector<16xi32>
        %gather3A_219 = tpu.vector_load_idx %arg9[%add3A_129, %broadcast_in_dim3A_218] : memref<800x16xf32, #tpu.memory_space<vmem>>[vector<16xi32>, vector<16xi32>], vector<16xf32>,
        %mul3A_220 = arith.mulf %gather3A_219, %gather3A_139 : vector<16xf32>
        %add3A_221 = arith.addf %add3A_216, %mul3A_220 : vector<16xf32>
        %broadcast_in_dim3A_222 = arith.constant 3 : i32
        %broadcast_in_dim3A_223 = vector.broadcast %broadcast_in_dim3A_222 : i32 to vector<16xi32>
        tpu.vector_store_idx %arg17[%add3A_129, %broadcast_in_dim3A_223], %add3A_221 : memref<800x8xf32, #tpu.memory_space<vmem>>[vector<16xi32>, vector<16xi32>], vector<16xf32>,
      }
      %scan3A_79 = arith.constant 50 : i32
      "tpu.region"() ({
        %run_scoped3A = tpu.sem_alloc : memref<!tpu.dma_semaphore, #tpu.memory_space<semaphore_mem>>
        %dma_start3A_125 = arith.constant 0 : i32
        %dma_start3A_126 = arith.constant 0 : i32
        %dma_start3A_127 = tpu.memref_slice %arg8[%dma_start3A_125, %dma_start3A_126] : memref<100096x8xf32, #tpu.memory_space<vmem_shared>> -> memref<100096x8xf32, #tpu.memory_space<vmem_shared>>
        tpu.enqueue_indirect_dma source(%arg17 : memref<800x8xf32, #tpu.memory_space<vmem>>) target(%dma_start3A_127 : memref<100096x8xf32, #tpu.memory_space<vmem_shared>>) offsets(%arg13 : memref<800xi32, #tpu.memory_space<vmem>>) semaphore(%run_scoped3A : memref<!tpu.dma_semaphore, #tpu.memory_space<semaphore_mem>>) {add = true}
        %dma_wait3A_128 = arith.constant 0 : i32
        %dma_wait3A_129 = arith.constant 0 : i32
        %dma_wait3A_130 = tpu.memref_slice %arg8[%dma_wait3A_128, %dma_wait3A_129] : memref<100096x8xf32, #tpu.memory_space<vmem_shared>> -> memref<100096x8xf32, #tpu.memory_space<vmem_shared>>
        tpu.wait_indirect_dma semaphore(%run_scoped3A : memref<!tpu.dma_semaphore, #tpu.memory_space<semaphore_mem>>) src(%arg17 : memref<800x8xf32, #tpu.memory_space<vmem>>) dst(%dma_wait3A_130 : memref<100096x8xf32, #tpu.memory_space<vmem_shared>>)
        tpu.yield
      }) : () -> ()
      %add3A_80 = arith.constant 1600 : i32
      %add3A_81 = arith.addi %add3A_57, %add3A_80 : i32
      %mul3A_82 = arith.constant 2 : i32
      %mul3A_83 = arith.muli %mul3A_82, %scan3A_52 : i32
      %add3A_84 = arith.constant 0 : i32
      %add3A_85 = arith.addi %mul3A_83, %add3A_84 : i32
      %add3A_86 = arith.constant 2 : i32
      %add3A_87 = arith.addi %add3A_85, %add3A_86 : i32
      %lt3A = arith.constant 125 : i32
      %lt3A_88 = arith.cmpi slt, %add3A_87, %lt3A : i32
      %convert_element_type3A = arith.extui %lt3A_88 : i1 to i32
      %cond3A = arith.constant 0 : i32
      %cond3A_89 = arith.cmpi ne, %convert_element_type3A, %cond3A : i32
      scf.if %cond3A_89 {
        %dma_start3A_125 = arith.constant 0 : i32
        %dma_start3A_126 = tpu.memref_slice %arg5[%add3A_81, %dma_start3A_125] : memref<3200000x16xf32, #tpu.memory_space<hbm>> -> memref<800x16xf32, #tpu.memory_space<hbm>>
        %dma_start3A_127 = arith.constant 0 : i32
        %dma_start3A_128 = tpu.memref_slice %arg5[%add3A_81, %dma_start3A_127] : memref<3200000x16xf32, #tpu.memory_space<hbm>> -> memref<800x16xf32, #tpu.memory_space<hbm>>
        tpu.enqueue_dma source(%dma_start3A_128 : memref<800x16xf32, #tpu.memory_space<hbm>>) target(%arg9 : memref<800x16xf32, #tpu.memory_space<vmem>>) target_semaphore(%arg18 : memref<!tpu.dma_semaphore, #tpu.memory_space<semaphore_mem>>)
        %dma_start3A_129 = tpu.memref_slice %arg3[%add3A_81] : memref<3200000xi32, #tpu.memory_space<hbm>> -> memref<800xi32, #tpu.memory_space<hbm>>
        %dma_start3A_130 = tpu.memref_slice %arg3[%add3A_81] : memref<3200000xi32, #tpu.memory_space<hbm>> -> memref<800xi32, #tpu.memory_space<hbm>>
        tpu.enqueue_dma source(%dma_start3A_130 : memref<800xi32, #tpu.memory_space<hbm>>) target(%arg11 : memref<800xi32, #tpu.memory_space<vmem>>) target_semaphore(%arg18 : memref<!tpu.dma_semaphore, #tpu.memory_space<semaphore_mem>>)
        %dma_start3A_131 = tpu.memref_slice %arg4[%add3A_81] : memref<3200000xi32, #tpu.memory_space<hbm>> -> memref<800xi32, #tpu.memory_space<hbm>>
        %dma_start3A_132 = tpu.memref_slice %arg4[%add3A_81] : memref<3200000xi32, #tpu.memory_space<hbm>> -> memref<800xi32, #tpu.memory_space<hbm>>
        tpu.enqueue_dma source(%dma_start3A_132 : memref<800xi32, #tpu.memory_space<hbm>>) target(%arg13 : memref<800xi32, #tpu.memory_space<vmem>>) target_semaphore(%arg18 : memref<!tpu.dma_semaphore, #tpu.memory_space<semaphore_mem>>)
      } else {
      }
      %add3A_90 = arith.constant 800 : i32
      %add3A_91 = arith.addi %add3A_57, %add3A_90 : i32
      %dma_wait3A_92 = arith.constant 0 : i32
      %dma_wait3A_93 = tpu.memref_slice %arg5[%add3A_91, %dma_wait3A_92] : memref<3200000x16xf32, #tpu.memory_space<hbm>> -> memref<800x16xf32, #tpu.memory_space<hbm>>
      %dma_wait3A_94 = arith.constant 0 : i32
      %dma_wait3A_95 = tpu.memref_slice %arg5[%add3A_91, %dma_wait3A_94] : memref<3200000x16xf32, #tpu.memory_space<hbm>> -> memref<800x16xf32, #tpu.memory_space<hbm>>
      tpu.wait_dma2 semaphore(%arg19 : memref<!tpu.dma_semaphore, #tpu.memory_space<semaphore_mem>>) src(%dma_wait3A_95 : memref<800x16xf32, #tpu.memory_space<hbm>>) dst(%arg10 : memref<800x16xf32, #tpu.memory_space<vmem>>)
      %dma_wait3A_96 = tpu.memref_slice %arg3[%add3A_91] : memref<3200000xi32, #tpu.memory_space<hbm>> -> memref<800xi32, #tpu.memory_space<hbm>>
      %dma_wait3A_97 = tpu.memref_slice %arg3[%add3A_91] : memref<3200000xi32, #tpu.memory_space<hbm>> -> memref<800xi32, #tpu.memory_space<hbm>>
      tpu.wait_dma2 semaphore(%arg19 : memref<!tpu.dma_semaphore, #tpu.memory_space<semaphore_mem>>) src(%dma_wait3A_97 : memref<800xi32, #tpu.memory_space<hbm>>) dst(%arg12 : memref<800xi32, #tpu.memory_space<vmem>>)
      %dma_wait3A_98 = tpu.memref_slice %arg4[%add3A_91] : memref<3200000xi32, #tpu.memory_space<hbm>> -> memref<800xi32, #tpu.memory_space<hbm>>
      %dma_wait3A_99 = tpu.memref_slice %arg4[%add3A_91] : memref<3200000xi32, #tpu.memory_space<hbm>> -> memref<800xi32, #tpu.memory_space<hbm>>
      tpu.wait_dma2 semaphore(%arg19 : memref<!tpu.dma_semaphore, #tpu.memory_space<semaphore_mem>>) src(%dma_wait3A_99 : memref<800xi32, #tpu.memory_space<hbm>>) dst(%arg14 : memref<800xi32, #tpu.memory_space<vmem>>)
      %dma_start3A_100 = arith.constant 0 : i32
      %dma_start3A_101 = arith.constant 0 : i32
      %dma_start3A_102 = tpu.memref_slice %arg2[%dma_start3A_100, %dma_start3A_101] : memref<100096x8xf32, #tpu.memory_space<hbm>> -> memref<100096x8xf32, #tpu.memory_space<hbm>>
      tpu.enqueue_indirect_dma source(%dma_start3A_102 : memref<100096x8xf32, #tpu.memory_space<hbm>>) target(%arg16 : memref<800x8xf32, #tpu.memory_space<vmem>>) offsets(%arg12 : memref<800xi32, #tpu.memory_space<vmem>>) semaphore(%arg20 : memref<!tpu.dma_semaphore, #tpu.memory_space<semaphore_mem>>)
      %dma_wait3A_103 = arith.constant 0 : i32
      %dma_wait3A_104 = arith.constant 0 : i32
      %dma_wait3A_105 = tpu.memref_slice %arg2[%dma_wait3A_103, %dma_wait3A_104] : memref<100096x8xf32, #tpu.memory_space<hbm>> -> memref<100096x8xf32, #tpu.memory_space<hbm>>
      tpu.wait_indirect_dma semaphore(%arg20 : memref<!tpu.dma_semaphore, #tpu.memory_space<semaphore_mem>>) src(%dma_wait3A_105 : memref<100096x8xf32, #tpu.memory_space<hbm>>) dst(%arg16 : memref<800x8xf32, #tpu.memory_space<vmem>>)
      %scan3A_106 = arith.constant 0 : i32
      %scan3A_107 = arith.constant 0 : i32
      %scan3A_108 = arith.constant 50 : i32
      %scan3A_109 = arith.addi %scan3A_107, %scan3A_108 : i32
      %scan3A_110 = arith.constant 1 : i32
      scf.for %scan3A_125 = %scan3A_107 to %scan3A_109 step %scan3A_110  : i32 {
        %mul3A_126 = arith.constant 16 : i32
        %mul3A_127 = arith.muli %scan3A_125, %mul3A_126 : i32
        %add3A_128 = vector.broadcast %mul3A_127 : i32 to vector<16xi32>
        %add3A_129 = arith.addi %add3A_128, %iota3A : vector<16xi32>
        %broadcast_in_dim3A = arith.constant 0 : i32
        %broadcast_in_dim3A_130 = vector.broadcast %broadcast_in_dim3A : i32 to vector<16xi32>
        %gather3A = tpu.vector_load_idx %arg16[%add3A_129, %broadcast_in_dim3A_130] : memref<800x8xf32, #tpu.memory_space<vmem>>[vector<16xi32>, vector<16xi32>], vector<16xf32>,
        %broadcast_in_dim3A_131 = arith.constant 1 : i32
        %broadcast_in_dim3A_132 = vector.broadcast %broadcast_in_dim3A_131 : i32 to vector<16xi32>
        %gather3A_133 = tpu.vector_load_idx %arg16[%add3A_129, %broadcast_in_dim3A_132] : memref<800x8xf32, #tpu.memory_space<vmem>>[vector<16xi32>, vector<16xi32>], vector<16xf32>,
        %broadcast_in_dim3A_134 = arith.constant 2 : i32
        %broadcast_in_dim3A_135 = vector.broadcast %broadcast_in_dim3A_134 : i32 to vector<16xi32>
        %gather3A_136 = tpu.vector_load_idx %arg16[%add3A_129, %broadcast_in_dim3A_135] : memref<800x8xf32, #tpu.memory_space<vmem>>[vector<16xi32>, vector<16xi32>], vector<16xf32>,
        %broadcast_in_dim3A_137 = arith.constant 3 : i32
        %broadcast_in_dim3A_138 = vector.broadcast %broadcast_in_dim3A_137 : i32 to vector<16xi32>
        %gather3A_139 = tpu.vector_load_idx %arg16[%add3A_129, %broadcast_in_dim3A_138] : memref<800x8xf32, #tpu.memory_space<vmem>>[vector<16xi32>, vector<16xi32>], vector<16xf32>,
        %broadcast_in_dim3A_140 = arith.constant 0 : i32
        %broadcast_in_dim3A_141 = vector.broadcast %broadcast_in_dim3A_140 : i32 to vector<16xi32>
        %gather3A_142 = tpu.vector_load_idx %arg10[%add3A_129, %broadcast_in_dim3A_141] : memref<800x16xf32, #tpu.memory_space<vmem>>[vector<16xi32>, vector<16xi32>], vector<16xf32>,
        %mul3A_143 = arith.mulf %gather3A_142, %gather3A : vector<16xf32>
        %broadcast_in_dim3A_144 = arith.constant 1 : i32
        %broadcast_in_dim3A_145 = vector.broadcast %broadcast_in_dim3A_144 : i32 to vector<16xi32>
        %gather3A_146 = tpu.vector_load_idx %arg10[%add3A_129, %broadcast_in_dim3A_145] : memref<800x16xf32, #tpu.memory_space<vmem>>[vector<16xi32>, vector<16xi32>], vector<16xf32>,
        %mul3A_147 = arith.mulf %gather3A_146, %gather3A_133 : vector<16xf32>
        %add3A_148 = arith.addf %mul3A_143, %mul3A_147 : vector<16xf32>
        %broadcast_in_dim3A_149 = arith.constant 2 : i32
        %broadcast_in_dim3A_150 = vector.broadcast %broadcast_in_dim3A_149 : i32 to vector<16xi32>
        %gather3A_151 = tpu.vector_load_idx %arg10[%add3A_129, %broadcast_in_dim3A_150] : memref<800x16xf32, #tpu.memory_space<vmem>>[vector<16xi32>, vector<16xi32>], vector<16xf32>,
        %mul3A_152 = arith.mulf %gather3A_151, %gather3A_136 : vector<16xf32>
        %add3A_153 = arith.addf %add3A_148, %mul3A_152 : vector<16xf32>
        %broadcast_in_dim3A_154 = arith.constant 3 : i32
        %broadcast_in_dim3A_155 = vector.broadcast %broadcast_in_dim3A_154 : i32 to vector<16xi32>
        %gather3A_156 = tpu.vector_load_idx %arg10[%add3A_129, %broadcast_in_dim3A_155] : memref<800x16xf32, #tpu.memory_space<vmem>>[vector<16xi32>, vector<16xi32>], vector<16xf32>,
        %mul3A_157 = arith.mulf %gather3A_156, %gather3A_139 : vector<16xf32>
        %add3A_158 = arith.addf %add3A_153, %mul3A_157 : vector<16xf32>
        %broadcast_in_dim3A_159 = arith.constant 0 : i32
        %broadcast_in_dim3A_160 = vector.broadcast %broadcast_in_dim3A_159 : i32 to vector<16xi32>
        tpu.vector_store_idx %arg17[%add3A_129, %broadcast_in_dim3A_160], %add3A_158 : memref<800x8xf32, #tpu.memory_space<vmem>>[vector<16xi32>, vector<16xi32>], vector<16xf32>,
        %broadcast_in_dim3A_161 = arith.constant 4 : i32
        %broadcast_in_dim3A_162 = vector.broadcast %broadcast_in_dim3A_161 : i32 to vector<16xi32>
        %gather3A_163 = tpu.vector_load_idx %arg10[%add3A_129, %broadcast_in_dim3A_162] : memref<800x16xf32, #tpu.memory_space<vmem>>[vector<16xi32>, vector<16xi32>], vector<16xf32>,
        %mul3A_164 = arith.mulf %gather3A_163, %gather3A : vector<16xf32>
        %broadcast_in_dim3A_165 = arith.constant 5 : i32
        %broadcast_in_dim3A_166 = vector.broadcast %broadcast_in_dim3A_165 : i32 to vector<16xi32>
        %gather3A_167 = tpu.vector_load_idx %arg10[%add3A_129, %broadcast_in_dim3A_166] : memref<800x16xf32, #tpu.memory_space<vmem>>[vector<16xi32>, vector<16xi32>], vector<16xf32>,
        %mul3A_168 = arith.mulf %gather3A_167, %gather3A_133 : vector<16xf32>
        %add3A_169 = arith.addf %mul3A_164, %mul3A_168 : vector<16xf32>
        %broadcast_in_dim3A_170 = arith.constant 6 : i32
        %broadcast_in_dim3A_171 = vector.broadcast %broadcast_in_dim3A_170 : i32 to vector<16xi32>
        %gather3A_172 = tpu.vector_load_idx %arg10[%add3A_129, %broadcast_in_dim3A_171] : memref<800x16xf32, #tpu.memory_space<vmem>>[vector<16xi32>, vector<16xi32>], vector<16xf32>,
        %mul3A_173 = arith.mulf %gather3A_172, %gather3A_136 : vector<16xf32>
        %add3A_174 = arith.addf %add3A_169, %mul3A_173 : vector<16xf32>
        %broadcast_in_dim3A_175 = arith.constant 7 : i32
        %broadcast_in_dim3A_176 = vector.broadcast %broadcast_in_dim3A_175 : i32 to vector<16xi32>
        %gather3A_177 = tpu.vector_load_idx %arg10[%add3A_129, %broadcast_in_dim3A_176] : memref<800x16xf32, #tpu.memory_space<vmem>>[vector<16xi32>, vector<16xi32>], vector<16xf32>,
        %mul3A_178 = arith.mulf %gather3A_177, %gather3A_139 : vector<16xf32>
        %add3A_179 = arith.addf %add3A_174, %mul3A_178 : vector<16xf32>
        %broadcast_in_dim3A_180 = arith.constant 1 : i32
        %broadcast_in_dim3A_181 = vector.broadcast %broadcast_in_dim3A_180 : i32 to vector<16xi32>
        tpu.vector_store_idx %arg17[%add3A_129, %broadcast_in_dim3A_181], %add3A_179 : memref<800x8xf32, #tpu.memory_space<vmem>>[vector<16xi32>, vector<16xi32>], vector<16xf32>,
        %broadcast_in_dim3A_182 = arith.constant 8 : i32
        %broadcast_in_dim3A_183 = vector.broadcast %broadcast_in_dim3A_182 : i32 to vector<16xi32>
        %gather3A_184 = tpu.vector_load_idx %arg10[%add3A_129, %broadcast_in_dim3A_183] : memref<800x16xf32, #tpu.memory_space<vmem>>[vector<16xi32>, vector<16xi32>], vector<16xf32>,
        %mul3A_185 = arith.mulf %gather3A_184, %gather3A : vector<16xf32>
        %broadcast_in_dim3A_186 = arith.constant 9 : i32
        %broadcast_in_dim3A_187 = vector.broadcast %broadcast_in_dim3A_186 : i32 to vector<16xi32>
        %gather3A_188 = tpu.vector_load_idx %arg10[%add3A_129, %broadcast_in_dim3A_187] : memref<800x16xf32, #tpu.memory_space<vmem>>[vector<16xi32>, vector<16xi32>], vector<16xf32>,
        %mul3A_189 = arith.mulf %gather3A_188, %gather3A_133 : vector<16xf32>
        %add3A_190 = arith.addf %mul3A_185, %mul3A_189 : vector<16xf32>
        %broadcast_in_dim3A_191 = arith.constant 10 : i32
        %broadcast_in_dim3A_192 = vector.broadcast %broadcast_in_dim3A_191 : i32 to vector<16xi32>
        %gather3A_193 = tpu.vector_load_idx %arg10[%add3A_129, %broadcast_in_dim3A_192] : memref<800x16xf32, #tpu.memory_space<vmem>>[vector<16xi32>, vector<16xi32>], vector<16xf32>,
        %mul3A_194 = arith.mulf %gather3A_193, %gather3A_136 : vector<16xf32>
        %add3A_195 = arith.addf %add3A_190, %mul3A_194 : vector<16xf32>
        %broadcast_in_dim3A_196 = arith.constant 11 : i32
        %broadcast_in_dim3A_197 = vector.broadcast %broadcast_in_dim3A_196 : i32 to vector<16xi32>
        %gather3A_198 = tpu.vector_load_idx %arg10[%add3A_129, %broadcast_in_dim3A_197] : memref<800x16xf32, #tpu.memory_space<vmem>>[vector<16xi32>, vector<16xi32>], vector<16xf32>,
        %mul3A_199 = arith.mulf %gather3A_198, %gather3A_139 : vector<16xf32>
        %add3A_200 = arith.addf %add3A_195, %mul3A_199 : vector<16xf32>
        %broadcast_in_dim3A_201 = arith.constant 2 : i32
        %broadcast_in_dim3A_202 = vector.broadcast %broadcast_in_dim3A_201 : i32 to vector<16xi32>
        tpu.vector_store_idx %arg17[%add3A_129, %broadcast_in_dim3A_202], %add3A_200 : memref<800x8xf32, #tpu.memory_space<vmem>>[vector<16xi32>, vector<16xi32>], vector<16xf32>,
        %broadcast_in_dim3A_203 = arith.constant 12 : i32
        %broadcast_in_dim3A_204 = vector.broadcast %broadcast_in_dim3A_203 : i32 to vector<16xi32>
        %gather3A_205 = tpu.vector_load_idx %arg10[%add3A_129, %broadcast_in_dim3A_204] : memref<800x16xf32, #tpu.memory_space<vmem>>[vector<16xi32>, vector<16xi32>], vector<16xf32>,
        %mul3A_206 = arith.mulf %gather3A_205, %gather3A : vector<16xf32>
        %broadcast_in_dim3A_207 = arith.constant 13 : i32
        %broadcast_in_dim3A_208 = vector.broadcast %broadcast_in_dim3A_207 : i32 to vector<16xi32>
        %gather3A_209 = tpu.vector_load_idx %arg10[%add3A_129, %broadcast_in_dim3A_208] : memref<800x16xf32, #tpu.memory_space<vmem>>[vector<16xi32>, vector<16xi32>], vector<16xf32>,
        %mul3A_210 = arith.mulf %gather3A_209, %gather3A_133 : vector<16xf32>
        %add3A_211 = arith.addf %mul3A_206, %mul3A_210 : vector<16xf32>
        %broadcast_in_dim3A_212 = arith.constant 14 : i32
        %broadcast_in_dim3A_213 = vector.broadcast %broadcast_in_dim3A_212 : i32 to vector<16xi32>
        %gather3A_214 = tpu.vector_load_idx %arg10[%add3A_129, %broadcast_in_dim3A_213] : memref<800x16xf32, #tpu.memory_space<vmem>>[vector<16xi32>, vector<16xi32>], vector<16xf32>,
        %mul3A_215 = arith.mulf %gather3A_214, %gather3A_136 : vector<16xf32>
        %add3A_216 = arith.addf %add3A_211, %mul3A_215 : vector<16xf32>
        %broadcast_in_dim3A_217 = arith.constant 15 : i32
        %broadcast_in_dim3A_218 = vector.broadcast %broadcast_in_dim3A_217 : i32 to vector<16xi32>
        %gather3A_219 = tpu.vector_load_idx %arg10[%add3A_129, %broadcast_in_dim3A_218] : memref<800x16xf32, #tpu.memory_space<vmem>>[vector<16xi32>, vector<16xi32>], vector<16xf32>,
        %mul3A_220 = arith.mulf %gather3A_219, %gather3A_139 : vector<16xf32>
        %add3A_221 = arith.addf %add3A_216, %mul3A_220 : vector<16xf32>
        %broadcast_in_dim3A_222 = arith.constant 3 : i32
        %broadcast_in_dim3A_223 = vector.broadcast %broadcast_in_dim3A_222 : i32 to vector<16xi32>
        tpu.vector_store_idx %arg17[%add3A_129, %broadcast_in_dim3A_223], %add3A_221 : memref<800x8xf32, #tpu.memory_space<vmem>>[vector<16xi32>, vector<16xi32>], vector<16xf32>,
      }
      %scan3A_111 = arith.constant 50 : i32
      "tpu.region"() ({
        %run_scoped3A = tpu.sem_alloc : memref<!tpu.dma_semaphore, #tpu.memory_space<semaphore_mem>>
        %dma_start3A_125 = arith.constant 0 : i32
        %dma_start3A_126 = arith.constant 0 : i32
        %dma_start3A_127 = tpu.memref_slice %arg8[%dma_start3A_125, %dma_start3A_126] : memref<100096x8xf32, #tpu.memory_space<vmem_shared>> -> memref<100096x8xf32, #tpu.memory_space<vmem_shared>>
        tpu.enqueue_indirect_dma source(%arg17 : memref<800x8xf32, #tpu.memory_space<vmem>>) target(%dma_start3A_127 : memref<100096x8xf32, #tpu.memory_space<vmem_shared>>) offsets(%arg14 : memref<800xi32, #tpu.memory_space<vmem>>) semaphore(%run_scoped3A : memref<!tpu.dma_semaphore, #tpu.memory_space<semaphore_mem>>) {add = true}
        %dma_wait3A_128 = arith.constant 0 : i32
        %dma_wait3A_129 = arith.constant 0 : i32
        %dma_wait3A_130 = tpu.memref_slice %arg8[%dma_wait3A_128, %dma_wait3A_129] : memref<100096x8xf32, #tpu.memory_space<vmem_shared>> -> memref<100096x8xf32, #tpu.memory_space<vmem_shared>>
        tpu.wait_indirect_dma semaphore(%run_scoped3A : memref<!tpu.dma_semaphore, #tpu.memory_space<semaphore_mem>>) src(%arg17 : memref<800x8xf32, #tpu.memory_space<vmem>>) dst(%dma_wait3A_130 : memref<100096x8xf32, #tpu.memory_space<vmem_shared>>)
        tpu.yield
      }) : () -> ()
      %add3A_112 = arith.constant 2400 : i32
      %add3A_113 = arith.addi %add3A_57, %add3A_112 : i32
      %mul3A_114 = arith.constant 2 : i32
      %mul3A_115 = arith.muli %mul3A_114, %scan3A_52 : i32
      %add3A_116 = arith.constant 1 : i32
      %add3A_117 = arith.addi %mul3A_115, %add3A_116 : i32
      %add3A_118 = arith.constant 2 : i32
      %add3A_119 = arith.addi %add3A_117, %add3A_118 : i32
      %lt3A_120 = arith.constant 125 : i32
      %lt3A_121 = arith.cmpi slt, %add3A_119, %lt3A_120 : i32
      %convert_element_type3A_122 = arith.extui %lt3A_121 : i1 to i32
      %cond3A_123 = arith.constant 0 : i32
      %cond3A_124 = arith.cmpi ne, %convert_element_type3A_122, %cond3A_123 : i32
      scf.if %cond3A_124 {
        %dma_start3A_125 = arith.constant 0 : i32
        %dma_start3A_126 = tpu.memref_slice %arg5[%add3A_113, %dma_start3A_125] : memref<3200000x16xf32, #tpu.memory_space<hbm>> -> memref<800x16xf32, #tpu.memory_space<hbm>>
        %dma_start3A_127 = arith.constant 0 : i32
        %dma_start3A_128 = tpu.memref_slice %arg5[%add3A_113, %dma_start3A_127] : memref<3200000x16xf32, #tpu.memory_space<hbm>> -> memref<800x16xf32, #tpu.memory_space<hbm>>
        tpu.enqueue_dma source(%dma_start3A_128 : memref<800x16xf32, #tpu.memory_space<hbm>>) target(%arg10 : memref<800x16xf32, #tpu.memory_space<vmem>>) target_semaphore(%arg19 : memref<!tpu.dma_semaphore, #tpu.memory_space<semaphore_mem>>)
        %dma_start3A_129 = tpu.memref_slice %arg3[%add3A_113] : memref<3200000xi32, #tpu.memory_space<hbm>> -> memref<800xi32, #tpu.memory_space<hbm>>
        %dma_start3A_130 = tpu.memref_slice %arg3[%add3A_113] : memref<3200000xi32, #tpu.memory_space<hbm>> -> memref<800xi32, #tpu.memory_space<hbm>>
        tpu.enqueue_dma source(%dma_start3A_130 : memref<800xi32, #tpu.memory_space<hbm>>) target(%arg12 : memref<800xi32, #tpu.memory_space<vmem>>) target_semaphore(%arg19 : memref<!tpu.dma_semaphore, #tpu.memory_space<semaphore_mem>>)
        %dma_start3A_131 = tpu.memref_slice %arg4[%add3A_113] : memref<3200000xi32, #tpu.memory_space<hbm>> -> memref<800xi32, #tpu.memory_space<hbm>>
        %dma_start3A_132 = tpu.memref_slice %arg4[%add3A_113] : memref<3200000xi32, #tpu.memory_space<hbm>> -> memref<800xi32, #tpu.memory_space<hbm>>
        tpu.enqueue_dma source(%dma_start3A_132 : memref<800xi32, #tpu.memory_space<hbm>>) target(%arg14 : memref<800xi32, #tpu.memory_space<vmem>>) target_semaphore(%arg19 : memref<!tpu.dma_semaphore, #tpu.memory_space<semaphore_mem>>)
      } else {
      }
    }
    %scan3A_26 = arith.constant 62 : i32
    %add3A_27 = arith.constant 99200 : i32
    %add3A_28 = arith.addi %mul3A_4, %add3A_27 : i32
    %dma_wait3A = arith.constant 0 : i32
    %dma_wait3A_29 = tpu.memref_slice %arg5[%add3A_28, %dma_wait3A] : memref<3200000x16xf32, #tpu.memory_space<hbm>> -> memref<800x16xf32, #tpu.memory_space<hbm>>
    %dma_wait3A_30 = arith.constant 0 : i32
    %dma_wait3A_31 = tpu.memref_slice %arg5[%add3A_28, %dma_wait3A_30] : memref<3200000x16xf32, #tpu.memory_space<hbm>> -> memref<800x16xf32, #tpu.memory_space<hbm>>
    tpu.wait_dma2 semaphore(%arg18 : memref<!tpu.dma_semaphore, #tpu.memory_space<semaphore_mem>>) src(%dma_wait3A_31 : memref<800x16xf32, #tpu.memory_space<hbm>>) dst(%arg9 : memref<800x16xf32, #tpu.memory_space<vmem>>)
    %dma_wait3A_32 = tpu.memref_slice %arg3[%add3A_28] : memref<3200000xi32, #tpu.memory_space<hbm>> -> memref<800xi32, #tpu.memory_space<hbm>>
    %dma_wait3A_33 = tpu.memref_slice %arg3[%add3A_28] : memref<3200000xi32, #tpu.memory_space<hbm>> -> memref<800xi32, #tpu.memory_space<hbm>>
    tpu.wait_dma2 semaphore(%arg18 : memref<!tpu.dma_semaphore, #tpu.memory_space<semaphore_mem>>) src(%dma_wait3A_33 : memref<800xi32, #tpu.memory_space<hbm>>) dst(%arg11 : memref<800xi32, #tpu.memory_space<vmem>>)
    %dma_wait3A_34 = tpu.memref_slice %arg4[%add3A_28] : memref<3200000xi32, #tpu.memory_space<hbm>> -> memref<800xi32, #tpu.memory_space<hbm>>
    %dma_wait3A_35 = tpu.memref_slice %arg4[%add3A_28] : memref<3200000xi32, #tpu.memory_space<hbm>> -> memref<800xi32, #tpu.memory_space<hbm>>
    tpu.wait_dma2 semaphore(%arg18 : memref<!tpu.dma_semaphore, #tpu.memory_space<semaphore_mem>>) src(%dma_wait3A_35 : memref<800xi32, #tpu.memory_space<hbm>>) dst(%arg13 : memref<800xi32, #tpu.memory_space<vmem>>)
    %dma_start3A_36 = arith.constant 0 : i32
    %dma_start3A_37 = arith.constant 0 : i32
    %dma_start3A_38 = tpu.memref_slice %arg2[%dma_start3A_36, %dma_start3A_37] : memref<100096x8xf32, #tpu.memory_space<hbm>> -> memref<100096x8xf32, #tpu.memory_space<hbm>>
    tpu.enqueue_indirect_dma source(%dma_start3A_38 : memref<100096x8xf32, #tpu.memory_space<hbm>>) target(%arg15 : memref<800x8xf32, #tpu.memory_space<vmem>>) offsets(%arg11 : memref<800xi32, #tpu.memory_space<vmem>>) semaphore(%arg20 : memref<!tpu.dma_semaphore, #tpu.memory_space<semaphore_mem>>)
    %dma_wait3A_39 = arith.constant 0 : i32
    %dma_wait3A_40 = arith.constant 0 : i32
    %dma_wait3A_41 = tpu.memref_slice %arg2[%dma_wait3A_39, %dma_wait3A_40] : memref<100096x8xf32, #tpu.memory_space<hbm>> -> memref<100096x8xf32, #tpu.memory_space<hbm>>
    tpu.wait_indirect_dma semaphore(%arg20 : memref<!tpu.dma_semaphore, #tpu.memory_space<semaphore_mem>>) src(%dma_wait3A_41 : memref<100096x8xf32, #tpu.memory_space<hbm>>) dst(%arg15 : memref<800x8xf32, #tpu.memory_space<vmem>>)
    %scan3A_42 = arith.constant 0 : i32
    %scan3A_43 = arith.constant 0 : i32
    %scan3A_44 = arith.constant 50 : i32
    %scan3A_45 = arith.addi %scan3A_43, %scan3A_44 : i32
    %scan3A_46 = arith.constant 1 : i32
    scf.for %scan3A_52 = %scan3A_43 to %scan3A_45 step %scan3A_46  : i32 {
      %mul3A_53 = arith.constant 16 : i32
      %mul3A_54 = arith.muli %scan3A_52, %mul3A_53 : i32
      %add3A_55 = vector.broadcast %mul3A_54 : i32 to vector<16xi32>
      %add3A_56 = arith.addi %add3A_55, %iota3A : vector<16xi32>
      %broadcast_in_dim3A = arith.constant 0 : i32
      %broadcast_in_dim3A_57 = vector.broadcast %broadcast_in_dim3A : i32 to vector<16xi32>
      %gather3A = tpu.vector_load_idx %arg15[%add3A_56, %broadcast_in_dim3A_57] : memref<800x8xf32, #tpu.memory_space<vmem>>[vector<16xi32>, vector<16xi32>], vector<16xf32>,
      %broadcast_in_dim3A_58 = arith.constant 1 : i32
      %broadcast_in_dim3A_59 = vector.broadcast %broadcast_in_dim3A_58 : i32 to vector<16xi32>
      %gather3A_60 = tpu.vector_load_idx %arg15[%add3A_56, %broadcast_in_dim3A_59] : memref<800x8xf32, #tpu.memory_space<vmem>>[vector<16xi32>, vector<16xi32>], vector<16xf32>,
      %broadcast_in_dim3A_61 = arith.constant 2 : i32
      %broadcast_in_dim3A_62 = vector.broadcast %broadcast_in_dim3A_61 : i32 to vector<16xi32>
      %gather3A_63 = tpu.vector_load_idx %arg15[%add3A_56, %broadcast_in_dim3A_62] : memref<800x8xf32, #tpu.memory_space<vmem>>[vector<16xi32>, vector<16xi32>], vector<16xf32>,
      %broadcast_in_dim3A_64 = arith.constant 3 : i32
      %broadcast_in_dim3A_65 = vector.broadcast %broadcast_in_dim3A_64 : i32 to vector<16xi32>
      %gather3A_66 = tpu.vector_load_idx %arg15[%add3A_56, %broadcast_in_dim3A_65] : memref<800x8xf32, #tpu.memory_space<vmem>>[vector<16xi32>, vector<16xi32>], vector<16xf32>,
      %broadcast_in_dim3A_67 = arith.constant 0 : i32
      %broadcast_in_dim3A_68 = vector.broadcast %broadcast_in_dim3A_67 : i32 to vector<16xi32>
      %gather3A_69 = tpu.vector_load_idx %arg9[%add3A_56, %broadcast_in_dim3A_68] : memref<800x16xf32, #tpu.memory_space<vmem>>[vector<16xi32>, vector<16xi32>], vector<16xf32>,
      %mul3A_70 = arith.mulf %gather3A_69, %gather3A : vector<16xf32>
      %broadcast_in_dim3A_71 = arith.constant 1 : i32
      %broadcast_in_dim3A_72 = vector.broadcast %broadcast_in_dim3A_71 : i32 to vector<16xi32>
      %gather3A_73 = tpu.vector_load_idx %arg9[%add3A_56, %broadcast_in_dim3A_72] : memref<800x16xf32, #tpu.memory_space<vmem>>[vector<16xi32>, vector<16xi32>], vector<16xf32>,
      %mul3A_74 = arith.mulf %gather3A_73, %gather3A_60 : vector<16xf32>
      %add3A_75 = arith.addf %mul3A_70, %mul3A_74 : vector<16xf32>
      %broadcast_in_dim3A_76 = arith.constant 2 : i32
      %broadcast_in_dim3A_77 = vector.broadcast %broadcast_in_dim3A_76 : i32 to vector<16xi32>
      %gather3A_78 = tpu.vector_load_idx %arg9[%add3A_56, %broadcast_in_dim3A_77] : memref<800x16xf32, #tpu.memory_space<vmem>>[vector<16xi32>, vector<16xi32>], vector<16xf32>,
      %mul3A_79 = arith.mulf %gather3A_78, %gather3A_63 : vector<16xf32>
      %add3A_80 = arith.addf %add3A_75, %mul3A_79 : vector<16xf32>
      %broadcast_in_dim3A_81 = arith.constant 3 : i32
      %broadcast_in_dim3A_82 = vector.broadcast %broadcast_in_dim3A_81 : i32 to vector<16xi32>
      %gather3A_83 = tpu.vector_load_idx %arg9[%add3A_56, %broadcast_in_dim3A_82] : memref<800x16xf32, #tpu.memory_space<vmem>>[vector<16xi32>, vector<16xi32>], vector<16xf32>,
      %mul3A_84 = arith.mulf %gather3A_83, %gather3A_66 : vector<16xf32>
      %add3A_85 = arith.addf %add3A_80, %mul3A_84 : vector<16xf32>
      %broadcast_in_dim3A_86 = arith.constant 0 : i32
      %broadcast_in_dim3A_87 = vector.broadcast %broadcast_in_dim3A_86 : i32 to vector<16xi32>
      tpu.vector_store_idx %arg17[%add3A_56, %broadcast_in_dim3A_87], %add3A_85 : memref<800x8xf32, #tpu.memory_space<vmem>>[vector<16xi32>, vector<16xi32>], vector<16xf32>,
      %broadcast_in_dim3A_88 = arith.constant 4 : i32
      %broadcast_in_dim3A_89 = vector.broadcast %broadcast_in_dim3A_88 : i32 to vector<16xi32>
      %gather3A_90 = tpu.vector_load_idx %arg9[%add3A_56, %broadcast_in_dim3A_89] : memref<800x16xf32, #tpu.memory_space<vmem>>[vector<16xi32>, vector<16xi32>], vector<16xf32>,
      %mul3A_91 = arith.mulf %gather3A_90, %gather3A : vector<16xf32>
      %broadcast_in_dim3A_92 = arith.constant 5 : i32
      %broadcast_in_dim3A_93 = vector.broadcast %broadcast_in_dim3A_92 : i32 to vector<16xi32>
      %gather3A_94 = tpu.vector_load_idx %arg9[%add3A_56, %broadcast_in_dim3A_93] : memref<800x16xf32, #tpu.memory_space<vmem>>[vector<16xi32>, vector<16xi32>], vector<16xf32>,
      %mul3A_95 = arith.mulf %gather3A_94, %gather3A_60 : vector<16xf32>
      %add3A_96 = arith.addf %mul3A_91, %mul3A_95 : vector<16xf32>
      %broadcast_in_dim3A_97 = arith.constant 6 : i32
      %broadcast_in_dim3A_98 = vector.broadcast %broadcast_in_dim3A_97 : i32 to vector<16xi32>
      %gather3A_99 = tpu.vector_load_idx %arg9[%add3A_56, %broadcast_in_dim3A_98] : memref<800x16xf32, #tpu.memory_space<vmem>>[vector<16xi32>, vector<16xi32>], vector<16xf32>,
      %mul3A_100 = arith.mulf %gather3A_99, %gather3A_63 : vector<16xf32>
      %add3A_101 = arith.addf %add3A_96, %mul3A_100 : vector<16xf32>
      %broadcast_in_dim3A_102 = arith.constant 7 : i32
      %broadcast_in_dim3A_103 = vector.broadcast %broadcast_in_dim3A_102 : i32 to vector<16xi32>
      %gather3A_104 = tpu.vector_load_idx %arg9[%add3A_56, %broadcast_in_dim3A_103] : memref<800x16xf32, #tpu.memory_space<vmem>>[vector<16xi32>, vector<16xi32>], vector<16xf32>,
      %mul3A_105 = arith.mulf %gather3A_104, %gather3A_66 : vector<16xf32>
      %add3A_106 = arith.addf %add3A_101, %mul3A_105 : vector<16xf32>
      %broadcast_in_dim3A_107 = arith.constant 1 : i32
      %broadcast_in_dim3A_108 = vector.broadcast %broadcast_in_dim3A_107 : i32 to vector<16xi32>
      tpu.vector_store_idx %arg17[%add3A_56, %broadcast_in_dim3A_108], %add3A_106 : memref<800x8xf32, #tpu.memory_space<vmem>>[vector<16xi32>, vector<16xi32>], vector<16xf32>,
      %broadcast_in_dim3A_109 = arith.constant 8 : i32
      %broadcast_in_dim3A_110 = vector.broadcast %broadcast_in_dim3A_109 : i32 to vector<16xi32>
      %gather3A_111 = tpu.vector_load_idx %arg9[%add3A_56, %broadcast_in_dim3A_110] : memref<800x16xf32, #tpu.memory_space<vmem>>[vector<16xi32>, vector<16xi32>], vector<16xf32>,
      %mul3A_112 = arith.mulf %gather3A_111, %gather3A : vector<16xf32>
      %broadcast_in_dim3A_113 = arith.constant 9 : i32
      %broadcast_in_dim3A_114 = vector.broadcast %broadcast_in_dim3A_113 : i32 to vector<16xi32>
      %gather3A_115 = tpu.vector_load_idx %arg9[%add3A_56, %broadcast_in_dim3A_114] : memref<800x16xf32, #tpu.memory_space<vmem>>[vector<16xi32>, vector<16xi32>], vector<16xf32>,
      %mul3A_116 = arith.mulf %gather3A_115, %gather3A_60 : vector<16xf32>
      %add3A_117 = arith.addf %mul3A_112, %mul3A_116 : vector<16xf32>
      %broadcast_in_dim3A_118 = arith.constant 10 : i32
      %broadcast_in_dim3A_119 = vector.broadcast %broadcast_in_dim3A_118 : i32 to vector<16xi32>
      %gather3A_120 = tpu.vector_load_idx %arg9[%add3A_56, %broadcast_in_dim3A_119] : memref<800x16xf32, #tpu.memory_space<vmem>>[vector<16xi32>, vector<16xi32>], vector<16xf32>,
      %mul3A_121 = arith.mulf %gather3A_120, %gather3A_63 : vector<16xf32>
      %add3A_122 = arith.addf %add3A_117, %mul3A_121 : vector<16xf32>
      %broadcast_in_dim3A_123 = arith.constant 11 : i32
      %broadcast_in_dim3A_124 = vector.broadcast %broadcast_in_dim3A_123 : i32 to vector<16xi32>
      %gather3A_125 = tpu.vector_load_idx %arg9[%add3A_56, %broadcast_in_dim3A_124] : memref<800x16xf32, #tpu.memory_space<vmem>>[vector<16xi32>, vector<16xi32>], vector<16xf32>,
      %mul3A_126 = arith.mulf %gather3A_125, %gather3A_66 : vector<16xf32>
      %add3A_127 = arith.addf %add3A_122, %mul3A_126 : vector<16xf32>
      %broadcast_in_dim3A_128 = arith.constant 2 : i32
      %broadcast_in_dim3A_129 = vector.broadcast %broadcast_in_dim3A_128 : i32 to vector<16xi32>
      tpu.vector_store_idx %arg17[%add3A_56, %broadcast_in_dim3A_129], %add3A_127 : memref<800x8xf32, #tpu.memory_space<vmem>>[vector<16xi32>, vector<16xi32>], vector<16xf32>,
      %broadcast_in_dim3A_130 = arith.constant 12 : i32
      %broadcast_in_dim3A_131 = vector.broadcast %broadcast_in_dim3A_130 : i32 to vector<16xi32>
      %gather3A_132 = tpu.vector_load_idx %arg9[%add3A_56, %broadcast_in_dim3A_131] : memref<800x16xf32, #tpu.memory_space<vmem>>[vector<16xi32>, vector<16xi32>], vector<16xf32>,
      %mul3A_133 = arith.mulf %gather3A_132, %gather3A : vector<16xf32>
      %broadcast_in_dim3A_134 = arith.constant 13 : i32
      %broadcast_in_dim3A_135 = vector.broadcast %broadcast_in_dim3A_134 : i32 to vector<16xi32>
      %gather3A_136 = tpu.vector_load_idx %arg9[%add3A_56, %broadcast_in_dim3A_135] : memref<800x16xf32, #tpu.memory_space<vmem>>[vector<16xi32>, vector<16xi32>], vector<16xf32>,
      %mul3A_137 = arith.mulf %gather3A_136, %gather3A_60 : vector<16xf32>
      %add3A_138 = arith.addf %mul3A_133, %mul3A_137 : vector<16xf32>
      %broadcast_in_dim3A_139 = arith.constant 14 : i32
      %broadcast_in_dim3A_140 = vector.broadcast %broadcast_in_dim3A_139 : i32 to vector<16xi32>
      %gather3A_141 = tpu.vector_load_idx %arg9[%add3A_56, %broadcast_in_dim3A_140] : memref<800x16xf32, #tpu.memory_space<vmem>>[vector<16xi32>, vector<16xi32>], vector<16xf32>,
      %mul3A_142 = arith.mulf %gather3A_141, %gather3A_63 : vector<16xf32>
      %add3A_143 = arith.addf %add3A_138, %mul3A_142 : vector<16xf32>
      %broadcast_in_dim3A_144 = arith.constant 15 : i32
      %broadcast_in_dim3A_145 = vector.broadcast %broadcast_in_dim3A_144 : i32 to vector<16xi32>
      %gather3A_146 = tpu.vector_load_idx %arg9[%add3A_56, %broadcast_in_dim3A_145] : memref<800x16xf32, #tpu.memory_space<vmem>>[vector<16xi32>, vector<16xi32>], vector<16xf32>,
      %mul3A_147 = arith.mulf %gather3A_146, %gather3A_66 : vector<16xf32>
      %add3A_148 = arith.addf %add3A_143, %mul3A_147 : vector<16xf32>
      %broadcast_in_dim3A_149 = arith.constant 3 : i32
      %broadcast_in_dim3A_150 = vector.broadcast %broadcast_in_dim3A_149 : i32 to vector<16xi32>
      tpu.vector_store_idx %arg17[%add3A_56, %broadcast_in_dim3A_150], %add3A_148 : memref<800x8xf32, #tpu.memory_space<vmem>>[vector<16xi32>, vector<16xi32>], vector<16xf32>,
    }
    %scan3A_47 = arith.constant 50 : i32
    "tpu.region"() ({
      %run_scoped3A = tpu.sem_alloc : memref<!tpu.dma_semaphore, #tpu.memory_space<semaphore_mem>>
      %dma_start3A_52 = arith.constant 0 : i32
      %dma_start3A_53 = arith.constant 0 : i32
      %dma_start3A_54 = tpu.memref_slice %arg8[%dma_start3A_52, %dma_start3A_53] : memref<100096x8xf32, #tpu.memory_space<vmem_shared>> -> memref<100096x8xf32, #tpu.memory_space<vmem_shared>>
      tpu.enqueue_indirect_dma source(%arg17 : memref<800x8xf32, #tpu.memory_space<vmem>>) target(%dma_start3A_54 : memref<100096x8xf32, #tpu.memory_space<vmem_shared>>) offsets(%arg13 : memref<800xi32, #tpu.memory_space<vmem>>) semaphore(%run_scoped3A : memref<!tpu.dma_semaphore, #tpu.memory_space<semaphore_mem>>) {add = true}
      %dma_wait3A_55 = arith.constant 0 : i32
      %dma_wait3A_56 = arith.constant 0 : i32
      %dma_wait3A_57 = tpu.memref_slice %arg8[%dma_wait3A_55, %dma_wait3A_56] : memref<100096x8xf32, #tpu.memory_space<vmem_shared>> -> memref<100096x8xf32, #tpu.memory_space<vmem_shared>>
      tpu.wait_indirect_dma semaphore(%run_scoped3A : memref<!tpu.dma_semaphore, #tpu.memory_space<semaphore_mem>>) src(%arg17 : memref<800x8xf32, #tpu.memory_space<vmem>>) dst(%dma_wait3A_57 : memref<100096x8xf32, #tpu.memory_space<vmem_shared>>)
      tpu.yield
    }) : () -> ()
    %barrier3A_48 = arith.constant 0 : index
    tpu.barrier barrier_id(%barrier3A_48)
    %mul3A_49 = arith.constant 100096 : i32
    %mul3A_50 = arith.muli %arg0, %mul3A_49 : i32
    %add3A_51 = arith.addi %mul3A_50, %mul3A_2 : i32
    "tpu.region"() ({
      %run_scoped3A = tpu.sem_alloc : memref<!tpu.dma_semaphore, #tpu.memory_space<semaphore_mem>>
      %dma_start3A_52 = arith.constant 0 : i32
      %dma_start3A_53 = tpu.memref_slice %arg7[%add3A_51, %dma_start3A_52] : memref<200192x8xf32, #tpu.memory_space<hbm>> -> memref<6256x8xf32, #tpu.memory_space<hbm>>
      %dma_start3A_54 = arith.constant 0 : i32
      %dma_start3A_55 = tpu.memref_slice %arg8[%mul3A_2, %dma_start3A_54] : memref<100096x8xf32, #tpu.memory_space<vmem_shared>> -> memref<6256x8xf32, #tpu.memory_space<vmem_shared>>
      tpu.enqueue_dma source(%dma_start3A_55 : memref<6256x8xf32, #tpu.memory_space<vmem_shared>>) target(%dma_start3A_53 : memref<6256x8xf32, #tpu.memory_space<hbm>>) target_semaphore(%run_scoped3A : memref<!tpu.dma_semaphore, #tpu.memory_space<semaphore_mem>>)
      %dma_wait3A_56 = arith.constant 0 : i32
      %dma_wait3A_57 = tpu.memref_slice %arg7[%add3A_51, %dma_wait3A_56] : memref<200192x8xf32, #tpu.memory_space<hbm>> -> memref<6256x8xf32, #tpu.memory_space<hbm>>
      %dma_wait3A_58 = arith.constant 0 : i32
      %dma_wait3A_59 = tpu.memref_slice %arg8[%mul3A_2, %dma_wait3A_58] : memref<100096x8xf32, #tpu.memory_space<vmem_shared>> -> memref<6256x8xf32, #tpu.memory_space<vmem_shared>>
      tpu.wait_dma2 semaphore(%run_scoped3A : memref<!tpu.dma_semaphore, #tpu.memory_space<semaphore_mem>>) src(%dma_wait3A_59 : memref<6256x8xf32, #tpu.memory_space<vmem_shared>>) dst(%dma_wait3A_57 : memref<6256x8xf32, #tpu.memory_space<hbm>>)
      tpu.yield
    }) : () -> ()
    return
  }
}

module attributes {stable_mosaic.version = 14 : i64} {
  func.func @_combine_body(%arg0: i32, %arg1: memref<2x272x128xf32, #tpu.memory_space<vmem>>, %arg2: memref<272x128xf32, #tpu.memory_space<vmem>>) attributes {dimension_semantics = [#tpu.dimension_semantics<arbitrary>], iteration_bounds = array<i64: 23>, scalar_prefetch = 0 : i64, scratch_operands = 0 : i64, tpu.core_type = #tpu.core_type<tc>, window_params = [{transform_indices = @transform_0, window_bounds = array<i64: 2, 272, 128>}, {transform_indices = @transform_1, window_bounds = array<i64: 272, 128>}]} {
    %get3A = arith.constant 0 : index
    %get3A_0 = arith.constant 0 : index
    %get3A_1 = arith.constant 0 : index
    %get3A_2 = vector.load %arg1[%get3A, %get3A_0, %get3A_1] : memref<2x272x128xf32, #tpu.memory_space<vmem>>, vector<1x272x128xf32>
    %get3A_3 = vector.shape_cast %get3A_2 : vector<1x272x128xf32> to vector<272x128xf32>
    %get3A_4 = arith.constant 1 : index
    %get3A_5 = arith.constant 0 : index
    %get3A_6 = arith.constant 0 : index
    %get3A_7 = vector.load %arg1[%get3A_4, %get3A_5, %get3A_6] : memref<2x272x128xf32, #tpu.memory_space<vmem>>, vector<1x272x128xf32>
    %get3A_8 = vector.shape_cast %get3A_7 : vector<1x272x128xf32> to vector<272x128xf32>
    %add3A = arith.addf %get3A_3, %get3A_8 : vector<272x128xf32>
    %swap3A = arith.constant 0 : index
    %swap3A_9 = arith.constant 0 : index
    %swap3A_10 = vector.load %arg2[%swap3A, %swap3A_9] : memref<272x128xf32, #tpu.memory_space<vmem>>, vector<272x128xf32>
    tpu.vector_store %arg2[%swap3A, %swap3A_9], %add3A {strides = array<i32>} : memref<272x128xf32, #tpu.memory_space<vmem>>, vector<272x128xf32>,
    return
  }
  func.func @transform_0(%arg0: i32) -> (i32, i32, i32) {
    %c0_i32 = arith.constant 0 : i32
    %c0_i32_0 = arith.constant 0 : i32
    %c0_i32_1 = arith.constant 0 : i32
    return %c0_i32, %arg0, %c0_i32_0 : i32, i32, i32
  }
  func.func @transform_1(%arg0: i32) -> (i32, i32) {
    %c0_i32 = arith.constant 0 : i32
    %c0_i32_0 = arith.constant 0 : i32
    return %arg0, %c0_i32 : i32, i32
  }
}

</mosaic_0001>

<sc_bundles>
// kernel: kernel.6.cloned.1.call-start
scs
__scs_entry_jumppad:
0x0: {  	(pc) =	sbr.rel $0x88, $3  }
0x1: {  	(tag) =	ssettag $0x0;
	lr =	simm.s32 $0x1  }
0x2: {  	[smem:$0x3F9E] =	sst lr;
	_ =	strace $0xD0000000  }
0x3: {  	_ = 	snop  }
0x4: {  	_ = 	snop  }
0x5: {  	_ = 	snop  }
0x6: {  	_ = 	snop  }
0x7: {  	_ = 	snop  }
__scs_overlays_trampoline_lowered:
0x8: {  	[smem:$0x3FAD] =	sst s0  }
0x9: {  	[smem:$0x3FAE] =	sst s1  }
0xa: {  	[smem:$0x3FAF] =	sst s2  }
0xb: {  	[smem:$0x3FB0] =	sst s3  }
0xc: {  	[smem:$0x3FB1] =	sst s4  }
0xd: {  	[smem:$0x3FB2] =	sst s5  }
0xe: {  	[smem:$0x3FB3] =	sst s6  }
0xf: {  	[smem:$0x3FB4] =	sst s7  }
0x10: {  	[smem:$0x3FB5] =	sst s8  }
0x11: {  	[smem:$0x3FB6] =	sst s9;
	s0 =	simm.s32 @!p0 $0x0  }
0x12: {  	s1 =	sld [smem:$0x3F9C];
	s0 =	simm.s32 @p0 $0x1  }
0x13: {  	[smem:$0x3FB7] =	sst s0;
	s0 =	simm.s32 @!p1 $0x0  }
0x14: {  	s2 =	sld [smem:$0x3F9B];
	s0 =	simm.s32 @p1 $0x1  }
0x15: {  	[smem:$0x3FB8] =	sst s0;
	s0 =	simm.s32 @!p2 $0x0  }
0x16: {  	s3 =	sld [smem:$0x3FDB];
	s0 =	simm.s32 @p2 $0x1  }
0x17: {  	s4 =	simm.s32 $0x1BF5;
	[smem:$0x3FBA] =	sst s0  }
0x18: {  	s0 =	sld [smem:$0x3F9D];
	_ =	swait.ge [sflag:s4], $0x0  }
0x19: {  	s7 =	sld [smem:$0x3F9E]  }
0x1a: {  	s8 =	sadd.s32 $0xFFFFE003, lr  }
0x1b: {  	s9 =	sadd.s32 $0xFFFFFEF7, lr;
	s5 =	simm.s32 $0xFFFFFFFF;
	p2 =	slt.u32 s8, $0xFFFFF086  }
0x1c: {  	p1 =	slt.u32 s9, $0xF7A;
	s5 =	simm.s32 @!p2 $0x0  }
0x1d: {  	s5 =	simm.s32 @p1 $0x1;
	p0 =	seq.s32 s7, s2  }
0x1e: {  	s7 =	smul.u32 @!p0 $0xF7A, s2;
	p2 =	seq.s32 @!p0 s5, $0x0  }
0x1f: {  	s9 =	smul.u32 $0xF7A, s1;
	s8 =	simm.s32 @!p0 $0x1BF5;
	p2 =	por !p2, p0  }
0x20: {  	[sflag:s8] =	ssyncset.s32 @!p0 $0xFFFFF086;
	s6 =	sadd.s32 @!p0 s3, s7;
	s7 =	simm.s32 @!p0 $0x108  }
0x21: {  	s3 =	sadd.s32 s3, s9;
	s6 =	sadd.s32 @!p0 $0x88, s6;
	s7 =	simm.s32 @p2 $0x1082  }
0x22: {  	[simem:s7], [sflag:s8] =	dma.local @!p0 [hbm:s6], $0xF7A  }
0x23: {  	s9 =	sor.u32 $0xD0000000, s2;
	s6 =	simm.s32 $0x108;
	_ =	swait.ge @!p0 [sflag:s8], $0x0  }
0x24: {  	s3 =	sadd.s32 $0x88, s3;
	s6 =	simm.s32 @!p1 $0x1082;
	[sflag:s4] =	ssyncset.s32 $0xFFFFF086  }
0x25: {  	[simem:s6], [sflag:s4] =	dma.local [hbm:s3], $0xF7A  }
0x26: {  	[smem:$0x3F9E] =	sst s1;
	(tag) =	ssettag s2;
	_ =	strace s9  }
0x27: {  	s1 =	sld [smem:$0x3FAE]  }
0x28: {  	s2 =	sld [smem:$0x3FAF]  }
0x29: {  	s4 =	sld [smem:$0x3FB1]  }
0x2a: {  	p0 =	seq.s32 s5, $0x0;
	s5 =	sld [smem:$0x3FB2]  }
0x2b: {  	s6 =	sld [smem:$0x3FB3]  }
0x2c: {  	s7 =	sld [smem:$0x3FB4]  }
0x2d: {  	s3 =	simm.s32 $0x108;
	s8 =	sld [smem:$0x3FB5]  }
0x2e: {  	s3 =	simm.s32 @!p0 $0x1082;
	s9 =	sld [smem:$0x3FB6]  }
0x2f: {  	lr =	sadd.s32 s0, s3;
	s0 =	sld [smem:$0x3FAD]  }
0x30: {  	s3 =	sld [smem:$0x3FB0]  }
0x31: {  	[smem:$0x3FB9] =	sst s10  }
0x32: {  	s10 =	sld [smem:$0x3FB7];
	_ =	sdelay $0x3  }
0x33: {  	p0 =	seq.s32 s10, $0x1;
	s10 =	sld [smem:$0x3FB9];
	_ =	sdelay $0x3  }
0x34: {  	[smem:$0x3FB9] =	sst s10  }
0x35: {  	s10 =	sld [smem:$0x3FB8];
	_ =	sdelay $0x3  }
0x36: {  	p1 =	seq.s32 s10, $0x1;
	s10 =	sld [smem:$0x3FB9];
	_ =	sdelay $0x3  }
0x37: {  	[smem:$0x3FB9] =	sst s10  }
0x38: {  	s10 =	sld [smem:$0x3FBA]  }
0x39: {  	_ = 	snop;
	(pc) =	sbr.ind lr, $3  }
0x3a: {  	_ = 	snop  }
0x3b: {  	_ = 	snop  }
0x3c: {  	p2 =	seq.s32 s10, $0x1;
	s10 =	sld [smem:$0x3FB9]  }
0x3d: {  	_ =	shalt  }
0x3e: {  	_ =	shalt  }
0x3f: {  	_ =	shalt  }
0x40: {  	_ =	shalt  }
0x41: {  	_ =	shalt  }
0x42: {  	_ =	shalt  }
0x43: {  	_ =	shalt  }
0x44: {  	_ =	shalt  }
0x45: {  	_ =	shalt  }
0x46: {  	_ =	shalt  }
0x47: {  	_ =	shalt  }
0x48: {  	_ =	shalt  }
0x49: {  	_ =	shalt  }
0x4a: {  	_ =	shalt  }
0x4b: {  	_ =	shalt  }
0x4c: {  	_ =	shalt  }
0x4d: {  	_ =	shalt  }
0x4e: {  	_ =	shalt  }
0x4f: {  	_ =	shalt  }
0x50: {  	_ =	shalt  }
0x51: {  	_ =	shalt  }
0x52: {  	_ =	shalt  }
0x53: {  	_ =	shalt  }
0x54: {  	_ =	shalt  }
0x55: {  	_ =	shalt  }
0x56: {  	_ =	shalt  }
0x57: {  	_ =	shalt  }
0x58: {  	_ =	shalt  }
0x59: {  	_ =	shalt  }
0x5a: {  	_ =	shalt  }
0x5b: {  	_ =	shalt  }
0x5c: {  	_ =	shalt  }
0x5d: {  	_ =	shalt  }
0x5e: {  	_ =	shalt  }
0x5f: {  	_ =	shalt  }
0x60: {  	_ =	shalt  }
0x61: {  	_ =	shalt  }
0x62: {  	_ =	shalt  }
0x63: {  	_ =	shalt  }
0x64: {  	_ =	shalt  }
0x65: {  	_ =	shalt  }
0x66: {  	_ =	shalt  }
0x67: {  	_ =	shalt  }
0x68: {  	_ =	shalt  }
0x69: {  	_ =	shalt  }
0x6a: {  	_ =	shalt  }
0x6b: {  	_ =	shalt  }
0x6c: {  	_ =	shalt  }
0x6d: {  	_ =	shalt  }
0x6e: {  	_ =	shalt  }
0x6f: {  	_ =	shalt  }
0x70: {  	_ =	shalt  }
0x71: {  	_ =	shalt  }
0x72: {  	_ =	shalt  }
0x73: {  	_ =	shalt  }
0x74: {  	_ =	shalt  }
0x75: {  	_ =	shalt  }
0x76: {  	_ =	shalt  }
0x77: {  	_ =	shalt  }
0x78: {  	_ =	shalt  }
0x79: {  	_ =	shalt  }
0x7a: {  	_ =	shalt  }
0x7b: {  	_ =	shalt  }
0x7c: {  	_ =	shalt  }
0x7d: {  	_ =	shalt  }
0x7e: {  	_ =	shalt  }
0x7f: {  	_ =	shalt  }
0x80: {  	_ =	shalt  }
0x81: {  	_ =	shalt  }
0x82: {  	_ =	shalt  }
0x83: {  	_ =	shalt  }
0x84: {  	_ =	shalt  }
0x85: {  	_ =	shalt  }
0x86: {  	_ =	shalt  }
0x87: {  	_ =	shalt  }
.Lfunc_end0:
.L_simem_size_0:
called_computation.1_lowered:
.L_overlay_start_0:
0x88: {  	s2 =	sld [smem:$0x3FD9]  }
0x89: {  	s3 =	sld [smem:$0x3FFE];
	_ =	sdelay $0x1  }
0x8a: {  	s1 =	srdreg.scid  }
0x8b: {  	s0 =	sand.u32 $0x1, s1  }
0x8c: {  	s16 =	sshll.u32 s0, $0xA;
	s2 =	sadd.s32 s3, s2  }
0x8d: {  	s2 =	sadd.s32 s2, s16  }
0x8e: {  	[smem:$0x3FC5] =	sst s2  }
0x8f: {  	_ = 	snop  }
0x90: {  	(tm) =	ssettm $0x1  }
0x91: {  	s17 =	sld [smem:$0x3FFB];
	_ =	sdelay $0x3  }
0x92: {  	_ =	strace s17  }
0x93: {  	s2 =	sld [smem:$0x3FFC];
	_ =	sdelay $0x3  }
0x94: {  	_ =	strace s2  }
0x95: {  	s2 =	sld [smem:$0x3FFD];
	_ =	sdelay $0x3  }
0x96: {  	_ =	strace s2  }
0x97: {  	_ =	strace $0x8FFFFFFF  }
0x98: {  	s18 =	sld [smem:$0x3FDB];
	_ =	sdelay $0x1  }
0x99: {  	s19 =	simm.s32 $_scs_section_size  }
0x9a: {  	s4 =	simm.s32 $_size__tile_overlayer_lowered;
	s5 =	simm.s32 $_tile_overlayer_lowered  }
0x9b: {  	s22 =	simm.s32 $0x1BFF;
	s21 =	sshll.u32 s5, $0x1;
	s2 =	sadd.s32 s19, s18  }
0x9c: {  	s6 =	simm.s32 $0x0;
	s20 =	sshll.u32 s4, $0x1;
	s4 =	sadd.s32 s21, s2  }
0x9d: {  	[timem:s6], [sflag:s22] =	dma.local [hbm:s4], s20  }
0x9e: {  	_ =	swait.ge [sflag:s22], s20  }
0x9f: {  	s3 =	ssub.s32 $0x0, s20;
	[sflag:s22] =	ssyncset.done $0x0  }
0xa0: {  	[sflag:s22] =	ssyncadd.s32 s3;
	_ =	sdelay $0x1  }
0xa1: {  	s23 =	simm.s32 $0x1B8B  }
0xa2: {  	_ =	swait.ge [sflag:s23], $0x1  }
0xa3: {  	[sflag:s23] =	ssyncset.done $0x0  }
0xa4: {  	s25 =	simm.s32 $0x1B8E;
	s24 =	sld [smem:$0x3FFE];
	[sflag:s23] =	ssyncadd.s32 $0xFFFFFFFF  }
0xa5: {  	s26 =	simm.s32 $execute0_lowered;
	[smem:$0x3FD2] =	sst s25  }
0xa6: {  	s4 =	sshll.u32 s26, $0x1;
	_ =	strace $0x80000049;
	[dreg:$0x1] =	wrdreg $0xFFFFFFFF  }
0xa7: {  	s28 =	simm.s32 $_size_execute0_lowered;
	s2 =	sadd.s32 s2, s4;
	[dreg:$0x0] =	wrdreg $0x0  }
0xa8: {  	s4 =	sshll.u32 s28, $0x1;
	[dreg:$0x2] =	wrdreg s2  }
0xa9: {  	[dreg:$0x3] =	wrdreg s4  }
0xaa: {  	[dreg:$0x4] =	wrdreg $0xC0  }
0xab: {  	_ =	task [dreg:s6], $0x5FFFF  }
0xac: {  	[dreg:$0x1] =	wrdreg $0xFFFFFFFF  }
0xad: {  	[dreg:$0x0] =	wrdreg $0x60  }
0xae: {  	[dreg:$0x2] =	wrdreg s24  }
0xaf: {  	[dreg:$0x3] =	wrdreg $0x0  }
0xb0: {  	[dreg:$0x4] =	wrdreg $0x9  }
0xb1: {  	_ =	task.clear_ibuf [dreg:s6], $0x5FFFF;
	_ =	strace $0x90000049  }
0xb2: {  	s29 =	simm.s32 $0x9;
	_ =	strace $0x8000004B  }
0xb3: {  	_ =	swait.ge [sflag:s29], $0x1  }
0xb4: {  	[sflag:s29] =	ssyncadd.s32 $0xFFFFFFFF  }
0xb5: {  	_ =	strace $0x9000004B  }
0xb6: {  	_ =	sfence  }
0xb7: {  	s30 =	sld [smem:$0x0];
	_ =	sdelay $0x2  }
0xb8: {  	s31 =	sshll.u32 s1, $0xD;
	s1 =	sshrl.u32 s1, $0x2  }
0xb9: {  	s3 =	sand.u32 $0x4000, s31;
	s1 =	sadd.s32 s1, s30  }
0xba: {  	s0 =	sor.u32 s3, s0;
	s1 =	sshll.u32 s1, $0x11  }
0xbb: {  	s0 =	sor.u32 s1, s0  }
0xbc: {  	s0 =	sadd.s32 $0x8F2B, s0  }
0xbd: {  	[sflag:s0] =	ssyncadd.remote.s32 $0x1  }
0xbe: {  	_ =	sfence.sel $0xFFFF  }
0xbf: {  	[dreg:$0x0] =	wrdreg $0xFFFFFFFF;
	(pc) =	sbr.abs _section_cstart, $3  }
0xc0: {  	[dreg:$0x1] =	wrdreg $0xFFFFFFFF  }
0xc1: {  	_ =	task.clear_ibuf [dreg:s6], $0x2FFFF;
	_ =	strace $0x9FFFFFFF  }
0xc2: {  	(tm) =	ssettm $0x7FFFFFFF  }
0xc3: {  	_ =	shalt  }
tec
execute0_lowered:
.L_overlay_start_1:
0x0: {  	(tag) =	ssettag $0x1  }
0x1: {  	s0 =	rddreg [dreg:$0x0]  }
0x2: {  	s1 =	rddreg [dreg:$0x1];
	s2 =	simm.s32 $0x0;
	s5 =	srdreg.scid  }
0x3: {  	s14 =	stileid.u32;
	s28 =	simm.s32 $0x12AA0;
	s29 =	simm.s32 $0x130E0  }
0x4: {  	s31 =	simm.s32 $0x320;
	[smem:$0x7FF] =	sst s2;
	s3 =	sadd.s32 $0x37B3600, s0  }
0x5: {  	s30 =	simm.s32 $0x1;
	s4 =	sadd.s32 $0x3751A00, s0;
	s6 =	sadd.s32 $0x36EFE00, s0  }
0x6: {  	s7 =	sadd.s32 $0x1600, s0;
	s8 =	sadd.s32 $0x61BE00, s0;
	s9 =	smul.u32 $0x1870, s14  }
0x7: {  	s5 =	sand.u32 $0x1, s5;
	s13 =	smul.u32 $0xC380, s14;
	_ =	strace $0x8000004A  }
0x8: {  	s10 =	ssub.s32 $0x2, s5;
	s11 =	sshll.u32 s5, $0x4;
	s5 =	smul.u32 $0x18700, s5  }
0x9: {  	s12 =	sshrl.u32 s10, $0x1;
	s11 =	sor.u32 s14, s11;
	s0 =	sadd.s32 s9, s0  }
0xa: {  	s18 =	sshrl.u32 s13, $0x3;
	s14 =	sshll.u32 s14, $0x6;
	s9 =	smul.u32 $0x186A0, s11  }
0xb: {  	s13 =	sadd.s32 s13, s1;
	s10 =	ssub.s32 s10, s12;
	s15 =	smul.u32 $0x30D40, s11  }
0xc: {  	s19 =	sadd.s32 s8, s18;
	s11 =	sor.u32 $0x1C04, s14;
	s0 =	sadd.s32 s5, s0  }
0xd: {  	s5 =	simm.s32 $0x3;
	s18 =	simm.s32 $0x0;
	[dreg:$0x3] =	wrdreg s19  }
0xe: {  	s0 =	sadd.s32 $0x634600, s0;
	s19 =	smax.u32 s10, $0x1;
	s10 =	simm.s32 $0x2  }
0xf: {  	s20 =	sadd.s32 s7, s15;
	s21 =	sshrl.u32 s9, $0x3;
	[dreg:$0xa] =	wrdreg s0  }
0x10: {  	s22 =	sadd.s32 $0x320, s9;
	s0 =	simm.s32 $0x13400;
	[dreg:$0x4] =	wrdreg s20  }
0x11: {  	s23 =	sadd.s32 s4, s21;
	s24 =	sshll.u32 s22, $0x1;
	s12 =	sadd.s32 s6, s21  }
0x12: {  	s26 =	sshrl.u32 s22, $0x3;
	s20 =	sshrl.u32 s13, $0x3;
	s21 =	simm.s32 $0x4  }
0x13: {  	s22 =	simm.s32 $0x16600;
	s13 =	simm.s32 $0x0;
	[dreg:$0x5] =	wrdreg s23  }
0x14: {  	[dreg:$0x6] =	wrdreg s12;
	s25 =	sadd.s32 s7, s24;
	s14 =	sadd.s32 s4, s26  }
0x15: {  	s12 =	sadd.s32 s6, s26;
	s23 =	simm.s32 $0xC380;
	[dreg:$0x7] =	wrdreg s25  }
0x16: {  	s24 =	simm.s32 $0x12780;
	s26 =	simm.s32 $0xF580;
	[dreg:$0x8] =	wrdreg s14  }
0x17: {  	v0 =	vlaneseq.u32;
	[dreg:$0x9] =	wrdreg s12;
	s25 =	simm.s32 $0x12DC0;
	s12 =	simm.s32 $0x14D00  }
.LBB2_1:
0x18: {  	s14 =	rddreg [dreg:$0x3]  }
0x19: {  	[spmem:s20], [sflag:s11] =	dma.local [hbm:s14], $0x1870  }
0x1a: {  	_ =	swait.ge [sflag:s21], $0x1870  }
0x1b: {  	[sflag:s21] =	ssyncset.done $0x0  }
0x1c: {  	[sflag:s21] =	ssyncadd.s32 $0xFFFFE790  }
0x1d: {  	[tilespmem:s22], [sflag:$0x4] =	stream.linear.gather [hbm4b:s8+s2], $0x1900, $0x38;
	[tilespmem:$0x17F00] =	vst v63  }
0x1e: {  	_ =	swait.ge [sflag:s21], $0x1900  }
0x1f: {  	[sflag:s21] =	ssyncset.done $0x0  }
0x20: {  	[sflag:s21] =	ssyncadd.s32 $0xFFFFE700  }
0x21: {  	[bflag:$0x0] =	sbarrier.arrive $0xFFFF  }
0x22: {  	s15 =	rddreg [dreg:$0x4]  }
0x23: {  	[tilespmem:s23], [sflag:$0x1] =	stream.linear.gather [hbm4b:s15+s2], $0x3200, $0x38;
	[tilespmem:$0x17F00] =	vst v63  }
0x24: {  	s16 =	rddreg [dreg:$0x5]  }
0x25: {  	[tilespmem:s24], [sflag:$0x1] =	stream.linear.gather [hbm4b:s16+s2], $0x320, $0x38;
	[tilespmem:$0x17F00] =	vst v63  }
0x26: {  	s17 =	rddreg [dreg:$0x6]  }
0x27: {  	[tilespmem:s25], [sflag:$0x1] =	stream.linear.gather [hbm4b:s17+s2], $0x320, $0x38;
	[tilespmem:$0x17F00] =	vst v63  }
0x28: {  	s15 =	rddreg [dreg:$0x7]  }
0x29: {  	[tilespmem:s26], [sflag:$0x2] =	stream.linear.gather [hbm4b:s15+s2], $0x3200, $0x38;
	[tilespmem:$0x17F00] =	vst v63  }
0x2a: {  	s16 =	rddreg [dreg:$0x8]  }
0x2b: {  	[tilespmem:s28], [sflag:$0x2] =	stream.linear.gather [hbm4b:s16+s2], $0x320, $0x38;
	[tilespmem:$0x17F00] =	vst v63  }
0x2c: {  	s14 =	simm.s32 $0x0;
	s17 =	rddreg [dreg:$0x9]  }
0x2d: {  	[tilespmem:s29], [sflag:$0x2] =	stream.linear.gather [hbm4b:s17+s2], $0x320, $0x38;
	[tilespmem:$0x17F00] =	vst v63  }
.LBB2_2:
0x2e: {  	_ =	swait.ge [sflag:s30], $0x3200  }
0x2f: {  	[sflag:s30] =	ssyncset.done $0x0  }
0x30: {  	[sflag:s30] =	ssyncadd.s32 $0xFFFFCE00  }
0x31: {  	_ =	swait.ge [sflag:s30], $0x320  }
0x32: {  	[sflag:s30] =	ssyncset.done $0x0  }
0x33: {  	[sflag:s30] =	ssyncadd.s32 $0xFFFFFCE0  }
0x34: {  	s15 =	simm.s32 $0x0;
	_ =	swait.ge [sflag:s30], $0x320  }
0x35: {  	v1 =	vor.u32 s15, v0;
	[sflag:s30] =	ssyncset.done $0x0  }
0x36: {  	v2 =	vshll.u32 v1, $0x3;
	[sflag:s30] =	ssyncadd.s32 $0xFFFFFCE0  }
0x37: {  	v3 =	vshll.u32 v1, $0x4;
	[tilespmem:s0], [sflag:$0x3] =	stream.indirect.gather [hbm4b:s3+s31], $0x8, s24, s31, $0xb8;
	[tilespmem:$0x17F00] =	vst v63  }
0x38: {  	v4 =	vor.u32 $0x1, v2;
	_ =	swait.ge [sflag:s5], $0x1900  }
0x39: {  	v5 =	vor.u32 $0x4, v3;
	[sflag:s5] =	ssyncset.done $0x0  }
0x3a: {  	v6 =	vor.u32 $0x8, v3;
	[sflag:s5] =	ssyncadd.s32 $0xFFFFE700  }
0x3b: {  	v8 =	vor.u32 $0x2, v2;
	v7 =	vld.idx.msk [tilespmem:v2+s0+$0x0], $0xffff  }
0x3c: {  	v9 =	vor.u32 $0xC, v3;
	v10 =	vld.idx.msk [tilespmem:v3+s23+$0x0], $0xffff  }
0x3d: {  	v1 =	vor.u32 $0x3, v2;
	v11 =	vld.idx.msk [tilespmem:v4+s0+$0x0], $0xffff  }
0x3e: {  	v5 =	vld.idx.msk [tilespmem:v5+s23+$0x0], $0xffff  }
0x3f: {  	v6 =	vld.idx.msk [tilespmem:v6+s23+$0x0], $0xffff  }
0x40: {  	v12 =	vld.idx.msk [tilespmem:v8+s0+$0x0], $0xffff  }
0x41: {  	v9 =	vld.idx.msk [tilespmem:v9+s23+$0x0], $0xffff  }
0x42: {  	v13 =	vld.idx.msk [tilespmem:v1+s0+$0x0], $0xffff  }
0x43: {  	v10 =	vmul.f32 v10, v7;
	v5 =	vmul.f32 v5, v11;
	_ =	sdelay $0x1  }
0x44: {  	v6 =	vmul.f32 v6, v12;
	v5 =	vadd.f32 v5, v10;
	_ =	sdelay $0x1  }
0x45: {  	v60 =	vor.u32 $0x1, v3;
	v5 =	vadd.f32 v6, v5;
	v6 =	vmul.f32 v9, v13  }
0x46: {  	v61 =	vor.u32 $0x5, v3  }
0x47: {  	v5 =	vadd.f32 v6, v5  }
0x48: {  	v6 =	vor.u32 $0x9, v3  }
0x49: {  	[tilespmem:v2+s22+$0x0] =	vst.idx.msk $0xffff, v5  }
0x4a: {  	v5 =	vor.u32 $0xD, v3;
	v2 =	vld.idx.msk [tilespmem:v60+s23+$0x0], $0xffff  }
0x4b: {  	v62 =	vld.idx.msk [tilespmem:v61+s23+$0x0], $0xffff;
	_ =	sdelay $0x1  }
0x4c: {  	v6 =	vld.idx.msk [tilespmem:v6+s23+$0x0], $0xffff;
	_ =	sdelay $0x1  }
0x4d: {  	v5 =	vld.idx.msk [tilespmem:v5+s23+$0x0], $0xffff  }
0x4e: {  	v2 =	vmul.f32 v2, v7;
	v9 =	vmul.f32 v62, v11;
	_ =	sdelay $0x1  }
0x4f: {  	v2 =	vadd.f32 v9, v2;
	v6 =	vmul.f32 v6, v12;
	_ =	sdelay $0x1  }
0x50: {  	v2 =	vadd.f32 v6, v2;
	v5 =	vmul.f32 v5, v13;
	v6 =	vor.u32 $0x2, v3  }
0x51: {  	v63 =	vor.u32 $0x6, v3  }
0x52: {  	v2 =	vadd.f32 v5, v2  }
0x53: {  	v5 =	vor.u32 $0xA, v3  }
0x54: {  	[tilespmem:v4+s22+$0x0] =	vst.idx.msk $0xffff, v2  }
0x55: {  	v4 =	vor.u32 $0xE, v3;
	v2 =	vld.idx.msk [tilespmem:v6+s23+$0x0], $0xffff  }
0x56: {  	v6 =	vld.idx.msk [tilespmem:v63+s23+$0x0], $0xffff;
	_ =	sdelay $0x1  }
0x57: {  	v5 =	vld.idx.msk [tilespmem:v5+s23+$0x0], $0xffff;
	_ =	sdelay $0x1  }
0x58: {  	v4 =	vld.idx.msk [tilespmem:v4+s23+$0x0], $0xffff  }
0x59: {  	v2 =	vmul.f32 v2, v7;
	v6 =	vmul.f32 v6, v11;
	_ =	sdelay $0x1  }
0x5a: {  	v2 =	vadd.f32 v6, v2;
	v5 =	vmul.f32 v5, v12;
	_ =	sdelay $0x1  }
0x5b: {  	v2 =	vadd.f32 v5, v2;
	v4 =	vmul.f32 v4, v13;
	v5 =	vor.u32 $0x3, v3  }
0x5c: {  	v6 =	vor.u32 $0x7, v3  }
0x5d: {  	v2 =	vadd.f32 v4, v2;
	v4 =	vor.u32 $0xB, v3  }
0x5e: {  	v3 =	vor.u32 $0xF, v3  }
0x5f: {  	[tilespmem:v8+s22+$0x0] =	vst.idx.msk $0xffff, v2  }
0x60: {  	v2 =	vld.idx.msk [tilespmem:v5+s23+$0x0], $0xffff  }
0x61: {  	v5 =	vld.idx.msk [tilespmem:v6+s23+$0x0], $0xffff  }
0x62: {  	v4 =	vld.idx.msk [tilespmem:v4+s23+$0x0], $0xffff  }
0x63: {  	v6 =	vld.idx.msk [tilespmem:v3+s23+$0x0], $0xffff;
	_ =	sdelay $0x2  }
0x64: {  	v2 =	vmul.f32 v2, v7;
	v5 =	vmul.f32 v5, v11;
	_ =	sdelay $0x1  }
0x65: {  	s16 =	simm.s32 $0x20;
	s15 =	simm.s32 $0x10;
	v3 =	vmul.f32 v4, v12;
	v4 =	vadd.f32 v5, v2;
	v2 =	vmul.f32 v6, v13  }
.LBB2_3:
0x66: {  	p0 =	sne.s32 s16, $0x310;
	v5 =	vor.u32 s15, v0;
	s15 =	smov.u32 s16;
	s16 =	sadd.s32 $0x10, s16  }
0x67: {  	v6 =	vshll.u32 v5, $0x3;
	v5 =	vshll.u32 v5, $0x4;
	v3 =	vadd.f32 v3, v4  }
0x68: {  	v4 =	vor.u32 $0x1, v6;
	v7 =	vor.u32 $0x4, v5;
	v8 =	vor.u32 $0x8, v5  }
0x69: {  	v9 =	vor.u32 $0xC, v5;
	v2 =	vadd.f32 v2, v3;
	_ =	sdelay $0x1  }
0x6a: {  	[tilespmem:v1+s22+$0x0] =	vst.idx.msk $0xffff, v2  }
0x6b: {  	v3 =	vor.u32 $0x2, v6;
	v2 =	vld.idx.msk [tilespmem:v6+s0+$0x0], $0xffff  }
0x6c: {  	v10 =	vld.idx.msk [tilespmem:v5+s23+$0x0], $0xffff  }
0x6d: {  	v1 =	vor.u32 $0x3, v6;
	v11 =	vld.idx.msk [tilespmem:v4+s0+$0x0], $0xffff  }
0x6e: {  	v7 =	vld.idx.msk [tilespmem:v7+s23+$0x0], $0xffff  }
0x6f: {  	v8 =	vld.idx.msk [tilespmem:v8+s23+$0x0], $0xffff  }
0x70: {  	v12 =	vld.idx.msk [tilespmem:v3+s0+$0x0], $0xffff  }
0x71: {  	v9 =	vld.idx.msk [tilespmem:v9+s23+$0x0], $0xffff  }
0x72: {  	v10 =	vmul.f32 v10, v2;
	v13 =	vld.idx.msk [tilespmem:v1+s0+$0x0], $0xffff;
	_ =	sdelay $0x1  }
0x73: {  	v7 =	vmul.f32 v7, v11;
	_ =	sdelay $0x1  }
0x74: {  	v7 =	vadd.f32 v7, v10;
	v8 =	vmul.f32 v8, v12;
	_ =	sdelay $0x1  }
0x75: {  	v7 =	vadd.f32 v8, v7;
	v8 =	vmul.f32 v9, v13;
	v9 =	vor.u32 $0x1, v5  }
0x76: {  	v10 =	vor.u32 $0x5, v5  }
0x77: {  	v7 =	vadd.f32 v8, v7  }
0x78: {  	v8 =	vor.u32 $0x9, v5  }
0x79: {  	[tilespmem:v6+s22+$0x0] =	vst.idx.msk $0xffff, v7  }
0x7a: {  	v7 =	vor.u32 $0xD, v5;
	v6 =	vld.idx.msk [tilespmem:v9+s23+$0x0], $0xffff  }
0x7b: {  	v9 =	vld.idx.msk [tilespmem:v10+s23+$0x0], $0xffff;
	_ =	sdelay $0x1  }
0x7c: {  	v8 =	vld.idx.msk [tilespmem:v8+s23+$0x0], $0xffff;
	_ =	sdelay $0x1  }
0x7d: {  	v7 =	vld.idx.msk [tilespmem:v7+s23+$0x0], $0xffff  }
0x7e: {  	v6 =	vmul.f32 v6, v2  }
0x7f: {  	v9 =	vmul.f32 v9, v11;
	_ =	sdelay $0x1  }
0x80: {  	v6 =	vadd.f32 v9, v6;
	v8 =	vmul.f32 v8, v12;
	_ =	sdelay $0x1  }
0x81: {  	v6 =	vadd.f32 v8, v6;
	v7 =	vmul.f32 v7, v13;
	v8 =	vor.u32 $0x2, v5  }
0x82: {  	v9 =	vor.u32 $0x6, v5  }
0x83: {  	v6 =	vadd.f32 v7, v6  }
0x84: {  	v7 =	vor.u32 $0xA, v5  }
0x85: {  	[tilespmem:v4+s22+$0x0] =	vst.idx.msk $0xffff, v6  }
0x86: {  	v6 =	vor.u32 $0xE, v5;
	v4 =	vld.idx.msk [tilespmem:v8+s23+$0x0], $0xffff  }
0x87: {  	v8 =	vld.idx.msk [tilespmem:v9+s23+$0x0], $0xffff;
	_ =	sdelay $0x1  }
0x88: {  	v7 =	vld.idx.msk [tilespmem:v7+s23+$0x0], $0xffff;
	_ =	sdelay $0x1  }
0x89: {  	v6 =	vld.idx.msk [tilespmem:v6+s23+$0x0], $0xffff  }
0x8a: {  	v4 =	vmul.f32 v4, v2  }
0x8b: {  	v8 =	vmul.f32 v8, v11;
	_ =	sdelay $0x1  }
0x8c: {  	v4 =	vadd.f32 v8, v4;
	v7 =	vmul.f32 v7, v12  }
0x8d: {  	v8 =	vor.u32 $0x7, v5  }
0x8e: {  	v4 =	vadd.f32 v7, v4;
	v6 =	vmul.f32 v6, v13;
	v7 =	vor.u32 $0x3, v5;
	_ =	sdelay $0x1  }
0x8f: {  	v4 =	vadd.f32 v6, v4;
	v6 =	vor.u32 $0xB, v5  }
0x90: {  	v5 =	vor.u32 $0xF, v5  }
0x91: {  	[tilespmem:v3+s22+$0x0] =	vst.idx.msk $0xffff, v4  }
0x92: {  	v3 =	vld.idx.msk [tilespmem:v7+s23+$0x0], $0xffff  }
0x93: {  	v4 =	vld.idx.msk [tilespmem:v8+s23+$0x0], $0xffff  }
0x94: {  	v6 =	vld.idx.msk [tilespmem:v6+s23+$0x0], $0xffff  }
0x95: {  	v5 =	vld.idx.msk [tilespmem:v5+s23+$0x0], $0xffff;
	_ =	sdelay $0x1  }
.Ltmp0:
0x96: {  	(pc) =	sbr.rel @p0 .LBB2_3-.Ltmp0, $4  }
0x97: {  	v2 =	vmul.f32 v3, v2  }
0x98: {  	v4 =	vmul.f32 v4, v11  }
0x99: {  	v3 =	vmul.f32 v6, v12  }
0x9a: {  	v4 =	vadd.f32 v4, v2;
	v2 =	vmul.f32 v5, v13  }
0x9b: {  	v5 =	vor.u32 s15, v0  }
0x9c: {  	v6 =	vshll.u32 v5, $0x3;
	v3 =	vadd.f32 v3, v4  }
0x9d: {  	v4 =	vshll.u32 v5, $0x4  }
0x9e: {  	v5 =	vor.u32 $0x1, v6;
	v2 =	vadd.f32 v2, v3  }
0x9f: {  	v3 =	vor.u32 $0x4, v4  }
0xa0: {  	v7 =	vor.u32 $0x8, v4;
	[tilespmem:v1+s22+$0x0] =	vst.idx.msk $0xffff, v2  }
0xa1: {  	v2 =	vor.u32 $0x2, v6;
	v1 =	vld.idx.msk [tilespmem:v6+s0+$0x0], $0xffff  }
0xa2: {  	v8 =	vor.u32 $0xC, v4;
	v9 =	vld.idx.msk [tilespmem:v4+s23+$0x0], $0xffff  }
0xa3: {  	v11 =	vor.u32 $0x3, v6;
	v10 =	vld.idx.msk [tilespmem:v5+s0+$0x0], $0xffff  }
0xa4: {  	v3 =	vld.idx.msk [tilespmem:v3+s23+$0x0], $0xffff  }
0xa5: {  	v7 =	vld.idx.msk [tilespmem:v7+s23+$0x0], $0xffff  }
0xa6: {  	v12 =	vld.idx.msk [tilespmem:v2+s0+$0x0], $0xffff  }
0xa7: {  	v8 =	vld.idx.msk [tilespmem:v8+s23+$0x0], $0xffff  }
0xa8: {  	v13 =	vld.idx.msk [tilespmem:v11+s0+$0x0], $0xffff  }
0xa9: {  	v9 =	vmul.f32 v9, v1;
	v3 =	vmul.f32 v3, v10;
	_ =	sdelay $0x1  }
0xaa: {  	v3 =	vadd.f32 v3, v9;
	v7 =	vmul.f32 v7, v12;
	_ =	sdelay $0x1  }
0xab: {  	v50 =	vor.u32 $0x1, v4;
	v3 =	vadd.f32 v7, v3;
	v7 =	vmul.f32 v8, v13  }
0xac: {  	v51 =	vor.u32 $0x5, v4  }
0xad: {  	v3 =	vadd.f32 v7, v3  }
0xae: {  	v7 =	vor.u32 $0x9, v4  }
0xaf: {  	[tilespmem:v6+s22+$0x0] =	vst.idx.msk $0xffff, v3  }
0xb0: {  	v6 =	vor.u32 $0xD, v4;
	v3 =	vld.idx.msk [tilespmem:v50+s23+$0x0], $0xffff  }
0xb1: {  	v52 =	vld.idx.msk [tilespmem:v51+s23+$0x0], $0xffff;
	_ =	sdelay $0x1  }
0xb2: {  	v7 =	vld.idx.msk [tilespmem:v7+s23+$0x0], $0xffff;
	_ =	sdelay $0x1  }
0xb3: {  	v6 =	vld.idx.msk [tilespmem:v6+s23+$0x0], $0xffff  }
0xb4: {  	v3 =	vmul.f32 v3, v1;
	v8 =	vmul.f32 v52, v10;
	_ =	sdelay $0x1  }
0xb5: {  	v3 =	vadd.f32 v8, v3;
	v7 =	vmul.f32 v7, v12;
	_ =	sdelay $0x1  }
0xb6: {  	v3 =	vadd.f32 v7, v3;
	v6 =	vmul.f32 v6, v13;
	v7 =	vor.u32 $0x2, v4  }
0xb7: {  	v53 =	vor.u32 $0x6, v4  }
0xb8: {  	v3 =	vadd.f32 v6, v3  }
0xb9: {  	v6 =	vor.u32 $0xA, v4  }
0xba: {  	[tilespmem:v5+s22+$0x0] =	vst.idx.msk $0xffff, v3  }
0xbb: {  	v5 =	vor.u32 $0xE, v4;
	v3 =	vld.idx.msk [tilespmem:v7+s23+$0x0], $0xffff  }
0xbc: {  	v7 =	vld.idx.msk [tilespmem:v53+s23+$0x0], $0xffff;
	_ =	sdelay $0x1  }
0xbd: {  	v6 =	vld.idx.msk [tilespmem:v6+s23+$0x0], $0xffff;
	_ =	sdelay $0x1  }
0xbe: {  	v5 =	vld.idx.msk [tilespmem:v5+s23+$0x0], $0xffff  }
0xbf: {  	v3 =	vmul.f32 v3, v1;
	v7 =	vmul.f32 v7, v10;
	_ =	sdelay $0x1  }
0xc0: {  	v3 =	vadd.f32 v7, v3;
	v6 =	vmul.f32 v6, v12;
	_ =	sdelay $0x1  }
0xc1: {  	v3 =	vadd.f32 v6, v3;
	v5 =	vmul.f32 v5, v13;
	v6 =	vor.u32 $0x3, v4  }
0xc2: {  	v7 =	vor.u32 $0x7, v4  }
0xc3: {  	v3 =	vadd.f32 v5, v3  }
0xc4: {  	v5 =	vor.u32 $0xB, v4  }
0xc5: {  	[tilespmem:v2+s22+$0x0] =	vst.idx.msk $0xffff, v3  }
0xc6: {  	v2 =	vor.u32 $0xF, v4;
	v3 =	vld.idx.msk [tilespmem:v6+s23+$0x0], $0xffff  }
0xc7: {  	v4 =	vld.idx.msk [tilespmem:v7+s23+$0x0], $0xffff;
	_ =	sdelay $0x1  }
0xc8: {  	v5 =	vld.idx.msk [tilespmem:v5+s23+$0x0], $0xffff;
	_ =	sdelay $0x1  }
0xc9: {  	v2 =	vld.idx.msk [tilespmem:v2+s23+$0x0], $0xffff  }
0xca: {  	v1 =	vmul.f32 v3, v1;
	v3 =	vmul.f32 v4, v10;
	_ =	sdelay $0x1  }
0xcb: {  	v4 =	vmul.f32 v5, v12;
	v1 =	vadd.f32 v3, v1;
	_ =	sdelay $0x1  }
0xcc: {  	v2 =	vmul.f32 v2, v13;
	v1 =	vadd.f32 v4, v1  }
0xcd: {  	s17 =	smul.u32 $0x640, s14  }
0xce: {  	v1 =	vadd.f32 v2, v1  }
0xcf: {  	s15 =	sadd.s32 s9, s17  }
0xd0: {  	s16 =	sadd.s32 $0x640, s15;
	[tilespmem:v11+s22+$0x0] =	vst.idx.msk $0xffff, v1  }
0xd1: {  	[spmem:s1] =	stream.indirect.scatter.add.f32 [tilespmem:s22], [sflag:$0x4], $0x8, s25, s31, $0xb8;
	[tilespmem:$0x17F00] =	vst v63  }
0xd2: {  	s17 =	sshll.u32 s16, $0x1;
	_ =	swait.ge [sflag:s21], $0x1900  }
0xd3: {  	s17 =	sand.u32 $0x1FFFFFC0, s17;
	[sflag:s21] =	ssyncset.done $0x0  }
0xd4: {  	s16 =	sshrl.u32 s16, $0x3;
	s17 =	sadd.s32 s7, s17;
	[sflag:s21] =	ssyncadd.s32 $0xFFFFE700  }
0xd5: {  	[tilespmem:s23], [sflag:$0x1] =	stream.linear.gather [hbm4b:s17+s18], $0x3200, $0x38;
	[tilespmem:$0x17F00] =	vst v63  }
0xd6: {  	s17 =	sadd.s32 s4, s16  }
0xd7: {  	[tilespmem:s24], [sflag:$0x1] =	stream.linear.gather [hbm4b:s17+s18], $0x320, $0x38;
	[tilespmem:$0x17F00] =	vst v63  }
0xd8: {  	s16 =	sadd.s32 s6, s16  }
0xd9: {  	[tilespmem:s25], [sflag:$0x1] =	stream.linear.gather [hbm4b:s16+s18], $0x320, $0x38;
	[tilespmem:$0x17F00] =	vst v63  }
0xda: {  	_ =	swait.ge [sflag:s10], $0x3200  }
0xdb: {  	[sflag:s10] =	ssyncset.done $0x0  }
0xdc: {  	[sflag:s10] =	ssyncadd.s32 $0xFFFFCE00  }
0xdd: {  	_ =	swait.ge [sflag:s10], $0x320  }
0xde: {  	[sflag:s10] =	ssyncset.done $0x0  }
0xdf: {  	[sflag:s10] =	ssyncadd.s32 $0xFFFFFCE0  }
0xe0: {  	_ =	swait.ge [sflag:s10], $0x320  }
0xe1: {  	v1 =	vor.u32 s18, v0;
	[sflag:s10] =	ssyncset.done $0x0  }
0xe2: {  	v2 =	vshll.u32 v1, $0x3;
	[sflag:s10] =	ssyncadd.s32 $0xFFFFFCE0  }
0xe3: {  	v3 =	vshll.u32 v1, $0x4;
	[tilespmem:s12], [sflag:$0x3] =	stream.indirect.gather [hbm4b:s3+s31], $0x8, s28, s31, $0xb8;
	[tilespmem:$0x17F00] =	vst v63  }
0xe4: {  	v4 =	vor.u32 $0x1, v2;
	_ =	swait.ge [sflag:s5], $0x1900  }
0xe5: {  	v5 =	vor.u32 $0x4, v3;
	[sflag:s5] =	ssyncset.done $0x0  }
0xe6: {  	v6 =	vor.u32 $0x8, v3;
	[sflag:s5] =	ssyncadd.s32 $0xFFFFE700  }
0xe7: {  	v54 =	vor.u32 $0x2, v2;
	v7 =	vld.idx.msk [tilespmem:v2+s12+$0x0], $0xffff  }
0xe8: {  	v55 =	vor.u32 $0xC, v3;
	v56 =	vld.idx.msk [tilespmem:v3+s26+$0x0], $0xffff  }
0xe9: {  	v1 =	vor.u32 $0x3, v2;
	v57 =	vld.idx.msk [tilespmem:v4+s12+$0x0], $0xffff  }
0xea: {  	v5 =	vld.idx.msk [tilespmem:v5+s26+$0x0], $0xffff  }
0xeb: {  	v6 =	vld.idx.msk [tilespmem:v6+s26+$0x0], $0xffff  }
0xec: {  	v58 =	vld.idx.msk [tilespmem:v54+s12+$0x0], $0xffff  }
0xed: {  	v9 =	vld.idx.msk [tilespmem:v55+s26+$0x0], $0xffff  }
0xee: {  	v59 =	vld.idx.msk [tilespmem:v1+s12+$0x0], $0xffff  }
0xef: {  	v10 =	vmul.f32 v56, v7;
	v5 =	vmul.f32 v5, v57;
	_ =	sdelay $0x1  }
0xf0: {  	v6 =	vmul.f32 v6, v58;
	v5 =	vadd.f32 v5, v10;
	_ =	sdelay $0x1  }
0xf1: {  	v60 =	vor.u32 $0x1, v3;
	v5 =	vadd.f32 v6, v5;
	v6 =	vmul.f32 v9, v59  }
0xf2: {  	v61 =	vor.u32 $0x5, v3  }
0xf3: {  	v5 =	vadd.f32 v6, v5  }
0xf4: {  	v6 =	vor.u32 $0x9, v3  }
0xf5: {  	[tilespmem:v2+s22+$0x0] =	vst.idx.msk $0xffff, v5  }
0xf6: {  	v5 =	vor.u32 $0xD, v3;
	v2 =	vld.idx.msk [tilespmem:v60+s26+$0x0], $0xffff  }
0xf7: {  	v62 =	vld.idx.msk [tilespmem:v61+s26+$0x0], $0xffff;
	_ =	sdelay $0x1  }
0xf8: {  	v6 =	vld.idx.msk [tilespmem:v6+s26+$0x0], $0xffff;
	_ =	sdelay $0x1  }
0xf9: {  	v5 =	vld.idx.msk [tilespmem:v5+s26+$0x0], $0xffff  }
0xfa: {  	v2 =	vmul.f32 v2, v7;
	v9 =	vmul.f32 v62, v57;
	_ =	sdelay $0x1  }
0xfb: {  	v2 =	vadd.f32 v9, v2;
	v6 =	vmul.f32 v6, v58;
	_ =	sdelay $0x1  }
0xfc: {  	v2 =	vadd.f32 v6, v2;
	v5 =	vmul.f32 v5, v59;
	v6 =	vor.u32 $0x2, v3  }
0xfd: {  	v63 =	vor.u32 $0x6, v3  }
0xfe: {  	v2 =	vadd.f32 v5, v2  }
0xff: {  	v5 =	vor.u32 $0xA, v3  }
0x100: {  	[tilespmem:v4+s22+$0x0] =	vst.idx.msk $0xffff, v2  }
0x101: {  	v4 =	vor.u32 $0xE, v3;
	v2 =	vld.idx.msk [tilespmem:v6+s26+$0x0], $0xffff  }
0x102: {  	v6 =	vld.idx.msk [tilespmem:v63+s26+$0x0], $0xffff;
	_ =	sdelay $0x1  }
0x103: {  	v5 =	vld.idx.msk [tilespmem:v5+s26+$0x0], $0xffff;
	_ =	sdelay $0x1  }
0x104: {  	v4 =	vld.idx.msk [tilespmem:v4+s26+$0x0], $0xffff  }
0x105: {  	v2 =	vmul.f32 v2, v7;
	v6 =	vmul.f32 v6, v57;
	_ =	sdelay $0x1  }
0x106: {  	v2 =	vadd.f32 v6, v2;
	v5 =	vmul.f32 v5, v58;
	_ =	sdelay $0x1  }
0x107: {  	v2 =	vadd.f32 v5, v2;
	v4 =	vmul.f32 v4, v59;
	v5 =	vor.u32 $0x3, v3  }
0x108: {  	v6 =	vor.u32 $0x7, v3  }
0x109: {  	v2 =	vadd.f32 v4, v2;
	v4 =	vor.u32 $0xB, v3  }
0x10a: {  	v3 =	vor.u32 $0xF, v3  }
0x10b: {  	[tilespmem:v54+s22+$0x0] =	vst.idx.msk $0xffff, v2  }
0x10c: {  	v2 =	vld.idx.msk [tilespmem:v5+s26+$0x0], $0xffff  }
0x10d: {  	v5 =	vld.idx.msk [tilespmem:v6+s26+$0x0], $0xffff  }
0x10e: {  	v4 =	vld.idx.msk [tilespmem:v4+s26+$0x0], $0xffff  }
0x10f: {  	v6 =	vld.idx.msk [tilespmem:v3+s26+$0x0], $0xffff;
	_ =	sdelay $0x2  }
0x110: {  	v2 =	vmul.f32 v2, v7;
	v5 =	vmul.f32 v5, v57;
	_ =	sdelay $0x1  }
0x111: {  	s17 =	simm.s32 $0x20;
	s16 =	simm.s32 $0x10;
	v3 =	vmul.f32 v4, v58;
	v4 =	vadd.f32 v5, v2;
	v2 =	vmul.f32 v6, v59  }
.LBB2_5:
0x112: {  	p0 =	sne.s32 s17, $0x310;
	v5 =	vor.u32 s16, v0;
	s16 =	smov.u32 s17;
	s17 =	sadd.s32 $0x10, s17  }
0x113: {  	v6 =	vshll.u32 v5, $0x3;
	v5 =	vshll.u32 v5, $0x4;
	v3 =	vadd.f32 v3, v4  }
0x114: {  	v4 =	vor.u32 $0x1, v6;
	v7 =	vor.u32 $0x4, v5;
	v8 =	vor.u32 $0x8, v5  }
0x115: {  	v9 =	vor.u32 $0xC, v5;
	v2 =	vadd.f32 v2, v3;
	_ =	sdelay $0x1  }
0x116: {  	[tilespmem:v1+s22+$0x0] =	vst.idx.msk $0xffff, v2  }
0x117: {  	v3 =	vor.u32 $0x2, v6;
	v2 =	vld.idx.msk [tilespmem:v6+s12+$0x0], $0xffff  }
0x118: {  	v10 =	vld.idx.msk [tilespmem:v5+s26+$0x0], $0xffff  }
0x119: {  	v1 =	vor.u32 $0x3, v6;
	v11 =	vld.idx.msk [tilespmem:v4+s12+$0x0], $0xffff  }
0x11a: {  	v7 =	vld.idx.msk [tilespmem:v7+s26+$0x0], $0xffff  }
0x11b: {  	v8 =	vld.idx.msk [tilespmem:v8+s26+$0x0], $0xffff  }
0x11c: {  	v12 =	vld.idx.msk [tilespmem:v3+s12+$0x0], $0xffff  }
0x11d: {  	v9 =	vld.idx.msk [tilespmem:v9+s26+$0x0], $0xffff  }
0x11e: {  	v10 =	vmul.f32 v10, v2;
	v13 =	vld.idx.msk [tilespmem:v1+s12+$0x0], $0xffff;
	_ =	sdelay $0x1  }
0x11f: {  	v7 =	vmul.f32 v7, v11;
	_ =	sdelay $0x1  }
0x120: {  	v7 =	vadd.f32 v7, v10;
	v8 =	vmul.f32 v8, v12;
	_ =	sdelay $0x1  }
0x121: {  	v7 =	vadd.f32 v8, v7;
	v8 =	vmul.f32 v9, v13;
	v9 =	vor.u32 $0x1, v5  }
0x122: {  	v10 =	vor.u32 $0x5, v5  }
0x123: {  	v7 =	vadd.f32 v8, v7  }
0x124: {  	v8 =	vor.u32 $0x9, v5  }
0x125: {  	[tilespmem:v6+s22+$0x0] =	vst.idx.msk $0xffff, v7  }
0x126: {  	v7 =	vor.u32 $0xD, v5;
	v6 =	vld.idx.msk [tilespmem:v9+s26+$0x0], $0xffff  }
0x127: {  	v9 =	vld.idx.msk [tilespmem:v10+s26+$0x0], $0xffff;
	_ =	sdelay $0x1  }
0x128: {  	v8 =	vld.idx.msk [tilespmem:v8+s26+$0x0], $0xffff;
	_ =	sdelay $0x1  }
0x129: {  	v7 =	vld.idx.msk [tilespmem:v7+s26+$0x0], $0xffff  }
0x12a: {  	v6 =	vmul.f32 v6, v2  }
0x12b: {  	v9 =	vmul.f32 v9, v11;
	_ =	sdelay $0x1  }
0x12c: {  	v6 =	vadd.f32 v9, v6;
	v8 =	vmul.f32 v8, v12;
	_ =	sdelay $0x1  }
0x12d: {  	v6 =	vadd.f32 v8, v6;
	v7 =	vmul.f32 v7, v13;
	v8 =	vor.u32 $0x2, v5  }
0x12e: {  	v9 =	vor.u32 $0x6, v5  }
0x12f: {  	v6 =	vadd.f32 v7, v6  }
0x130: {  	v7 =	vor.u32 $0xA, v5  }
0x131: {  	[tilespmem:v4+s22+$0x0] =	vst.idx.msk $0xffff, v6  }
0x132: {  	v6 =	vor.u32 $0xE, v5;
	v4 =	vld.idx.msk [tilespmem:v8+s26+$0x0], $0xffff  }
0x133: {  	v8 =	vld.idx.msk [tilespmem:v9+s26+$0x0], $0xffff;
	_ =	sdelay $0x1  }
0x134: {  	v7 =	vld.idx.msk [tilespmem:v7+s26+$0x0], $0xffff;
	_ =	sdelay $0x1  }
0x135: {  	v6 =	vld.idx.msk [tilespmem:v6+s26+$0x0], $0xffff  }
0x136: {  	v4 =	vmul.f32 v4, v2  }
0x137: {  	v8 =	vmul.f32 v8, v11;
	_ =	sdelay $0x1  }
0x138: {  	v4 =	vadd.f32 v8, v4;
	v7 =	vmul.f32 v7, v12  }
0x139: {  	v8 =	vor.u32 $0x7, v5  }
0x13a: {  	v4 =	vadd.f32 v7, v4;
	v6 =	vmul.f32 v6, v13;
	v7 =	vor.u32 $0x3, v5;
	_ =	sdelay $0x1  }
0x13b: {  	v4 =	vadd.f32 v6, v4;
	v6 =	vor.u32 $0xB, v5  }
0x13c: {  	v5 =	vor.u32 $0xF, v5  }
0x13d: {  	[tilespmem:v3+s22+$0x0] =	vst.idx.msk $0xffff, v4  }
0x13e: {  	v3 =	vld.idx.msk [tilespmem:v7+s26+$0x0], $0xffff  }
0x13f: {  	v4 =	vld.idx.msk [tilespmem:v8+s26+$0x0], $0xffff  }
0x140: {  	v6 =	vld.idx.msk [tilespmem:v6+s26+$0x0], $0xffff  }
0x141: {  	v5 =	vld.idx.msk [tilespmem:v5+s26+$0x0], $0xffff;
	_ =	sdelay $0x1  }
.Ltmp1:
0x142: {  	(pc) =	sbr.rel @p0 .LBB2_5-.Ltmp1, $4  }
0x143: {  	v2 =	vmul.f32 v3, v2  }
0x144: {  	v4 =	vmul.f32 v4, v11  }
0x145: {  	v3 =	vmul.f32 v6, v12  }
0x146: {  	v4 =	vadd.f32 v4, v2;
	v2 =	vmul.f32 v5, v13  }
0x147: {  	v5 =	vor.u32 s16, v0  }
0x148: {  	v6 =	vshll.u32 v5, $0x3;
	v3 =	vadd.f32 v3, v4  }
0x149: {  	v46 =	vshll.u32 v5, $0x4  }
0x14a: {  	v47 =	vor.u32 $0x1, v6;
	v2 =	vadd.f32 v2, v3  }
0x14b: {  	v3 =	vor.u32 $0x4, v46  }
0x14c: {  	v7 =	vor.u32 $0x8, v46;
	[tilespmem:v1+s22+$0x0] =	vst.idx.msk $0xffff, v2  }
0x14d: {  	v2 =	vor.u32 $0x2, v6;
	v1 =	vld.idx.msk [tilespmem:v6+s12+$0x0], $0xffff  }
0x14e: {  	v8 =	vor.u32 $0xC, v46;
	v9 =	vld.idx.msk [tilespmem:v46+s26+$0x0], $0xffff  }
0x14f: {  	v11 =	vor.u32 $0x3, v6;
	v10 =	vld.idx.msk [tilespmem:v47+s12+$0x0], $0xffff  }
0x150: {  	v3 =	vld.idx.msk [tilespmem:v3+s26+$0x0], $0xffff  }
0x151: {  	v7 =	vld.idx.msk [tilespmem:v7+s26+$0x0], $0xffff  }
0x152: {  	v12 =	vld.idx.msk [tilespmem:v2+s12+$0x0], $0xffff  }
0x153: {  	v8 =	vld.idx.msk [tilespmem:v8+s26+$0x0], $0xffff  }
0x154: {  	v13 =	vld.idx.msk [tilespmem:v11+s12+$0x0], $0xffff  }
0x155: {  	v9 =	vmul.f32 v9, v1;
	v3 =	vmul.f32 v3, v10;
	_ =	sdelay $0x1  }
0x156: {  	v3 =	vadd.f32 v3, v9;
	v7 =	vmul.f32 v7, v12;
	_ =	sdelay $0x1  }
0x157: {  	v49 =	vor.u32 $0x1, v46;
	v48 =	vmul.f32 v8, v13;
	v3 =	vadd.f32 v7, v3  }
0x158: {  	v50 =	vor.u32 $0x5, v46  }
0x159: {  	v3 =	vadd.f32 v48, v3  }
0x15a: {  	v51 =	vor.u32 $0x9, v46  }
0x15b: {  	[tilespmem:v6+s22+$0x0] =	vst.idx.msk $0xffff, v3  }
0x15c: {  	v52 =	vor.u32 $0xD, v46;
	v3 =	vld.idx.msk [tilespmem:v49+s26+$0x0], $0xffff  }
0x15d: {  	v53 =	vld.idx.msk [tilespmem:v50+s26+$0x0], $0xffff;
	_ =	sdelay $0x1  }
0x15e: {  	v7 =	vld.idx.msk [tilespmem:v51+s26+$0x0], $0xffff;
	_ =	sdelay $0x1  }
0x15f: {  	v6 =	vld.idx.msk [tilespmem:v52+s26+$0x0], $0xffff  }
0x160: {  	v3 =	vmul.f32 v3, v1;
	v8 =	vmul.f32 v53, v10;
	_ =	sdelay $0x1  }
0x161: {  	v7 =	vmul.f32 v7, v12;
	v3 =	vadd.f32 v8, v3;
	_ =	sdelay $0x1  }
0x162: {  	v54 =	vor.u32 $0x2, v46;
	v6 =	vmul.f32 v6, v13;
	v3 =	vadd.f32 v7, v3  }
0x163: {  	v55 =	vor.u32 $0x6, v46  }
0x164: {  	v3 =	vadd.f32 v6, v3  }
0x165: {  	v56 =	vor.u32 $0xA, v46  }
0x166: {  	[tilespmem:v47+s22+$0x0] =	vst.idx.msk $0xffff, v3  }
0x167: {  	v57 =	vor.u32 $0xE, v46;
	v3 =	vld.idx.msk [tilespmem:v54+s26+$0x0], $0xffff  }
0x168: {  	v58 =	vld.idx.msk [tilespmem:v55+s26+$0x0], $0xffff;
	_ =	sdelay $0x1  }
0x169: {  	v6 =	vld.idx.msk [tilespmem:v56+s26+$0x0], $0xffff;
	_ =	sdelay $0x1  }
0x16a: {  	v5 =	vld.idx.msk [tilespmem:v57+s26+$0x0], $0xffff  }
0x16b: {  	v3 =	vmul.f32 v3, v1;
	v7 =	vmul.f32 v58, v10;
	_ =	sdelay $0x1  }
0x16c: {  	v6 =	vmul.f32 v6, v12;
	v3 =	vadd.f32 v7, v3;
	_ =	sdelay $0x1  }
0x16d: {  	v59 =	vor.u32 $0x3, v46;
	v5 =	vmul.f32 v5, v13;
	v3 =	vadd.f32 v6, v3  }
0x16e: {  	v60 =	vor.u32 $0x7, v46  }
0x16f: {  	v3 =	vadd.f32 v5, v3  }
0x170: {  	v61 =	vor.u32 $0xB, v46  }
0x171: {  	[tilespmem:v2+s22+$0x0] =	vst.idx.msk $0xffff, v3  }
0x172: {  	v2 =	vor.u32 $0xF, v46;
	v3 =	vld.idx.msk [tilespmem:v59+s26+$0x0], $0xffff  }
0x173: {  	v62 =	vld.idx.msk [tilespmem:v60+s26+$0x0], $0xffff;
	_ =	sdelay $0x1  }
0x174: {  	v5 =	vld.idx.msk [tilespmem:v61+s26+$0x0], $0xffff;
	_ =	sdelay $0x1  }
0x175: {  	v2 =	vld.idx.msk [tilespmem:v2+s26+$0x0], $0xffff  }
0x176: {  	v1 =	vmul.f32 v3, v1;
	v3 =	vmul.f32 v62, v10;
	_ =	sdelay $0x1  }
0x177: {  	v63 =	vmul.f32 v5, v12;
	v1 =	vadd.f32 v3, v1;
	_ =	sdelay $0x1  }
0x178: {  	v2 =	vmul.f32 v2, v13;
	v1 =	vadd.f32 v63, v1;
	_ =	sdelay $0x1  }
0x179: {  	v1 =	vadd.f32 v2, v1  }
0x17a: {  	p0 =	seq.s32 s14, $0x3D  }
.Ltmp2:
0x17b: {  	[tilespmem:v11+s22+$0x0] =	vst.idx.msk $0xffff, v1;
	(pc) =	sbr.rel @p0 .LBB2_8-.Ltmp2, $4  }
0x17c: {  	[spmem:s1] =	stream.indirect.scatter.add.f32 [tilespmem:s22], [sflag:$0x4], $0x8, s29, s31, $0xb8;
	[tilespmem:$0x17F00] =	vst v63  }
0x17d: {  	_ =	swait.ge [sflag:s21], $0x1900  }
0x17e: {  	[sflag:s21] =	ssyncset.done $0x0  }
0x17f: {  	[sflag:s21] =	ssyncadd.s32 $0xFFFFE700  }
0x180: {  	s15 =	sadd.s32 $0x960, s15  }
0x181: {  	s16 =	sshll.u32 s15, $0x1  }
0x182: {  	s16 =	sand.u32 $0x1FFFFFC0, s16  }
0x183: {  	s16 =	sadd.s32 s7, s16  }
0x184: {  	[tilespmem:s26], [sflag:$0x2] =	stream.linear.gather [hbm4b:s16+s2], $0x3200, $0x38;
	[tilespmem:$0x17F00] =	vst v63  }
.Ltmp3:
0x185: {  	s15 =	sshrl.u32 s15, $0x3;
	(pc) =	sbr.rel .LBB2_2-.Ltmp3, $4  }
0x186: {  	s17 =	sadd.s32 s4, s15  }
0x187: {  	[tilespmem:s28], [sflag:$0x2] =	stream.linear.gather [hbm4b:s17+s2], $0x320, $0x38;
	[tilespmem:$0x17F00] =	vst v63  }
0x188: {  	s14 =	sadd.s32 $0x1, s14;
	s15 =	sadd.s32 s6, s15  }
0x189: {  	[tilespmem:s29], [sflag:$0x2] =	stream.linear.gather [hbm4b:s15+s2], $0x320, $0x38;
	[tilespmem:$0x17F00] =	vst v63  }
.LBB2_8:
0x18a: {  	_ =	swait.ge [sflag:s30], $0x3200  }
0x18b: {  	[sflag:s30] =	ssyncset.done $0x0  }
0x18c: {  	[sflag:s30] =	ssyncadd.s32 $0xFFFFCE00  }
0x18d: {  	_ =	swait.ge [sflag:s30], $0x320  }
0x18e: {  	[sflag:s30] =	ssyncset.done $0x0  }
0x18f: {  	[sflag:s30] =	ssyncadd.s32 $0xFFFFFCE0  }
0x190: {  	s14 =	simm.s32 $0x0;
	_ =	swait.ge [sflag:s30], $0x320  }
0x191: {  	v1 =	vor.u32 s14, v0;
	[sflag:s30] =	ssyncset.done $0x0  }
0x192: {  	v2 =	vshll.u32 v1, $0x3;
	[sflag:s30] =	ssyncadd.s32 $0xFFFFFCE0  }
0x193: {  	v3 =	vshll.u32 v1, $0x4;
	[tilespmem:s0], [sflag:$0x3] =	stream.indirect.gather [hbm4b:s3+s31], $0x8, s24, s31, $0xb8;
	[tilespmem:$0x17F00] =	vst v63  }
0x194: {  	v4 =	vor.u32 $0x1, v2;
	_ =	swait.ge [sflag:s5], $0x1900  }
0x195: {  	v5 =	vor.u32 $0x4, v3;
	[sflag:s5] =	ssyncset.done $0x0  }
0x196: {  	v6 =	vor.u32 $0x8, v3;
	[sflag:s5] =	ssyncadd.s32 $0xFFFFE700  }
0x197: {  	v8 =	vor.u32 $0x2, v2;
	v7 =	vld.idx.msk [tilespmem:v2+s0+$0x0], $0xffff  }
0x198: {  	v9 =	vor.u32 $0xC, v3;
	v10 =	vld.idx.msk [tilespmem:v3+s23+$0x0], $0xffff  }
0x199: {  	v1 =	vor.u32 $0x3, v2;
	v11 =	vld.idx.msk [tilespmem:v4+s0+$0x0], $0xffff  }
0x19a: {  	v5 =	vld.idx.msk [tilespmem:v5+s23+$0x0], $0xffff  }
0x19b: {  	v6 =	vld.idx.msk [tilespmem:v6+s23+$0x0], $0xffff  }
0x19c: {  	v12 =	vld.idx.msk [tilespmem:v8+s0+$0x0], $0xffff  }
0x19d: {  	v9 =	vld.idx.msk [tilespmem:v9+s23+$0x0], $0xffff  }
0x19e: {  	v13 =	vld.idx.msk [tilespmem:v1+s0+$0x0], $0xffff  }
0x19f: {  	v10 =	vmul.f32 v10, v7;
	v5 =	vmul.f32 v5, v11;
	_ =	sdelay $0x1  }
0x1a0: {  	v6 =	vmul.f32 v6, v12;
	v5 =	vadd.f32 v5, v10;
	_ =	sdelay $0x1  }
0x1a1: {  	v60 =	vor.u32 $0x1, v3;
	v5 =	vadd.f32 v6, v5;
	v6 =	vmul.f32 v9, v13  }
0x1a2: {  	v61 =	vor.u32 $0x5, v3  }
0x1a3: {  	v5 =	vadd.f32 v6, v5  }
0x1a4: {  	v6 =	vor.u32 $0x9, v3  }
0x1a5: {  	[tilespmem:v2+s22+$0x0] =	vst.idx.msk $0xffff, v5  }
0x1a6: {  	v5 =	vor.u32 $0xD, v3;
	v2 =	vld.idx.msk [tilespmem:v60+s23+$0x0], $0xffff  }
0x1a7: {  	v62 =	vld.idx.msk [tilespmem:v61+s23+$0x0], $0xffff;
	_ =	sdelay $0x1  }
0x1a8: {  	v6 =	vld.idx.msk [tilespmem:v6+s23+$0x0], $0xffff;
	_ =	sdelay $0x1  }
0x1a9: {  	v5 =	vld.idx.msk [tilespmem:v5+s23+$0x0], $0xffff  }
0x1aa: {  	v2 =	vmul.f32 v2, v7;
	v9 =	vmul.f32 v62, v11;
	_ =	sdelay $0x1  }
0x1ab: {  	v2 =	vadd.f32 v9, v2;
	v6 =	vmul.f32 v6, v12;
	_ =	sdelay $0x1  }
0x1ac: {  	v2 =	vadd.f32 v6, v2;
	v5 =	vmul.f32 v5, v13;
	v6 =	vor.u32 $0x2, v3  }
0x1ad: {  	v63 =	vor.u32 $0x6, v3  }
0x1ae: {  	v2 =	vadd.f32 v5, v2  }
0x1af: {  	v5 =	vor.u32 $0xA, v3  }
0x1b0: {  	[tilespmem:v4+s22+$0x0] =	vst.idx.msk $0xffff, v2  }
0x1b1: {  	v4 =	vor.u32 $0xE, v3;
	v2 =	vld.idx.msk [tilespmem:v6+s23+$0x0], $0xffff  }
0x1b2: {  	v6 =	vld.idx.msk [tilespmem:v63+s23+$0x0], $0xffff;
	_ =	sdelay $0x1  }
0x1b3: {  	v5 =	vld.idx.msk [tilespmem:v5+s23+$0x0], $0xffff;
	_ =	sdelay $0x1  }
0x1b4: {  	v4 =	vld.idx.msk [tilespmem:v4+s23+$0x0], $0xffff  }
0x1b5: {  	v2 =	vmul.f32 v2, v7;
	v6 =	vmul.f32 v6, v11;
	_ =	sdelay $0x1  }
0x1b6: {  	v2 =	vadd.f32 v6, v2;
	v5 =	vmul.f32 v5, v12;
	_ =	sdelay $0x1  }
0x1b7: {  	v2 =	vadd.f32 v5, v2;
	v4 =	vmul.f32 v4, v13;
	v5 =	vor.u32 $0x3, v3  }
0x1b8: {  	v6 =	vor.u32 $0x7, v3  }
0x1b9: {  	v2 =	vadd.f32 v4, v2;
	v4 =	vor.u32 $0xB, v3  }
0x1ba: {  	v3 =	vor.u32 $0xF, v3  }
0x1bb: {  	[tilespmem:v8+s22+$0x0] =	vst.idx.msk $0xffff, v2  }
0x1bc: {  	v2 =	vld.idx.msk [tilespmem:v5+s23+$0x0], $0xffff  }
0x1bd: {  	v5 =	vld.idx.msk [tilespmem:v6+s23+$0x0], $0xffff  }
0x1be: {  	v4 =	vld.idx.msk [tilespmem:v4+s23+$0x0], $0xffff  }
0x1bf: {  	v6 =	vld.idx.msk [tilespmem:v3+s23+$0x0], $0xffff;
	_ =	sdelay $0x2  }
0x1c0: {  	v2 =	vmul.f32 v2, v7;
	v5 =	vmul.f32 v5, v11;
	_ =	sdelay $0x1  }
0x1c1: {  	s15 =	simm.s32 $0x20;
	s14 =	simm.s32 $0x10;
	v3 =	vmul.f32 v4, v12;
	v4 =	vadd.f32 v5, v2;
	v2 =	vmul.f32 v6, v13  }
.LBB2_9:
0x1c2: {  	p0 =	sne.s32 s15, $0x310;
	v5 =	vor.u32 s14, v0;
	s14 =	smov.u32 s15;
	s15 =	sadd.s32 $0x10, s15  }
0x1c3: {  	v6 =	vshll.u32 v5, $0x3;
	v5 =	vshll.u32 v5, $0x4;
	v3 =	vadd.f32 v3, v4  }
0x1c4: {  	v4 =	vor.u32 $0x1, v6;
	v7 =	vor.u32 $0x4, v5;
	v8 =	vor.u32 $0x8, v5  }
0x1c5: {  	v9 =	vor.u32 $0xC, v5;
	v2 =	vadd.f32 v2, v3;
	_ =	sdelay $0x1  }
0x1c6: {  	[tilespmem:v1+s22+$0x0] =	vst.idx.msk $0xffff, v2  }
0x1c7: {  	v3 =	vor.u32 $0x2, v6;
	v2 =	vld.idx.msk [tilespmem:v6+s0+$0x0], $0xffff  }
0x1c8: {  	v10 =	vld.idx.msk [tilespmem:v5+s23+$0x0], $0xffff  }
0x1c9: {  	v1 =	vor.u32 $0x3, v6;
	v11 =	vld.idx.msk [tilespmem:v4+s0+$0x0], $0xffff  }
0x1ca: {  	v7 =	vld.idx.msk [tilespmem:v7+s23+$0x0], $0xffff  }
0x1cb: {  	v8 =	vld.idx.msk [tilespmem:v8+s23+$0x0], $0xffff  }
0x1cc: {  	v12 =	vld.idx.msk [tilespmem:v3+s0+$0x0], $0xffff  }
0x1cd: {  	v9 =	vld.idx.msk [tilespmem:v9+s23+$0x0], $0xffff  }
0x1ce: {  	v10 =	vmul.f32 v10, v2;
	v13 =	vld.idx.msk [tilespmem:v1+s0+$0x0], $0xffff;
	_ =	sdelay $0x1  }
0x1cf: {  	v7 =	vmul.f32 v7, v11;
	_ =	sdelay $0x1  }
0x1d0: {  	v7 =	vadd.f32 v7, v10;
	v8 =	vmul.f32 v8, v12;
	_ =	sdelay $0x1  }
0x1d1: {  	v7 =	vadd.f32 v8, v7;
	v8 =	vmul.f32 v9, v13;
	v9 =	vor.u32 $0x1, v5  }
0x1d2: {  	v10 =	vor.u32 $0x5, v5  }
0x1d3: {  	v7 =	vadd.f32 v8, v7  }
0x1d4: {  	v8 =	vor.u32 $0x9, v5  }
0x1d5: {  	[tilespmem:v6+s22+$0x0] =	vst.idx.msk $0xffff, v7  }
0x1d6: {  	v7 =	vor.u32 $0xD, v5;
	v6 =	vld.idx.msk [tilespmem:v9+s23+$0x0], $0xffff  }
0x1d7: {  	v9 =	vld.idx.msk [tilespmem:v10+s23+$0x0], $0xffff;
	_ =	sdelay $0x1  }
0x1d8: {  	v8 =	vld.idx.msk [tilespmem:v8+s23+$0x0], $0xffff;
	_ =	sdelay $0x1  }
0x1d9: {  	v7 =	vld.idx.msk [tilespmem:v7+s23+$0x0], $0xffff  }
0x1da: {  	v6 =	vmul.f32 v6, v2  }
0x1db: {  	v9 =	vmul.f32 v9, v11;
	_ =	sdelay $0x1  }
0x1dc: {  	v6 =	vadd.f32 v9, v6;
	v8 =	vmul.f32 v8, v12;
	_ =	sdelay $0x1  }
0x1dd: {  	v6 =	vadd.f32 v8, v6;
	v7 =	vmul.f32 v7, v13;
	v8 =	vor.u32 $0x2, v5  }
0x1de: {  	v9 =	vor.u32 $0x6, v5  }
0x1df: {  	v6 =	vadd.f32 v7, v6  }
0x1e0: {  	v7 =	vor.u32 $0xA, v5  }
0x1e1: {  	[tilespmem:v4+s22+$0x0] =	vst.idx.msk $0xffff, v6  }
0x1e2: {  	v6 =	vor.u32 $0xE, v5;
	v4 =	vld.idx.msk [tilespmem:v8+s23+$0x0], $0xffff  }
0x1e3: {  	v8 =	vld.idx.msk [tilespmem:v9+s23+$0x0], $0xffff;
	_ =	sdelay $0x1  }
0x1e4: {  	v7 =	vld.idx.msk [tilespmem:v7+s23+$0x0], $0xffff;
	_ =	sdelay $0x1  }
0x1e5: {  	v6 =	vld.idx.msk [tilespmem:v6+s23+$0x0], $0xffff  }
0x1e6: {  	v4 =	vmul.f32 v4, v2  }
0x1e7: {  	v8 =	vmul.f32 v8, v11;
	_ =	sdelay $0x1  }
0x1e8: {  	v4 =	vadd.f32 v8, v4;
	v7 =	vmul.f32 v7, v12  }
0x1e9: {  	v8 =	vor.u32 $0x7, v5  }
0x1ea: {  	v4 =	vadd.f32 v7, v4;
	v6 =	vmul.f32 v6, v13;
	v7 =	vor.u32 $0x3, v5;
	_ =	sdelay $0x1  }
0x1eb: {  	v4 =	vadd.f32 v6, v4;
	v6 =	vor.u32 $0xB, v5  }
0x1ec: {  	v5 =	vor.u32 $0xF, v5  }
0x1ed: {  	[tilespmem:v3+s22+$0x0] =	vst.idx.msk $0xffff, v4  }
0x1ee: {  	v3 =	vld.idx.msk [tilespmem:v7+s23+$0x0], $0xffff  }
0x1ef: {  	v4 =	vld.idx.msk [tilespmem:v8+s23+$0x0], $0xffff  }
0x1f0: {  	v6 =	vld.idx.msk [tilespmem:v6+s23+$0x0], $0xffff  }
0x1f1: {  	v5 =	vld.idx.msk [tilespmem:v5+s23+$0x0], $0xffff;
	_ =	sdelay $0x1  }
.Ltmp4:
0x1f2: {  	(pc) =	sbr.rel @p0 .LBB2_9-.Ltmp4, $4  }
0x1f3: {  	v2 =	vmul.f32 v3, v2  }
0x1f4: {  	v4 =	vmul.f32 v4, v11  }
0x1f5: {  	v3 =	vmul.f32 v6, v12  }
0x1f6: {  	v4 =	vadd.f32 v4, v2;
	v2 =	vmul.f32 v5, v13  }
0x1f7: {  	v5 =	vor.u32 s14, v0  }
0x1f8: {  	v6 =	vshll.u32 v5, $0x3;
	v3 =	vadd.f32 v3, v4  }
0x1f9: {  	v46 =	vshll.u32 v5, $0x4  }
0x1fa: {  	v47 =	vor.u32 $0x1, v6;
	v2 =	vadd.f32 v2, v3  }
0x1fb: {  	v3 =	vor.u32 $0x4, v46  }
0x1fc: {  	v7 =	vor.u32 $0x8, v46;
	[tilespmem:v1+s22+$0x0] =	vst.idx.msk $0xffff, v2  }
0x1fd: {  	v2 =	vor.u32 $0x2, v6;
	v1 =	vld.idx.msk [tilespmem:v6+s0+$0x0], $0xffff  }
0x1fe: {  	v8 =	vor.u32 $0xC, v46;
	v9 =	vld.idx.msk [tilespmem:v46+s23+$0x0], $0xffff  }
0x1ff: {  	v11 =	vor.u32 $0x3, v6;
	v10 =	vld.idx.msk [tilespmem:v47+s0+$0x0], $0xffff  }
0x200: {  	v3 =	vld.idx.msk [tilespmem:v3+s23+$0x0], $0xffff  }
0x201: {  	v7 =	vld.idx.msk [tilespmem:v7+s23+$0x0], $0xffff  }
0x202: {  	v12 =	vld.idx.msk [tilespmem:v2+s0+$0x0], $0xffff  }
0x203: {  	v8 =	vld.idx.msk [tilespmem:v8+s23+$0x0], $0xffff  }
0x204: {  	v13 =	vld.idx.msk [tilespmem:v11+s0+$0x0], $0xffff  }
0x205: {  	v9 =	vmul.f32 v9, v1;
	v3 =	vmul.f32 v3, v10;
	_ =	sdelay $0x1  }
0x206: {  	v3 =	vadd.f32 v3, v9;
	v7 =	vmul.f32 v7, v12;
	_ =	sdelay $0x1  }
0x207: {  	v49 =	vor.u32 $0x1, v46;
	v48 =	vmul.f32 v8, v13;
	v3 =	vadd.f32 v7, v3  }
0x208: {  	v50 =	vor.u32 $0x5, v46  }
0x209: {  	v3 =	vadd.f32 v48, v3  }
0x20a: {  	v51 =	vor.u32 $0x9, v46  }
0x20b: {  	[tilespmem:v6+s22+$0x0] =	vst.idx.msk $0xffff, v3  }
0x20c: {  	v52 =	vor.u32 $0xD, v46;
	v3 =	vld.idx.msk [tilespmem:v49+s23+$0x0], $0xffff  }
0x20d: {  	v53 =	vld.idx.msk [tilespmem:v50+s23+$0x0], $0xffff;
	_ =	sdelay $0x1  }
0x20e: {  	v7 =	vld.idx.msk [tilespmem:v51+s23+$0x0], $0xffff;
	_ =	sdelay $0x1  }
0x20f: {  	v6 =	vld.idx.msk [tilespmem:v52+s23+$0x0], $0xffff  }
0x210: {  	v3 =	vmul.f32 v3, v1;
	v8 =	vmul.f32 v53, v10;
	_ =	sdelay $0x1  }
0x211: {  	v7 =	vmul.f32 v7, v12;
	v3 =	vadd.f32 v8, v3;
	_ =	sdelay $0x1  }
0x212: {  	v54 =	vor.u32 $0x2, v46;
	v6 =	vmul.f32 v6, v13;
	v3 =	vadd.f32 v7, v3  }
0x213: {  	v55 =	vor.u32 $0x6, v46  }
0x214: {  	v3 =	vadd.f32 v6, v3  }
0x215: {  	v56 =	vor.u32 $0xA, v46  }
0x216: {  	[tilespmem:v47+s22+$0x0] =	vst.idx.msk $0xffff, v3  }
0x217: {  	v57 =	vor.u32 $0xE, v46;
	v3 =	vld.idx.msk [tilespmem:v54+s23+$0x0], $0xffff  }
0x218: {  	v58 =	vld.idx.msk [tilespmem:v55+s23+$0x0], $0xffff;
	_ =	sdelay $0x1  }
0x219: {  	v6 =	vld.idx.msk [tilespmem:v56+s23+$0x0], $0xffff;
	_ =	sdelay $0x1  }
0x21a: {  	v5 =	vld.idx.msk [tilespmem:v57+s23+$0x0], $0xffff  }
0x21b: {  	v3 =	vmul.f32 v3, v1;
	v7 =	vmul.f32 v58, v10;
	_ =	sdelay $0x1  }
0x21c: {  	v6 =	vmul.f32 v6, v12;
	v3 =	vadd.f32 v7, v3;
	_ =	sdelay $0x1  }
0x21d: {  	v59 =	vor.u32 $0x3, v46;
	v5 =	vmul.f32 v5, v13;
	v3 =	vadd.f32 v6, v3  }
0x21e: {  	v60 =	vor.u32 $0x7, v46  }
0x21f: {  	v3 =	vadd.f32 v5, v3  }
0x220: {  	v61 =	vor.u32 $0xB, v46  }
0x221: {  	[tilespmem:v2+s22+$0x0] =	vst.idx.msk $0xffff, v3  }
0x222: {  	v2 =	vor.u32 $0xF, v46;
	v3 =	vld.idx.msk [tilespmem:v59+s23+$0x0], $0xffff  }
0x223: {  	v62 =	vld.idx.msk [tilespmem:v60+s23+$0x0], $0xffff;
	_ =	sdelay $0x1  }
0x224: {  	v5 =	vld.idx.msk [tilespmem:v61+s23+$0x0], $0xffff;
	_ =	sdelay $0x1  }
0x225: {  	v2 =	vld.idx.msk [tilespmem:v2+s23+$0x0], $0xffff  }
0x226: {  	v1 =	vmul.f32 v3, v1;
	v3 =	vmul.f32 v62, v10;
	_ =	sdelay $0x1  }
0x227: {  	v63 =	vmul.f32 v5, v12;
	v1 =	vadd.f32 v3, v1;
	_ =	sdelay $0x1  }
0x228: {  	v2 =	vmul.f32 v2, v13;
	v1 =	vadd.f32 v63, v1;
	_ =	sdelay $0x1  }
0x229: {  	v1 =	vadd.f32 v2, v1;
	_ =	sdelay $0x1  }
0x22a: {  	[tilespmem:v11+s22+$0x0] =	vst.idx.msk $0xffff, v1  }
0x22b: {  	[spmem:s1] =	stream.indirect.scatter.add.f32 [tilespmem:s22], [sflag:$0x4], $0x8, s25, s31, $0xb8;
	[tilespmem:$0x17F00] =	vst v63  }
0x22c: {  	_ =	swait.ge [sflag:s21], $0x1900  }
0x22d: {  	[sflag:s21] =	ssyncset.done $0x0  }
0x22e: {  	s13 =	sadd.s32 $0x1, s13;
	[sflag:s21] =	ssyncadd.s32 $0xFFFFE700  }
0x22f: {  	p0 =	sne.s32 s13, s19;
	[bflag:$0x0] =	sbarrier.arrive $0xFFFF  }
.Ltmp5:
0x230: {  	s17 =	rddreg [dreg:$0xa];
	(pc) =	sbr.rel @p0 .LBB2_1-.Ltmp5, $4  }
0x231: {  	[hbm:s17], [sflag:s11] =	dma.local [spmem:s20], $0x1870  }
0x232: {  	_ =	swait.ge [sflag:s21], $0x1870  }
0x233: {  	[sflag:s21] =	ssyncset.done $0x0  }
0x234: {  	[sflag:s21] =	ssyncadd.s32 $0xFFFFE790  }
0x235: {  	_ =	sfence.sel $0x180000  }
0x236: {  	[bflag:$0x0] =	sbarrier.arrive $0xFFFF  }
0x237: {  	_ =	strace $0x9000004A  }
0x238: {  	s0 =	stileid.u32;
	[bflag:$0x2] =	sbarrier.arrive $0xFFFF  }
0x239: {  	p0 =	sne.s32 s0, $0x0;
	s0 =	rddreg [dreg:$0x2]  }
0x23a: {  	s0 =	sadd.s32 @!p0 $0x100000, s0  }
0x23b: {  	[sflag:s0] =	ssyncadd.tile.s32 @!p0 $0x1;
	_ =	shalt  }
.Lfunc_end2:
_tile_overlayer_lowered:
.L_overlay_start_2:
0x23c: {  	(tag) =	ssettag $0x2  }
0x23d: {  	s0 =	rddreg [dreg:$0x0];
	s2 =	stileid.u32  }
0x23e: {  	s1 =	rddreg [dreg:$0x1];
	p0 =	sne.s32 s2, $0x0  }
0x23f: {  	s3 =	rddreg [dreg:$0x2];
	[bflag:$0x3] =	sbarrier.arrive $0xFFFF;
	s2 =	simm.s32 @!p0 $0x1C04  }
0x240: {  	[timem:s3], [sflag:s2] =	dma.local @!p0 [hbm:s0], s1  }
0x241: {  	s0 =	simm.s32 @!p0 $0x4  }
0x242: {  	_ =	swait.ge @!p0 [sflag:s0], s1  }
0x243: {  	s1 =	ssub.s32 @!p0 $0x0, s1;
	[sflag:s0] =	ssyncset.done @!p0 $0x0  }
0x244: {  	[sflag:s0] =	ssyncadd.s32 @!p0 s1  }
0x245: {  	[bflag:$0x3] =	sbarrier.arrive $0xFFFF  }
0x246: {  	_ =	shalt  }

// kernel: kernel.9.cloned.1.call-start
scs
__scs_entry_jumppad:
0x0: {  	(pc) =	sbr.rel $0x88, $3  }
0x1: {  	(tag) =	ssettag $0x0;
	lr =	simm.s32 $0x1  }
0x2: {  	[smem:$0x3F9E] =	sst lr;
	_ =	strace $0xD0000000  }
0x3: {  	_ = 	snop  }
0x4: {  	_ = 	snop  }
0x5: {  	_ = 	snop  }
0x6: {  	_ = 	snop  }
0x7: {  	_ = 	snop  }
__scs_overlays_trampoline_lowered:
0x8: {  	[smem:$0x3FAD] =	sst s0  }
0x9: {  	[smem:$0x3FAE] =	sst s1  }
0xa: {  	[smem:$0x3FAF] =	sst s2  }
0xb: {  	[smem:$0x3FB0] =	sst s3  }
0xc: {  	[smem:$0x3FB1] =	sst s4  }
0xd: {  	[smem:$0x3FB2] =	sst s5  }
0xe: {  	[smem:$0x3FB3] =	sst s6  }
0xf: {  	[smem:$0x3FB4] =	sst s7  }
0x10: {  	[smem:$0x3FB5] =	sst s8  }
0x11: {  	[smem:$0x3FB6] =	sst s9;
	s0 =	simm.s32 @!p0 $0x0  }
0x12: {  	s1 =	sld [smem:$0x3F9C];
	s0 =	simm.s32 @p0 $0x1  }
0x13: {  	[smem:$0x3FB7] =	sst s0;
	s0 =	simm.s32 @!p1 $0x0  }
0x14: {  	s2 =	sld [smem:$0x3F9B];
	s0 =	simm.s32 @p1 $0x1  }
0x15: {  	[smem:$0x3FB8] =	sst s0;
	s0 =	simm.s32 @!p2 $0x0  }
0x16: {  	s3 =	sld [smem:$0x3FDB];
	s0 =	simm.s32 @p2 $0x1  }
0x17: {  	s4 =	simm.s32 $0x1BF5;
	[smem:$0x3FBA] =	sst s0  }
0x18: {  	s0 =	sld [smem:$0x3F9D];
	_ =	swait.ge [sflag:s4], $0x0  }
0x19: {  	s7 =	sld [smem:$0x3F9E]  }
0x1a: {  	s8 =	sadd.s32 $0xFFFFE003, lr  }
0x1b: {  	s9 =	sadd.s32 $0xFFFFFEF7, lr;
	s5 =	simm.s32 $0xFFFFFFFF;
	p2 =	slt.u32 s8, $0xFFFFF086  }
0x1c: {  	p1 =	slt.u32 s9, $0xF7A;
	s5 =	simm.s32 @!p2 $0x0  }
0x1d: {  	s5 =	simm.s32 @p1 $0x1;
	p0 =	seq.s32 s7, s2  }
0x1e: {  	s7 =	smul.u32 @!p0 $0xF7A, s2;
	p2 =	seq.s32 @!p0 s5, $0x0  }
0x1f: {  	s9 =	smul.u32 $0xF7A, s1;
	s8 =	simm.s32 @!p0 $0x1BF5;
	p2 =	por !p2, p0  }
0x20: {  	[sflag:s8] =	ssyncset.s32 @!p0 $0xFFFFF086;
	s6 =	sadd.s32 @!p0 s3, s7;
	s7 =	simm.s32 @!p0 $0x108  }
0x21: {  	s3 =	sadd.s32 s3, s9;
	s6 =	sadd.s32 @!p0 $0x88, s6;
	s7 =	simm.s32 @p2 $0x1082  }
0x22: {  	[simem:s7], [sflag:s8] =	dma.local @!p0 [hbm:s6], $0xF7A  }
0x23: {  	s9 =	sor.u32 $0xD0000000, s2;
	s6 =	simm.s32 $0x108;
	_ =	swait.ge @!p0 [sflag:s8], $0x0  }
0x24: {  	s3 =	sadd.s32 $0x88, s3;
	s6 =	simm.s32 @!p1 $0x1082;
	[sflag:s4] =	ssyncset.s32 $0xFFFFF086  }
0x25: {  	[simem:s6], [sflag:s4] =	dma.local [hbm:s3], $0xF7A  }
0x26: {  	[smem:$0x3F9E] =	sst s1;
	(tag) =	ssettag s2;
	_ =	strace s9  }
0x27: {  	s1 =	sld [smem:$0x3FAE]  }
0x28: {  	s2 =	sld [smem:$0x3FAF]  }
0x29: {  	s4 =	sld [smem:$0x3FB1]  }
0x2a: {  	p0 =	seq.s32 s5, $0x0;
	s5 =	sld [smem:$0x3FB2]  }
0x2b: {  	s6 =	sld [smem:$0x3FB3]  }
0x2c: {  	s7 =	sld [smem:$0x3FB4]  }
0x2d: {  	s3 =	simm.s32 $0x108;
	s8 =	sld [smem:$0x3FB5]  }
0x2e: {  	s3 =	simm.s32 @!p0 $0x1082;
	s9 =	sld [smem:$0x3FB6]  }
0x2f: {  	lr =	sadd.s32 s0, s3;
	s0 =	sld [smem:$0x3FAD]  }
0x30: {  	s3 =	sld [smem:$0x3FB0]  }
0x31: {  	[smem:$0x3FB9] =	sst s10  }
0x32: {  	s10 =	sld [smem:$0x3FB7];
	_ =	sdelay $0x3  }
0x33: {  	p0 =	seq.s32 s10, $0x1;
	s10 =	sld [smem:$0x3FB9];
	_ =	sdelay $0x3  }
0x34: {  	[smem:$0x3FB9] =	sst s10  }
0x35: {  	s10 =	sld [smem:$0x3FB8];
	_ =	sdelay $0x3  }
0x36: {  	p1 =	seq.s32 s10, $0x1;
	s10 =	sld [smem:$0x3FB9];
	_ =	sdelay $0x3  }
0x37: {  	[smem:$0x3FB9] =	sst s10  }
0x38: {  	s10 =	sld [smem:$0x3FBA]  }
0x39: {  	_ = 	snop;
	(pc) =	sbr.ind lr, $3  }
0x3a: {  	_ = 	snop  }
0x3b: {  	_ = 	snop  }
0x3c: {  	p2 =	seq.s32 s10, $0x1;
	s10 =	sld [smem:$0x3FB9]  }
0x3d: {  	_ =	shalt  }
0x3e: {  	_ =	shalt  }
0x3f: {  	_ =	shalt  }
0x40: {  	_ =	shalt  }
0x41: {  	_ =	shalt  }
0x42: {  	_ =	shalt  }
0x43: {  	_ =	shalt  }
0x44: {  	_ =	shalt  }
0x45: {  	_ =	shalt  }
0x46: {  	_ =	shalt  }
0x47: {  	_ =	shalt  }
0x48: {  	_ =	shalt  }
0x49: {  	_ =	shalt  }
0x4a: {  	_ =	shalt  }
0x4b: {  	_ =	shalt  }
0x4c: {  	_ =	shalt  }
0x4d: {  	_ =	shalt  }
0x4e: {  	_ =	shalt  }
0x4f: {  	_ =	shalt  }
0x50: {  	_ =	shalt  }
0x51: {  	_ =	shalt  }
0x52: {  	_ =	shalt  }
0x53: {  	_ =	shalt  }
0x54: {  	_ =	shalt  }
0x55: {  	_ =	shalt  }
0x56: {  	_ =	shalt  }
0x57: {  	_ =	shalt  }
0x58: {  	_ =	shalt  }
0x59: {  	_ =	shalt  }
0x5a: {  	_ =	shalt  }
0x5b: {  	_ =	shalt  }
0x5c: {  	_ =	shalt  }
0x5d: {  	_ =	shalt  }
0x5e: {  	_ =	shalt  }
0x5f: {  	_ =	shalt  }
0x60: {  	_ =	shalt  }
0x61: {  	_ =	shalt  }
0x62: {  	_ =	shalt  }
0x63: {  	_ =	shalt  }
0x64: {  	_ =	shalt  }
0x65: {  	_ =	shalt  }
0x66: {  	_ =	shalt  }
0x67: {  	_ =	shalt  }
0x68: {  	_ =	shalt  }
0x69: {  	_ =	shalt  }
0x6a: {  	_ =	shalt  }
0x6b: {  	_ =	shalt  }
0x6c: {  	_ =	shalt  }
0x6d: {  	_ =	shalt  }
0x6e: {  	_ =	shalt  }
0x6f: {  	_ =	shalt  }
0x70: {  	_ =	shalt  }
0x71: {  	_ =	shalt  }
0x72: {  	_ =	shalt  }
0x73: {  	_ =	shalt  }
0x74: {  	_ =	shalt  }
0x75: {  	_ =	shalt  }
0x76: {  	_ =	shalt  }
0x77: {  	_ =	shalt  }
0x78: {  	_ =	shalt  }
0x79: {  	_ =	shalt  }
0x7a: {  	_ =	shalt  }
0x7b: {  	_ =	shalt  }
0x7c: {  	_ =	shalt  }
0x7d: {  	_ =	shalt  }
0x7e: {  	_ =	shalt  }
0x7f: {  	_ =	shalt  }
0x80: {  	_ =	shalt  }
0x81: {  	_ =	shalt  }
0x82: {  	_ =	shalt  }
0x83: {  	_ =	shalt  }
0x84: {  	_ =	shalt  }
0x85: {  	_ =	shalt  }
0x86: {  	_ =	shalt  }
0x87: {  	_ =	shalt  }
.Lfunc_end0:
.L_simem_size_0:
called_computation.2_lowered:
.L_overlay_start_0:
0x88: {  	s2 =	sld [smem:$0x3FD9]  }
0x89: {  	s3 =	sld [smem:$0x3FFE];
	_ =	sdelay $0x1  }
0x8a: {  	s1 =	srdreg.scid  }
0x8b: {  	s0 =	sand.u32 $0x1, s1  }
0x8c: {  	s16 =	sshll.u32 s0, $0xA;
	s2 =	sadd.s32 s3, s2  }
0x8d: {  	s2 =	sadd.s32 s2, s16  }
0x8e: {  	[smem:$0x3FC5] =	sst s2  }
0x8f: {  	_ = 	snop  }
0x90: {  	(tm) =	ssettm $0x1  }
0x91: {  	s17 =	sld [smem:$0x3FFB];
	_ =	sdelay $0x3  }
0x92: {  	_ =	strace s17  }
0x93: {  	s2 =	sld [smem:$0x3FFC];
	_ =	sdelay $0x3  }
0x94: {  	_ =	strace s2  }
0x95: {  	s2 =	sld [smem:$0x3FFD];
	_ =	sdelay $0x3  }
0x96: {  	_ =	strace s2  }
0x97: {  	_ =	strace $0x8FFFFFFF  }
0x98: {  	s18 =	sld [smem:$0x3FDB];
	_ =	sdelay $0x1  }
0x99: {  	s19 =	simm.s32 $_scs_section_size  }
0x9a: {  	s4 =	simm.s32 $_size__tile_overlayer_lowered;
	s5 =	simm.s32 $_tile_overlayer_lowered  }
0x9b: {  	s22 =	simm.s32 $0x1BFF;
	s21 =	sshll.u32 s5, $0x1;
	s2 =	sadd.s32 s19, s18  }
0x9c: {  	s6 =	simm.s32 $0x0;
	s20 =	sshll.u32 s4, $0x1;
	s4 =	sadd.s32 s21, s2  }
0x9d: {  	[timem:s6], [sflag:s22] =	dma.local [hbm:s4], s20  }
0x9e: {  	_ =	swait.ge [sflag:s22], s20  }
0x9f: {  	s3 =	ssub.s32 $0x0, s20;
	[sflag:s22] =	ssyncset.done $0x0  }
0xa0: {  	[sflag:s22] =	ssyncadd.s32 s3;
	_ =	sdelay $0x1  }
0xa1: {  	s23 =	simm.s32 $0x1B8B  }
0xa2: {  	_ =	swait.ge [sflag:s23], $0x1  }
0xa3: {  	[sflag:s23] =	ssyncset.done $0x0  }
0xa4: {  	s25 =	simm.s32 $0x1B8E;
	s24 =	sld [smem:$0x3FFE];
	[sflag:s23] =	ssyncadd.s32 $0xFFFFFFFF  }
0xa5: {  	s26 =	simm.s32 $execute0_lowered;
	[smem:$0x3FD2] =	sst s25  }
0xa6: {  	s4 =	sshll.u32 s26, $0x1;
	_ =	strace $0x8000004C;
	[dreg:$0x1] =	wrdreg $0xFFFFFFFF  }
0xa7: {  	s28 =	simm.s32 $_size_execute0_lowered;
	s2 =	sadd.s32 s2, s4;
	[dreg:$0x0] =	wrdreg $0x0  }
0xa8: {  	s4 =	sshll.u32 s28, $0x1;
	[dreg:$0x2] =	wrdreg s2  }
0xa9: {  	[dreg:$0x3] =	wrdreg s4  }
0xaa: {  	[dreg:$0x4] =	wrdreg $0xC0  }
0xab: {  	_ =	task [dreg:s6], $0x5FFFF  }
0xac: {  	[dreg:$0x1] =	wrdreg $0xFFFFFFFF  }
0xad: {  	[dreg:$0x0] =	wrdreg $0x60  }
0xae: {  	[dreg:$0x2] =	wrdreg s24  }
0xaf: {  	[dreg:$0x3] =	wrdreg $0x0  }
0xb0: {  	[dreg:$0x4] =	wrdreg $0x9  }
0xb1: {  	_ =	task.clear_ibuf [dreg:s6], $0x5FFFF;
	_ =	strace $0x9000004C  }
0xb2: {  	s29 =	simm.s32 $0x9;
	_ =	strace $0x8000004E  }
0xb3: {  	_ =	swait.ge [sflag:s29], $0x1  }
0xb4: {  	[sflag:s29] =	ssyncadd.s32 $0xFFFFFFFF  }
0xb5: {  	_ =	strace $0x9000004E  }
0xb6: {  	_ =	sfence  }
0xb7: {  	s30 =	sld [smem:$0x0];
	_ =	sdelay $0x2  }
0xb8: {  	s31 =	sshll.u32 s1, $0xD;
	s1 =	sshrl.u32 s1, $0x2  }
0xb9: {  	s3 =	sand.u32 $0x4000, s31;
	s1 =	sadd.s32 s1, s30  }
0xba: {  	s0 =	sor.u32 s3, s0;
	s1 =	sshll.u32 s1, $0x11  }
0xbb: {  	s0 =	sor.u32 s1, s0  }
0xbc: {  	s0 =	sadd.s32 $0x8F2B, s0  }
0xbd: {  	[sflag:s0] =	ssyncadd.remote.s32 $0x1  }
0xbe: {  	_ =	sfence.sel $0xFFFF  }
0xbf: {  	[dreg:$0x0] =	wrdreg $0xFFFFFFFF;
	(pc) =	sbr.abs _section_cstart, $3  }
0xc0: {  	[dreg:$0x1] =	wrdreg $0xFFFFFFFF  }
0xc1: {  	_ =	task.clear_ibuf [dreg:s6], $0x2FFFF;
	_ =	strace $0x9FFFFFFF  }
0xc2: {  	(tm) =	ssettm $0x7FFFFFFF  }
0xc3: {  	_ =	shalt  }
tec
execute0_lowered:
.L_overlay_start_1:
0x0: {  	(tag) =	ssettag $0x1  }
0x1: {  	s0 =	rddreg [dreg:$0x0]  }
0x2: {  	s1 =	rddreg [dreg:$0x1];
	s2 =	simm.s32 $0x0;
	s5 =	srdreg.scid  }
0x3: {  	s14 =	stileid.u32;
	s28 =	simm.s32 $0x12AA0;
	s29 =	simm.s32 $0x130E0  }
0x4: {  	s31 =	simm.s32 $0x320;
	[smem:$0x7FF] =	sst s2;
	s3 =	sadd.s32 $0x634600, s0  }
0x5: {  	s30 =	simm.s32 $0x1;
	s4 =	sadd.s32 $0x36EFE00, s0;
	s6 =	sadd.s32 $0x3751A00, s0  }
0x6: {  	s7 =	sadd.s32 $0x1600, s0;
	s8 =	sadd.s32 $0x61BE00, s0;
	s9 =	smul.u32 $0x1870, s14  }
0x7: {  	s5 =	sand.u32 $0x1, s5;
	s13 =	smul.u32 $0xC380, s14;
	_ =	strace $0x8000004D  }
0x8: {  	s10 =	ssub.s32 $0x2, s5;
	s11 =	sshll.u32 s5, $0x4;
	s5 =	smul.u32 $0x18700, s5  }
0x9: {  	s12 =	sshrl.u32 s10, $0x1;
	s11 =	sor.u32 s14, s11;
	s0 =	sadd.s32 s9, s0  }
0xa: {  	s18 =	sshrl.u32 s13, $0x3;
	s14 =	sshll.u32 s14, $0x6;
	s9 =	smul.u32 $0x186A0, s11  }
0xb: {  	s13 =	sadd.s32 s13, s1;
	s10 =	ssub.s32 s10, s12;
	s15 =	smul.u32 $0x30D40, s11  }
0xc: {  	s19 =	sadd.s32 s8, s18;
	s11 =	sor.u32 $0x1C04, s14;
	s0 =	sadd.s32 s5, s0  }
0xd: {  	s5 =	simm.s32 $0x3;
	s18 =	simm.s32 $0x0;
	[dreg:$0x3] =	wrdreg s19  }
0xe: {  	s0 =	sadd.s32 $0x64CE00, s0;
	s19 =	smax.u32 s10, $0x1;
	s10 =	simm.s32 $0x2  }
0xf: {  	s20 =	sadd.s32 s7, s15;
	s21 =	sshrl.u32 s9, $0x3;
	[dreg:$0xa] =	wrdreg s0  }
0x10: {  	s22 =	sadd.s32 $0x320, s9;
	s0 =	simm.s32 $0x13400;
	[dreg:$0x4] =	wrdreg s20  }
0x11: {  	s23 =	sadd.s32 s4, s21;
	s24 =	sshll.u32 s22, $0x1;
	s12 =	sadd.s32 s6, s21  }
0x12: {  	s26 =	sshrl.u32 s22, $0x3;
	s20 =	sshrl.u32 s13, $0x3;
	s21 =	simm.s32 $0x4  }
0x13: {  	s22 =	simm.s32 $0x16600;
	s13 =	simm.s32 $0x0;
	[dreg:$0x5] =	wrdreg s23  }
0x14: {  	[dreg:$0x6] =	wrdreg s12;
	s25 =	sadd.s32 s7, s24;
	s14 =	sadd.s32 s4, s26  }
0x15: {  	s12 =	sadd.s32 s6, s26;
	s23 =	simm.s32 $0xC380;
	[dreg:$0x7] =	wrdreg s25  }
0x16: {  	s24 =	simm.s32 $0x12780;
	s26 =	simm.s32 $0xF580;
	[dreg:$0x8] =	wrdreg s14  }
0x17: {  	v0 =	vlaneseq.u32;
	[dreg:$0x9] =	wrdreg s12;
	s25 =	simm.s32 $0x12DC0;
	s12 =	simm.s32 $0x14D00  }
.LBB2_1:
0x18: {  	s14 =	rddreg [dreg:$0x3]  }
0x19: {  	[spmem:s20], [sflag:s11] =	dma.local [hbm:s14], $0x1870  }
0x1a: {  	_ =	swait.ge [sflag:s21], $0x1870  }
0x1b: {  	[sflag:s21] =	ssyncset.done $0x0  }
0x1c: {  	[sflag:s21] =	ssyncadd.s32 $0xFFFFE790  }
0x1d: {  	[tilespmem:s22], [sflag:$0x4] =	stream.linear.gather [hbm4b:s8+s2], $0x1900, $0x38;
	[tilespmem:$0x17F00] =	vst v63  }
0x1e: {  	_ =	swait.ge [sflag:s21], $0x1900  }
0x1f: {  	[sflag:s21] =	ssyncset.done $0x0  }
0x20: {  	[sflag:s21] =	ssyncadd.s32 $0xFFFFE700  }
0x21: {  	[bflag:$0x0] =	sbarrier.arrive $0xFFFF  }
0x22: {  	s15 =	rddreg [dreg:$0x4]  }
0x23: {  	[tilespmem:s23], [sflag:$0x1] =	stream.linear.gather [hbm4b:s15+s2], $0x3200, $0x38;
	[tilespmem:$0x17F00] =	vst v63  }
0x24: {  	s16 =	rddreg [dreg:$0x5]  }
0x25: {  	[tilespmem:s24], [sflag:$0x1] =	stream.linear.gather [hbm4b:s16+s2], $0x320, $0x38;
	[tilespmem:$0x17F00] =	vst v63  }
0x26: {  	s17 =	rddreg [dreg:$0x6]  }
0x27: {  	[tilespmem:s25], [sflag:$0x1] =	stream.linear.gather [hbm4b:s17+s2], $0x320, $0x38;
	[tilespmem:$0x17F00] =	vst v63  }
0x28: {  	s15 =	rddreg [dreg:$0x7]  }
0x29: {  	[tilespmem:s26], [sflag:$0x2] =	stream.linear.gather [hbm4b:s15+s2], $0x3200, $0x38;
	[tilespmem:$0x17F00] =	vst v63  }
0x2a: {  	s16 =	rddreg [dreg:$0x8]  }
0x2b: {  	[tilespmem:s28], [sflag:$0x2] =	stream.linear.gather [hbm4b:s16+s2], $0x320, $0x38;
	[tilespmem:$0x17F00] =	vst v63  }
0x2c: {  	s14 =	simm.s32 $0x0;
	s17 =	rddreg [dreg:$0x9]  }
0x2d: {  	[tilespmem:s29], [sflag:$0x2] =	stream.linear.gather [hbm4b:s17+s2], $0x320, $0x38;
	[tilespmem:$0x17F00] =	vst v63  }
.LBB2_2:
0x2e: {  	_ =	swait.ge [sflag:s30], $0x3200  }
0x2f: {  	[sflag:s30] =	ssyncset.done $0x0  }
0x30: {  	[sflag:s30] =	ssyncadd.s32 $0xFFFFCE00  }
0x31: {  	_ =	swait.ge [sflag:s30], $0x320  }
0x32: {  	[sflag:s30] =	ssyncset.done $0x0  }
0x33: {  	[sflag:s30] =	ssyncadd.s32 $0xFFFFFCE0  }
0x34: {  	s15 =	simm.s32 $0x0;
	_ =	swait.ge [sflag:s30], $0x320  }
0x35: {  	v1 =	vor.u32 s15, v0;
	[sflag:s30] =	ssyncset.done $0x0  }
0x36: {  	v2 =	vshll.u32 v1, $0x3;
	[sflag:s30] =	ssyncadd.s32 $0xFFFFFCE0  }
0x37: {  	v3 =	vshll.u32 v1, $0x4;
	[tilespmem:s0], [sflag:$0x3] =	stream.indirect.gather [hbm4b:s3+s31], $0x8, s24, s31, $0xb8;
	[tilespmem:$0x17F00] =	vst v63  }
0x38: {  	v4 =	vor.u32 $0x1, v2;
	_ =	swait.ge [sflag:s5], $0x1900  }
0x39: {  	v5 =	vor.u32 $0x1, v3;
	[sflag:s5] =	ssyncset.done $0x0  }
0x3a: {  	v6 =	vor.u32 $0x2, v3;
	[sflag:s5] =	ssyncadd.s32 $0xFFFFE700  }
0x3b: {  	v8 =	vor.u32 $0x2, v2;
	v7 =	vld.idx.msk [tilespmem:v2+s0+$0x0], $0xffff  }
0x3c: {  	v9 =	vor.u32 $0x3, v3;
	v10 =	vld.idx.msk [tilespmem:v3+s23+$0x0], $0xffff  }
0x3d: {  	v1 =	vor.u32 $0x3, v2;
	v11 =	vld.idx.msk [tilespmem:v4+s0+$0x0], $0xffff  }
0x3e: {  	v5 =	vld.idx.msk [tilespmem:v5+s23+$0x0], $0xffff  }
0x3f: {  	v6 =	vld.idx.msk [tilespmem:v6+s23+$0x0], $0xffff  }
0x40: {  	v12 =	vld.idx.msk [tilespmem:v8+s0+$0x0], $0xffff  }
0x41: {  	v9 =	vld.idx.msk [tilespmem:v9+s23+$0x0], $0xffff  }
0x42: {  	v13 =	vld.idx.msk [tilespmem:v1+s0+$0x0], $0xffff  }
0x43: {  	v10 =	vmul.f32 v10, v7;
	v5 =	vmul.f32 v5, v11;
	_ =	sdelay $0x1  }
0x44: {  	v6 =	vmul.f32 v6, v12;
	v5 =	vadd.f32 v5, v10;
	_ =	sdelay $0x1  }
0x45: {  	v60 =	vor.u32 $0x4, v3;
	v5 =	vadd.f32 v6, v5;
	v6 =	vmul.f32 v9, v13  }
0x46: {  	v61 =	vor.u32 $0x5, v3  }
0x47: {  	v5 =	vadd.f32 v6, v5  }
0x48: {  	v6 =	vor.u32 $0x6, v3  }
0x49: {  	[tilespmem:v2+s22+$0x0] =	vst.idx.msk $0xffff, v5  }
0x4a: {  	v5 =	vor.u32 $0x7, v3;
	v2 =	vld.idx.msk [tilespmem:v60+s23+$0x0], $0xffff  }
0x4b: {  	v62 =	vld.idx.msk [tilespmem:v61+s23+$0x0], $0xffff;
	_ =	sdelay $0x1  }
0x4c: {  	v6 =	vld.idx.msk [tilespmem:v6+s23+$0x0], $0xffff;
	_ =	sdelay $0x1  }
0x4d: {  	v5 =	vld.idx.msk [tilespmem:v5+s23+$0x0], $0xffff  }
0x4e: {  	v2 =	vmul.f32 v2, v7;
	v9 =	vmul.f32 v62, v11;
	_ =	sdelay $0x1  }
0x4f: {  	v2 =	vadd.f32 v9, v2;
	v6 =	vmul.f32 v6, v12;
	_ =	sdelay $0x1  }
0x50: {  	v2 =	vadd.f32 v6, v2;
	v5 =	vmul.f32 v5, v13;
	v6 =	vor.u32 $0x8, v3  }
0x51: {  	v63 =	vor.u32 $0x9, v3  }
0x52: {  	v2 =	vadd.f32 v5, v2  }
0x53: {  	v5 =	vor.u32 $0xA, v3  }
0x54: {  	[tilespmem:v4+s22+$0x0] =	vst.idx.msk $0xffff, v2  }
0x55: {  	v4 =	vor.u32 $0xB, v3;
	v2 =	vld.idx.msk [tilespmem:v6+s23+$0x0], $0xffff  }
0x56: {  	v6 =	vld.idx.msk [tilespmem:v63+s23+$0x0], $0xffff;
	_ =	sdelay $0x1  }
0x57: {  	v5 =	vld.idx.msk [tilespmem:v5+s23+$0x0], $0xffff;
	_ =	sdelay $0x1  }
0x58: {  	v4 =	vld.idx.msk [tilespmem:v4+s23+$0x0], $0xffff  }
0x59: {  	v2 =	vmul.f32 v2, v7;
	v6 =	vmul.f32 v6, v11;
	_ =	sdelay $0x1  }
0x5a: {  	v2 =	vadd.f32 v6, v2;
	v5 =	vmul.f32 v5, v12;
	_ =	sdelay $0x1  }
0x5b: {  	v2 =	vadd.f32 v5, v2;
	v4 =	vmul.f32 v4, v13;
	v5 =	vor.u32 $0xC, v3  }
0x5c: {  	v6 =	vor.u32 $0xD, v3  }
0x5d: {  	v2 =	vadd.f32 v4, v2;
	v4 =	vor.u32 $0xE, v3  }
0x5e: {  	v3 =	vor.u32 $0xF, v3  }
0x5f: {  	[tilespmem:v8+s22+$0x0] =	vst.idx.msk $0xffff, v2  }
0x60: {  	v2 =	vld.idx.msk [tilespmem:v5+s23+$0x0], $0xffff  }
0x61: {  	v5 =	vld.idx.msk [tilespmem:v6+s23+$0x0], $0xffff  }
0x62: {  	v4 =	vld.idx.msk [tilespmem:v4+s23+$0x0], $0xffff  }
0x63: {  	v6 =	vld.idx.msk [tilespmem:v3+s23+$0x0], $0xffff;
	_ =	sdelay $0x2  }
0x64: {  	v2 =	vmul.f32 v2, v7;
	v5 =	vmul.f32 v5, v11;
	_ =	sdelay $0x1  }
0x65: {  	s16 =	simm.s32 $0x20;
	s15 =	simm.s32 $0x10;
	v3 =	vmul.f32 v4, v12;
	v4 =	vadd.f32 v5, v2;
	v2 =	vmul.f32 v6, v13  }
.LBB2_3:
0x66: {  	p0 =	sne.s32 s16, $0x310;
	v5 =	vor.u32 s15, v0;
	s15 =	smov.u32 s16;
	s16 =	sadd.s32 $0x10, s16  }
0x67: {  	v6 =	vshll.u32 v5, $0x3;
	v5 =	vshll.u32 v5, $0x4;
	v3 =	vadd.f32 v3, v4  }
0x68: {  	v4 =	vor.u32 $0x1, v6;
	v7 =	vor.u32 $0x1, v5;
	v8 =	vor.u32 $0x2, v5  }
0x69: {  	v9 =	vor.u32 $0x3, v5;
	v2 =	vadd.f32 v2, v3;
	_ =	sdelay $0x1  }
0x6a: {  	[tilespmem:v1+s22+$0x0] =	vst.idx.msk $0xffff, v2  }
0x6b: {  	v3 =	vor.u32 $0x2, v6;
	v2 =	vld.idx.msk [tilespmem:v6+s0+$0x0], $0xffff  }
0x6c: {  	v10 =	vld.idx.msk [tilespmem:v5+s23+$0x0], $0xffff  }
0x6d: {  	v1 =	vor.u32 $0x3, v6;
	v11 =	vld.idx.msk [tilespmem:v4+s0+$0x0], $0xffff  }
0x6e: {  	v7 =	vld.idx.msk [tilespmem:v7+s23+$0x0], $0xffff  }
0x6f: {  	v8 =	vld.idx.msk [tilespmem:v8+s23+$0x0], $0xffff  }
0x70: {  	v12 =	vld.idx.msk [tilespmem:v3+s0+$0x0], $0xffff  }
0x71: {  	v9 =	vld.idx.msk [tilespmem:v9+s23+$0x0], $0xffff  }
0x72: {  	v10 =	vmul.f32 v10, v2;
	v13 =	vld.idx.msk [tilespmem:v1+s0+$0x0], $0xffff;
	_ =	sdelay $0x1  }
0x73: {  	v7 =	vmul.f32 v7, v11;
	_ =	sdelay $0x1  }
0x74: {  	v7 =	vadd.f32 v7, v10;
	v8 =	vmul.f32 v8, v12;
	_ =	sdelay $0x1  }
0x75: {  	v7 =	vadd.f32 v8, v7;
	v8 =	vmul.f32 v9, v13;
	v9 =	vor.u32 $0x4, v5  }
0x76: {  	v10 =	vor.u32 $0x5, v5  }
0x77: {  	v7 =	vadd.f32 v8, v7  }
0x78: {  	v8 =	vor.u32 $0x6, v5  }
0x79: {  	[tilespmem:v6+s22+$0x0] =	vst.idx.msk $0xffff, v7  }
0x7a: {  	v7 =	vor.u32 $0x7, v5;
	v6 =	vld.idx.msk [tilespmem:v9+s23+$0x0], $0xffff  }
0x7b: {  	v9 =	vld.idx.msk [tilespmem:v10+s23+$0x0], $0xffff;
	_ =	sdelay $0x1  }
0x7c: {  	v8 =	vld.idx.msk [tilespmem:v8+s23+$0x0], $0xffff;
	_ =	sdelay $0x1  }
0x7d: {  	v7 =	vld.idx.msk [tilespmem:v7+s23+$0x0], $0xffff  }
0x7e: {  	v6 =	vmul.f32 v6, v2  }
0x7f: {  	v9 =	vmul.f32 v9, v11;
	_ =	sdelay $0x1  }
0x80: {  	v6 =	vadd.f32 v9, v6;
	v8 =	vmul.f32 v8, v12;
	_ =	sdelay $0x1  }
0x81: {  	v6 =	vadd.f32 v8, v6;
	v7 =	vmul.f32 v7, v13;
	v8 =	vor.u32 $0x8, v5  }
0x82: {  	v9 =	vor.u32 $0x9, v5  }
0x83: {  	v6 =	vadd.f32 v7, v6  }
0x84: {  	v7 =	vor.u32 $0xA, v5  }
0x85: {  	[tilespmem:v4+s22+$0x0] =	vst.idx.msk $0xffff, v6  }
0x86: {  	v6 =	vor.u32 $0xB, v5;
	v4 =	vld.idx.msk [tilespmem:v8+s23+$0x0], $0xffff  }
0x87: {  	v8 =	vld.idx.msk [tilespmem:v9+s23+$0x0], $0xffff;
	_ =	sdelay $0x1  }
0x88: {  	v7 =	vld.idx.msk [tilespmem:v7+s23+$0x0], $0xffff;
	_ =	sdelay $0x1  }
0x89: {  	v6 =	vld.idx.msk [tilespmem:v6+s23+$0x0], $0xffff  }
0x8a: {  	v4 =	vmul.f32 v4, v2  }
0x8b: {  	v8 =	vmul.f32 v8, v11;
	_ =	sdelay $0x1  }
0x8c: {  	v4 =	vadd.f32 v8, v4;
	v7 =	vmul.f32 v7, v12  }
0x8d: {  	v8 =	vor.u32 $0xD, v5  }
0x8e: {  	v4 =	vadd.f32 v7, v4;
	v6 =	vmul.f32 v6, v13;
	v7 =	vor.u32 $0xC, v5;
	_ =	sdelay $0x1  }
0x8f: {  	v4 =	vadd.f32 v6, v4;
	v6 =	vor.u32 $0xE, v5  }
0x90: {  	v5 =	vor.u32 $0xF, v5  }
0x91: {  	[tilespmem:v3+s22+$0x0] =	vst.idx.msk $0xffff, v4  }
0x92: {  	v3 =	vld.idx.msk [tilespmem:v7+s23+$0x0], $0xffff  }
0x93: {  	v4 =	vld.idx.msk [tilespmem:v8+s23+$0x0], $0xffff  }
0x94: {  	v6 =	vld.idx.msk [tilespmem:v6+s23+$0x0], $0xffff  }
0x95: {  	v5 =	vld.idx.msk [tilespmem:v5+s23+$0x0], $0xffff;
	_ =	sdelay $0x1  }
.Ltmp0:
0x96: {  	(pc) =	sbr.rel @p0 .LBB2_3-.Ltmp0, $4  }
0x97: {  	v2 =	vmul.f32 v3, v2  }
0x98: {  	v4 =	vmul.f32 v4, v11  }
0x99: {  	v3 =	vmul.f32 v6, v12  }
0x9a: {  	v4 =	vadd.f32 v4, v2;
	v2 =	vmul.f32 v5, v13  }
0x9b: {  	v5 =	vor.u32 s15, v0  }
0x9c: {  	v6 =	vshll.u32 v5, $0x3;
	v3 =	vadd.f32 v3, v4  }
0x9d: {  	v4 =	vshll.u32 v5, $0x4  }
0x9e: {  	v5 =	vor.u32 $0x1, v6;
	v2 =	vadd.f32 v2, v3  }
0x9f: {  	v3 =	vor.u32 $0x1, v4  }
0xa0: {  	v7 =	vor.u32 $0x2, v4;
	[tilespmem:v1+s22+$0x0] =	vst.idx.msk $0xffff, v2  }
0xa1: {  	v2 =	vor.u32 $0x2, v6;
	v1 =	vld.idx.msk [tilespmem:v6+s0+$0x0], $0xffff  }
0xa2: {  	v8 =	vor.u32 $0x3, v4;
	v9 =	vld.idx.msk [tilespmem:v4+s23+$0x0], $0xffff  }
0xa3: {  	v11 =	vor.u32 $0x3, v6;
	v10 =	vld.idx.msk [tilespmem:v5+s0+$0x0], $0xffff  }
0xa4: {  	v3 =	vld.idx.msk [tilespmem:v3+s23+$0x0], $0xffff  }
0xa5: {  	v7 =	vld.idx.msk [tilespmem:v7+s23+$0x0], $0xffff  }
0xa6: {  	v12 =	vld.idx.msk [tilespmem:v2+s0+$0x0], $0xffff  }
0xa7: {  	v8 =	vld.idx.msk [tilespmem:v8+s23+$0x0], $0xffff  }
0xa8: {  	v13 =	vld.idx.msk [tilespmem:v11+s0+$0x0], $0xffff  }
0xa9: {  	v9 =	vmul.f32 v9, v1;
	v3 =	vmul.f32 v3, v10;
	_ =	sdelay $0x1  }
0xaa: {  	v3 =	vadd.f32 v3, v9;
	v7 =	vmul.f32 v7, v12;
	_ =	sdelay $0x1  }
0xab: {  	v50 =	vor.u32 $0x4, v4;
	v3 =	vadd.f32 v7, v3;
	v7 =	vmul.f32 v8, v13  }
0xac: {  	v51 =	vor.u32 $0x5, v4  }
0xad: {  	v3 =	vadd.f32 v7, v3  }
0xae: {  	v7 =	vor.u32 $0x6, v4  }
0xaf: {  	[tilespmem:v6+s22+$0x0] =	vst.idx.msk $0xffff, v3  }
0xb0: {  	v6 =	vor.u32 $0x7, v4;
	v3 =	vld.idx.msk [tilespmem:v50+s23+$0x0], $0xffff  }
0xb1: {  	v52 =	vld.idx.msk [tilespmem:v51+s23+$0x0], $0xffff;
	_ =	sdelay $0x1  }
0xb2: {  	v7 =	vld.idx.msk [tilespmem:v7+s23+$0x0], $0xffff;
	_ =	sdelay $0x1  }
0xb3: {  	v6 =	vld.idx.msk [tilespmem:v6+s23+$0x0], $0xffff  }
0xb4: {  	v3 =	vmul.f32 v3, v1;
	v8 =	vmul.f32 v52, v10;
	_ =	sdelay $0x1  }
0xb5: {  	v3 =	vadd.f32 v8, v3;
	v7 =	vmul.f32 v7, v12;
	_ =	sdelay $0x1  }
0xb6: {  	v3 =	vadd.f32 v7, v3;
	v6 =	vmul.f32 v6, v13;
	v7 =	vor.u32 $0x8, v4  }
0xb7: {  	v53 =	vor.u32 $0x9, v4  }
0xb8: {  	v3 =	vadd.f32 v6, v3  }
0xb9: {  	v6 =	vor.u32 $0xA, v4  }
0xba: {  	[tilespmem:v5+s22+$0x0] =	vst.idx.msk $0xffff, v3  }
0xbb: {  	v5 =	vor.u32 $0xB, v4;
	v3 =	vld.idx.msk [tilespmem:v7+s23+$0x0], $0xffff  }
0xbc: {  	v7 =	vld.idx.msk [tilespmem:v53+s23+$0x0], $0xffff;
	_ =	sdelay $0x1  }
0xbd: {  	v6 =	vld.idx.msk [tilespmem:v6+s23+$0x0], $0xffff;
	_ =	sdelay $0x1  }
0xbe: {  	v5 =	vld.idx.msk [tilespmem:v5+s23+$0x0], $0xffff  }
0xbf: {  	v3 =	vmul.f32 v3, v1;
	v7 =	vmul.f32 v7, v10;
	_ =	sdelay $0x1  }
0xc0: {  	v3 =	vadd.f32 v7, v3;
	v6 =	vmul.f32 v6, v12;
	_ =	sdelay $0x1  }
0xc1: {  	v3 =	vadd.f32 v6, v3;
	v5 =	vmul.f32 v5, v13;
	v6 =	vor.u32 $0xC, v4  }
0xc2: {  	v7 =	vor.u32 $0xD, v4  }
0xc3: {  	v3 =	vadd.f32 v5, v3  }
0xc4: {  	v5 =	vor.u32 $0xE, v4  }
0xc5: {  	[tilespmem:v2+s22+$0x0] =	vst.idx.msk $0xffff, v3  }
0xc6: {  	v2 =	vor.u32 $0xF, v4;
	v3 =	vld.idx.msk [tilespmem:v6+s23+$0x0], $0xffff  }
0xc7: {  	v4 =	vld.idx.msk [tilespmem:v7+s23+$0x0], $0xffff;
	_ =	sdelay $0x1  }
0xc8: {  	v5 =	vld.idx.msk [tilespmem:v5+s23+$0x0], $0xffff;
	_ =	sdelay $0x1  }
0xc9: {  	v2 =	vld.idx.msk [tilespmem:v2+s23+$0x0], $0xffff  }
0xca: {  	v1 =	vmul.f32 v3, v1;
	v3 =	vmul.f32 v4, v10;
	_ =	sdelay $0x1  }
0xcb: {  	v4 =	vmul.f32 v5, v12;
	v1 =	vadd.f32 v3, v1;
	_ =	sdelay $0x1  }
0xcc: {  	v2 =	vmul.f32 v2, v13;
	v1 =	vadd.f32 v4, v1  }
0xcd: {  	s17 =	smul.u32 $0x640, s14  }
0xce: {  	v1 =	vadd.f32 v2, v1  }
0xcf: {  	s15 =	sadd.s32 s9, s17  }
0xd0: {  	s16 =	sadd.s32 $0x640, s15;
	[tilespmem:v11+s22+$0x0] =	vst.idx.msk $0xffff, v1  }
0xd1: {  	[spmem:s1] =	stream.indirect.scatter.add.f32 [tilespmem:s22], [sflag:$0x4], $0x8, s25, s31, $0xb8;
	[tilespmem:$0x17F00] =	vst v63  }
0xd2: {  	s17 =	sshll.u32 s16, $0x1;
	_ =	swait.ge [sflag:s21], $0x1900  }
0xd3: {  	s17 =	sand.u32 $0x1FFFFFC0, s17;
	[sflag:s21] =	ssyncset.done $0x0  }
0xd4: {  	s16 =	sshrl.u32 s16, $0x3;
	s17 =	sadd.s32 s7, s17;
	[sflag:s21] =	ssyncadd.s32 $0xFFFFE700  }
0xd5: {  	[tilespmem:s23], [sflag:$0x1] =	stream.linear.gather [hbm4b:s17+s18], $0x3200, $0x38;
	[tilespmem:$0x17F00] =	vst v63  }
0xd6: {  	s17 =	sadd.s32 s4, s16  }
0xd7: {  	[tilespmem:s24], [sflag:$0x1] =	stream.linear.gather [hbm4b:s17+s18], $0x320, $0x38;
	[tilespmem:$0x17F00] =	vst v63  }
0xd8: {  	s16 =	sadd.s32 s6, s16  }
0xd9: {  	[tilespmem:s25], [sflag:$0x1] =	stream.linear.gather [hbm4b:s16+s18], $0x320, $0x38;
	[tilespmem:$0x17F00] =	vst v63  }
0xda: {  	_ =	swait.ge [sflag:s10], $0x3200  }
0xdb: {  	[sflag:s10] =	ssyncset.done $0x0  }
0xdc: {  	[sflag:s10] =	ssyncadd.s32 $0xFFFFCE00  }
0xdd: {  	_ =	swait.ge [sflag:s10], $0x320  }
0xde: {  	[sflag:s10] =	ssyncset.done $0x0  }
0xdf: {  	[sflag:s10] =	ssyncadd.s32 $0xFFFFFCE0  }
0xe0: {  	_ =	swait.ge [sflag:s10], $0x320  }
0xe1: {  	v1 =	vor.u32 s18, v0;
	[sflag:s10] =	ssyncset.done $0x0  }
0xe2: {  	v2 =	vshll.u32 v1, $0x3;
	[sflag:s10] =	ssyncadd.s32 $0xFFFFFCE0  }
0xe3: {  	v3 =	vshll.u32 v1, $0x4;
	[tilespmem:s12], [sflag:$0x3] =	stream.indirect.gather [hbm4b:s3+s31], $0x8, s28, s31, $0xb8;
	[tilespmem:$0x17F00] =	vst v63  }
0xe4: {  	v4 =	vor.u32 $0x1, v2;
	_ =	swait.ge [sflag:s5], $0x1900  }
0xe5: {  	v5 =	vor.u32 $0x1, v3;
	[sflag:s5] =	ssyncset.done $0x0  }
0xe6: {  	v6 =	vor.u32 $0x2, v3;
	[sflag:s5] =	ssyncadd.s32 $0xFFFFE700  }
0xe7: {  	v54 =	vor.u32 $0x2, v2;
	v7 =	vld.idx.msk [tilespmem:v2+s12+$0x0], $0xffff  }
0xe8: {  	v55 =	vor.u32 $0x3, v3;
	v56 =	vld.idx.msk [tilespmem:v3+s26+$0x0], $0xffff  }
0xe9: {  	v1 =	vor.u32 $0x3, v2;
	v57 =	vld.idx.msk [tilespmem:v4+s12+$0x0], $0xffff  }
0xea: {  	v5 =	vld.idx.msk [tilespmem:v5+s26+$0x0], $0xffff  }
0xeb: {  	v6 =	vld.idx.msk [tilespmem:v6+s26+$0x0], $0xffff  }
0xec: {  	v58 =	vld.idx.msk [tilespmem:v54+s12+$0x0], $0xffff  }
0xed: {  	v9 =	vld.idx.msk [tilespmem:v55+s26+$0x0], $0xffff  }
0xee: {  	v59 =	vld.idx.msk [tilespmem:v1+s12+$0x0], $0xffff  }
0xef: {  	v10 =	vmul.f32 v56, v7;
	v5 =	vmul.f32 v5, v57;
	_ =	sdelay $0x1  }
0xf0: {  	v6 =	vmul.f32 v6, v58;
	v5 =	vadd.f32 v5, v10;
	_ =	sdelay $0x1  }
0xf1: {  	v60 =	vor.u32 $0x4, v3;
	v5 =	vadd.f32 v6, v5;
	v6 =	vmul.f32 v9, v59  }
0xf2: {  	v61 =	vor.u32 $0x5, v3  }
0xf3: {  	v5 =	vadd.f32 v6, v5  }
0xf4: {  	v6 =	vor.u32 $0x6, v3  }
0xf5: {  	[tilespmem:v2+s22+$0x0] =	vst.idx.msk $0xffff, v5  }
0xf6: {  	v5 =	vor.u32 $0x7, v3;
	v2 =	vld.idx.msk [tilespmem:v60+s26+$0x0], $0xffff  }
0xf7: {  	v62 =	vld.idx.msk [tilespmem:v61+s26+$0x0], $0xffff;
	_ =	sdelay $0x1  }
0xf8: {  	v6 =	vld.idx.msk [tilespmem:v6+s26+$0x0], $0xffff;
	_ =	sdelay $0x1  }
0xf9: {  	v5 =	vld.idx.msk [tilespmem:v5+s26+$0x0], $0xffff  }
0xfa: {  	v2 =	vmul.f32 v2, v7;
	v9 =	vmul.f32 v62, v57;
	_ =	sdelay $0x1  }
0xfb: {  	v2 =	vadd.f32 v9, v2;
	v6 =	vmul.f32 v6, v58;
	_ =	sdelay $0x1  }
0xfc: {  	v2 =	vadd.f32 v6, v2;
	v5 =	vmul.f32 v5, v59;
	v6 =	vor.u32 $0x8, v3  }
0xfd: {  	v63 =	vor.u32 $0x9, v3  }
0xfe: {  	v2 =	vadd.f32 v5, v2  }
0xff: {  	v5 =	vor.u32 $0xA, v3  }
0x100: {  	[tilespmem:v4+s22+$0x0] =	vst.idx.msk $0xffff, v2  }
0x101: {  	v4 =	vor.u32 $0xB, v3;
	v2 =	vld.idx.msk [tilespmem:v6+s26+$0x0], $0xffff  }
0x102: {  	v6 =	vld.idx.msk [tilespmem:v63+s26+$0x0], $0xffff;
	_ =	sdelay $0x1  }
0x103: {  	v5 =	vld.idx.msk [tilespmem:v5+s26+$0x0], $0xffff;
	_ =	sdelay $0x1  }
0x104: {  	v4 =	vld.idx.msk [tilespmem:v4+s26+$0x0], $0xffff  }
0x105: {  	v2 =	vmul.f32 v2, v7;
	v6 =	vmul.f32 v6, v57;
	_ =	sdelay $0x1  }
0x106: {  	v2 =	vadd.f32 v6, v2;
	v5 =	vmul.f32 v5, v58;
	_ =	sdelay $0x1  }
0x107: {  	v2 =	vadd.f32 v5, v2;
	v4 =	vmul.f32 v4, v59;
	v5 =	vor.u32 $0xC, v3  }
0x108: {  	v6 =	vor.u32 $0xD, v3  }
0x109: {  	v2 =	vadd.f32 v4, v2;
	v4 =	vor.u32 $0xE, v3  }
0x10a: {  	v3 =	vor.u32 $0xF, v3  }
0x10b: {  	[tilespmem:v54+s22+$0x0] =	vst.idx.msk $0xffff, v2  }
0x10c: {  	v2 =	vld.idx.msk [tilespmem:v5+s26+$0x0], $0xffff  }
0x10d: {  	v5 =	vld.idx.msk [tilespmem:v6+s26+$0x0], $0xffff  }
0x10e: {  	v4 =	vld.idx.msk [tilespmem:v4+s26+$0x0], $0xffff  }
0x10f: {  	v6 =	vld.idx.msk [tilespmem:v3+s26+$0x0], $0xffff;
	_ =	sdelay $0x2  }
0x110: {  	v2 =	vmul.f32 v2, v7;
	v5 =	vmul.f32 v5, v57;
	_ =	sdelay $0x1  }
0x111: {  	s17 =	simm.s32 $0x20;
	s16 =	simm.s32 $0x10;
	v3 =	vmul.f32 v4, v58;
	v4 =	vadd.f32 v5, v2;
	v2 =	vmul.f32 v6, v59  }
.LBB2_5:
0x112: {  	p0 =	sne.s32 s17, $0x310;
	v5 =	vor.u32 s16, v0;
	s16 =	smov.u32 s17;
	s17 =	sadd.s32 $0x10, s17  }
0x113: {  	v6 =	vshll.u32 v5, $0x3;
	v5 =	vshll.u32 v5, $0x4;
	v3 =	vadd.f32 v3, v4  }
0x114: {  	v4 =	vor.u32 $0x1, v6;
	v7 =	vor.u32 $0x1, v5;
	v8 =	vor.u32 $0x2, v5  }
0x115: {  	v9 =	vor.u32 $0x3, v5;
	v2 =	vadd.f32 v2, v3;
	_ =	sdelay $0x1  }
0x116: {  	[tilespmem:v1+s22+$0x0] =	vst.idx.msk $0xffff, v2  }
0x117: {  	v3 =	vor.u32 $0x2, v6;
	v2 =	vld.idx.msk [tilespmem:v6+s12+$0x0], $0xffff  }
0x118: {  	v10 =	vld.idx.msk [tilespmem:v5+s26+$0x0], $0xffff  }
0x119: {  	v1 =	vor.u32 $0x3, v6;
	v11 =	vld.idx.msk [tilespmem:v4+s12+$0x0], $0xffff  }
0x11a: {  	v7 =	vld.idx.msk [tilespmem:v7+s26+$0x0], $0xffff  }
0x11b: {  	v8 =	vld.idx.msk [tilespmem:v8+s26+$0x0], $0xffff  }
0x11c: {  	v12 =	vld.idx.msk [tilespmem:v3+s12+$0x0], $0xffff  }
0x11d: {  	v9 =	vld.idx.msk [tilespmem:v9+s26+$0x0], $0xffff  }
0x11e: {  	v10 =	vmul.f32 v10, v2;
	v13 =	vld.idx.msk [tilespmem:v1+s12+$0x0], $0xffff;
	_ =	sdelay $0x1  }
0x11f: {  	v7 =	vmul.f32 v7, v11;
	_ =	sdelay $0x1  }
0x120: {  	v7 =	vadd.f32 v7, v10;
	v8 =	vmul.f32 v8, v12;
	_ =	sdelay $0x1  }
0x121: {  	v7 =	vadd.f32 v8, v7;
	v8 =	vmul.f32 v9, v13;
	v9 =	vor.u32 $0x4, v5  }
0x122: {  	v10 =	vor.u32 $0x5, v5  }
0x123: {  	v7 =	vadd.f32 v8, v7  }
0x124: {  	v8 =	vor.u32 $0x6, v5  }
0x125: {  	[tilespmem:v6+s22+$0x0] =	vst.idx.msk $0xffff, v7  }
0x126: {  	v7 =	vor.u32 $0x7, v5;
	v6 =	vld.idx.msk [tilespmem:v9+s26+$0x0], $0xffff  }
0x127: {  	v9 =	vld.idx.msk [tilespmem:v10+s26+$0x0], $0xffff;
	_ =	sdelay $0x1  }
0x128: {  	v8 =	vld.idx.msk [tilespmem:v8+s26+$0x0], $0xffff;
	_ =	sdelay $0x1  }
0x129: {  	v7 =	vld.idx.msk [tilespmem:v7+s26+$0x0], $0xffff  }
0x12a: {  	v6 =	vmul.f32 v6, v2  }
0x12b: {  	v9 =	vmul.f32 v9, v11;
	_ =	sdelay $0x1  }
0x12c: {  	v6 =	vadd.f32 v9, v6;
	v8 =	vmul.f32 v8, v12;
	_ =	sdelay $0x1  }
0x12d: {  	v6 =	vadd.f32 v8, v6;
	v7 =	vmul.f32 v7, v13;
	v8 =	vor.u32 $0x8, v5  }
0x12e: {  	v9 =	vor.u32 $0x9, v5  }
0x12f: {  	v6 =	vadd.f32 v7, v6  }
0x130: {  	v7 =	vor.u32 $0xA, v5  }
0x131: {  	[tilespmem:v4+s22+$0x0] =	vst.idx.msk $0xffff, v6  }
0x132: {  	v6 =	vor.u32 $0xB, v5;
	v4 =	vld.idx.msk [tilespmem:v8+s26+$0x0], $0xffff  }
0x133: {  	v8 =	vld.idx.msk [tilespmem:v9+s26+$0x0], $0xffff;
	_ =	sdelay $0x1  }
0x134: {  	v7 =	vld.idx.msk [tilespmem:v7+s26+$0x0], $0xffff;
	_ =	sdelay $0x1  }
0x135: {  	v6 =	vld.idx.msk [tilespmem:v6+s26+$0x0], $0xffff  }
0x136: {  	v4 =	vmul.f32 v4, v2  }
0x137: {  	v8 =	vmul.f32 v8, v11;
	_ =	sdelay $0x1  }
0x138: {  	v4 =	vadd.f32 v8, v4;
	v7 =	vmul.f32 v7, v12  }
0x139: {  	v8 =	vor.u32 $0xD, v5  }
0x13a: {  	v4 =	vadd.f32 v7, v4;
	v6 =	vmul.f32 v6, v13;
	v7 =	vor.u32 $0xC, v5;
	_ =	sdelay $0x1  }
0x13b: {  	v4 =	vadd.f32 v6, v4;
	v6 =	vor.u32 $0xE, v5  }
0x13c: {  	v5 =	vor.u32 $0xF, v5  }
0x13d: {  	[tilespmem:v3+s22+$0x0] =	vst.idx.msk $0xffff, v4  }
0x13e: {  	v3 =	vld.idx.msk [tilespmem:v7+s26+$0x0], $0xffff  }
0x13f: {  	v4 =	vld.idx.msk [tilespmem:v8+s26+$0x0], $0xffff  }
0x140: {  	v6 =	vld.idx.msk [tilespmem:v6+s26+$0x0], $0xffff  }
0x141: {  	v5 =	vld.idx.msk [tilespmem:v5+s26+$0x0], $0xffff;
	_ =	sdelay $0x1  }
.Ltmp1:
0x142: {  	(pc) =	sbr.rel @p0 .LBB2_5-.Ltmp1, $4  }
0x143: {  	v2 =	vmul.f32 v3, v2  }
0x144: {  	v4 =	vmul.f32 v4, v11  }
0x145: {  	v3 =	vmul.f32 v6, v12  }
0x146: {  	v4 =	vadd.f32 v4, v2;
	v2 =	vmul.f32 v5, v13  }
0x147: {  	v5 =	vor.u32 s16, v0  }
0x148: {  	v6 =	vshll.u32 v5, $0x3;
	v3 =	vadd.f32 v3, v4  }
0x149: {  	v46 =	vshll.u32 v5, $0x4  }
0x14a: {  	v47 =	vor.u32 $0x1, v6;
	v2 =	vadd.f32 v2, v3  }
0x14b: {  	v3 =	vor.u32 $0x1, v46  }
0x14c: {  	v7 =	vor.u32 $0x2, v46;
	[tilespmem:v1+s22+$0x0] =	vst.idx.msk $0xffff, v2  }
0x14d: {  	v2 =	vor.u32 $0x2, v6;
	v1 =	vld.idx.msk [tilespmem:v6+s12+$0x0], $0xffff  }
0x14e: {  	v8 =	vor.u32 $0x3, v46;
	v9 =	vld.idx.msk [tilespmem:v46+s26+$0x0], $0xffff  }
0x14f: {  	v11 =	vor.u32 $0x3, v6;
	v10 =	vld.idx.msk [tilespmem:v47+s12+$0x0], $0xffff  }
0x150: {  	v3 =	vld.idx.msk [tilespmem:v3+s26+$0x0], $0xffff  }
0x151: {  	v7 =	vld.idx.msk [tilespmem:v7+s26+$0x0], $0xffff  }
0x152: {  	v12 =	vld.idx.msk [tilespmem:v2+s12+$0x0], $0xffff  }
0x153: {  	v8 =	vld.idx.msk [tilespmem:v8+s26+$0x0], $0xffff  }
0x154: {  	v13 =	vld.idx.msk [tilespmem:v11+s12+$0x0], $0xffff  }
0x155: {  	v9 =	vmul.f32 v9, v1;
	v3 =	vmul.f32 v3, v10;
	_ =	sdelay $0x1  }
0x156: {  	v3 =	vadd.f32 v3, v9;
	v7 =	vmul.f32 v7, v12;
	_ =	sdelay $0x1  }
0x157: {  	v49 =	vor.u32 $0x4, v46;
	v48 =	vmul.f32 v8, v13;
	v3 =	vadd.f32 v7, v3  }
0x158: {  	v50 =	vor.u32 $0x5, v46  }
0x159: {  	v3 =	vadd.f32 v48, v3  }
0x15a: {  	v51 =	vor.u32 $0x6, v46  }
0x15b: {  	[tilespmem:v6+s22+$0x0] =	vst.idx.msk $0xffff, v3  }
0x15c: {  	v52 =	vor.u32 $0x7, v46;
	v3 =	vld.idx.msk [tilespmem:v49+s26+$0x0], $0xffff  }
0x15d: {  	v53 =	vld.idx.msk [tilespmem:v50+s26+$0x0], $0xffff;
	_ =	sdelay $0x1  }
0x15e: {  	v7 =	vld.idx.msk [tilespmem:v51+s26+$0x0], $0xffff;
	_ =	sdelay $0x1  }
0x15f: {  	v6 =	vld.idx.msk [tilespmem:v52+s26+$0x0], $0xffff  }
0x160: {  	v3 =	vmul.f32 v3, v1;
	v8 =	vmul.f32 v53, v10;
	_ =	sdelay $0x1  }
0x161: {  	v7 =	vmul.f32 v7, v12;
	v3 =	vadd.f32 v8, v3;
	_ =	sdelay $0x1  }
0x162: {  	v54 =	vor.u32 $0x8, v46;
	v6 =	vmul.f32 v6, v13;
	v3 =	vadd.f32 v7, v3  }
0x163: {  	v55 =	vor.u32 $0x9, v46  }
0x164: {  	v3 =	vadd.f32 v6, v3  }
0x165: {  	v56 =	vor.u32 $0xA, v46  }
0x166: {  	[tilespmem:v47+s22+$0x0] =	vst.idx.msk $0xffff, v3  }
0x167: {  	v57 =	vor.u32 $0xB, v46;
	v3 =	vld.idx.msk [tilespmem:v54+s26+$0x0], $0xffff  }
0x168: {  	v58 =	vld.idx.msk [tilespmem:v55+s26+$0x0], $0xffff;
	_ =	sdelay $0x1  }
0x169: {  	v6 =	vld.idx.msk [tilespmem:v56+s26+$0x0], $0xffff;
	_ =	sdelay $0x1  }
0x16a: {  	v5 =	vld.idx.msk [tilespmem:v57+s26+$0x0], $0xffff  }
0x16b: {  	v3 =	vmul.f32 v3, v1;
	v7 =	vmul.f32 v58, v10;
	_ =	sdelay $0x1  }
0x16c: {  	v6 =	vmul.f32 v6, v12;
	v3 =	vadd.f32 v7, v3;
	_ =	sdelay $0x1  }
0x16d: {  	v59 =	vor.u32 $0xC, v46;
	v5 =	vmul.f32 v5, v13;
	v3 =	vadd.f32 v6, v3  }
0x16e: {  	v60 =	vor.u32 $0xD, v46  }
0x16f: {  	v3 =	vadd.f32 v5, v3  }
0x170: {  	v61 =	vor.u32 $0xE, v46  }
0x171: {  	[tilespmem:v2+s22+$0x0] =	vst.idx.msk $0xffff, v3  }
0x172: {  	v2 =	vor.u32 $0xF, v46;
	v3 =	vld.idx.msk [tilespmem:v59+s26+$0x0], $0xffff  }
0x173: {  	v62 =	vld.idx.msk [tilespmem:v60+s26+$0x0], $0xffff;
	_ =	sdelay $0x1  }
0x174: {  	v5 =	vld.idx.msk [tilespmem:v61+s26+$0x0], $0xffff;
	_ =	sdelay $0x1  }
0x175: {  	v2 =	vld.idx.msk [tilespmem:v2+s26+$0x0], $0xffff  }
0x176: {  	v1 =	vmul.f32 v3, v1;
	v3 =	vmul.f32 v62, v10;
	_ =	sdelay $0x1  }
0x177: {  	v63 =	vmul.f32 v5, v12;
	v1 =	vadd.f32 v3, v1;
	_ =	sdelay $0x1  }
0x178: {  	v2 =	vmul.f32 v2, v13;
	v1 =	vadd.f32 v63, v1;
	_ =	sdelay $0x1  }
0x179: {  	v1 =	vadd.f32 v2, v1  }
0x17a: {  	p0 =	seq.s32 s14, $0x3D  }
.Ltmp2:
0x17b: {  	[tilespmem:v11+s22+$0x0] =	vst.idx.msk $0xffff, v1;
	(pc) =	sbr.rel @p0 .LBB2_8-.Ltmp2, $4  }
0x17c: {  	[spmem:s1] =	stream.indirect.scatter.add.f32 [tilespmem:s22], [sflag:$0x4], $0x8, s29, s31, $0xb8;
	[tilespmem:$0x17F00] =	vst v63  }
0x17d: {  	_ =	swait.ge [sflag:s21], $0x1900  }
0x17e: {  	[sflag:s21] =	ssyncset.done $0x0  }
0x17f: {  	[sflag:s21] =	ssyncadd.s32 $0xFFFFE700  }
0x180: {  	s15 =	sadd.s32 $0x960, s15  }
0x181: {  	s16 =	sshll.u32 s15, $0x1  }
0x182: {  	s16 =	sand.u32 $0x1FFFFFC0, s16  }
0x183: {  	s16 =	sadd.s32 s7, s16  }
0x184: {  	[tilespmem:s26], [sflag:$0x2] =	stream.linear.gather [hbm4b:s16+s2], $0x3200, $0x38;
	[tilespmem:$0x17F00] =	vst v63  }
.Ltmp3:
0x185: {  	s15 =	sshrl.u32 s15, $0x3;
	(pc) =	sbr.rel .LBB2_2-.Ltmp3, $4  }
0x186: {  	s17 =	sadd.s32 s4, s15  }
0x187: {  	[tilespmem:s28], [sflag:$0x2] =	stream.linear.gather [hbm4b:s17+s2], $0x320, $0x38;
	[tilespmem:$0x17F00] =	vst v63  }
0x188: {  	s14 =	sadd.s32 $0x1, s14;
	s15 =	sadd.s32 s6, s15  }
0x189: {  	[tilespmem:s29], [sflag:$0x2] =	stream.linear.gather [hbm4b:s15+s2], $0x320, $0x38;
	[tilespmem:$0x17F00] =	vst v63  }
.LBB2_8:
0x18a: {  	_ =	swait.ge [sflag:s30], $0x3200  }
0x18b: {  	[sflag:s30] =	ssyncset.done $0x0  }
0x18c: {  	[sflag:s30] =	ssyncadd.s32 $0xFFFFCE00  }
0x18d: {  	_ =	swait.ge [sflag:s30], $0x320  }
0x18e: {  	[sflag:s30] =	ssyncset.done $0x0  }
0x18f: {  	[sflag:s30] =	ssyncadd.s32 $0xFFFFFCE0  }
0x190: {  	s14 =	simm.s32 $0x0;
	_ =	swait.ge [sflag:s30], $0x320  }
0x191: {  	v1 =	vor.u32 s14, v0;
	[sflag:s30] =	ssyncset.done $0x0  }
0x192: {  	v2 =	vshll.u32 v1, $0x3;
	[sflag:s30] =	ssyncadd.s32 $0xFFFFFCE0  }
0x193: {  	v3 =	vshll.u32 v1, $0x4;
	[tilespmem:s0], [sflag:$0x3] =	stream.indirect.gather [hbm4b:s3+s31], $0x8, s24, s31, $0xb8;
	[tilespmem:$0x17F00] =	vst v63  }
0x194: {  	v4 =	vor.u32 $0x1, v2;
	_ =	swait.ge [sflag:s5], $0x1900  }
0x195: {  	v5 =	vor.u32 $0x1, v3;
	[sflag:s5] =	ssyncset.done $0x0  }
0x196: {  	v6 =	vor.u32 $0x2, v3;
	[sflag:s5] =	ssyncadd.s32 $0xFFFFE700  }
0x197: {  	v8 =	vor.u32 $0x2, v2;
	v7 =	vld.idx.msk [tilespmem:v2+s0+$0x0], $0xffff  }
0x198: {  	v9 =	vor.u32 $0x3, v3;
	v10 =	vld.idx.msk [tilespmem:v3+s23+$0x0], $0xffff  }
0x199: {  	v1 =	vor.u32 $0x3, v2;
	v11 =	vld.idx.msk [tilespmem:v4+s0+$0x0], $0xffff  }
0x19a: {  	v5 =	vld.idx.msk [tilespmem:v5+s23+$0x0], $0xffff  }
0x19b: {  	v6 =	vld.idx.msk [tilespmem:v6+s23+$0x0], $0xffff  }
0x19c: {  	v12 =	vld.idx.msk [tilespmem:v8+s0+$0x0], $0xffff  }
0x19d: {  	v9 =	vld.idx.msk [tilespmem:v9+s23+$0x0], $0xffff  }
0x19e: {  	v13 =	vld.idx.msk [tilespmem:v1+s0+$0x0], $0xffff  }
0x19f: {  	v10 =	vmul.f32 v10, v7;
	v5 =	vmul.f32 v5, v11;
	_ =	sdelay $0x1  }
0x1a0: {  	v6 =	vmul.f32 v6, v12;
	v5 =	vadd.f32 v5, v10;
	_ =	sdelay $0x1  }
0x1a1: {  	v60 =	vor.u32 $0x4, v3;
	v5 =	vadd.f32 v6, v5;
	v6 =	vmul.f32 v9, v13  }
0x1a2: {  	v61 =	vor.u32 $0x5, v3  }
0x1a3: {  	v5 =	vadd.f32 v6, v5  }
0x1a4: {  	v6 =	vor.u32 $0x6, v3  }
0x1a5: {  	[tilespmem:v2+s22+$0x0] =	vst.idx.msk $0xffff, v5  }
0x1a6: {  	v5 =	vor.u32 $0x7, v3;
	v2 =	vld.idx.msk [tilespmem:v60+s23+$0x0], $0xffff  }
0x1a7: {  	v62 =	vld.idx.msk [tilespmem:v61+s23+$0x0], $0xffff;
	_ =	sdelay $0x1  }
0x1a8: {  	v6 =	vld.idx.msk [tilespmem:v6+s23+$0x0], $0xffff;
	_ =	sdelay $0x1  }
0x1a9: {  	v5 =	vld.idx.msk [tilespmem:v5+s23+$0x0], $0xffff  }
0x1aa: {  	v2 =	vmul.f32 v2, v7;
	v9 =	vmul.f32 v62, v11;
	_ =	sdelay $0x1  }
0x1ab: {  	v2 =	vadd.f32 v9, v2;
	v6 =	vmul.f32 v6, v12;
	_ =	sdelay $0x1  }
0x1ac: {  	v2 =	vadd.f32 v6, v2;
	v5 =	vmul.f32 v5, v13;
	v6 =	vor.u32 $0x8, v3  }
0x1ad: {  	v63 =	vor.u32 $0x9, v3  }
0x1ae: {  	v2 =	vadd.f32 v5, v2  }
0x1af: {  	v5 =	vor.u32 $0xA, v3  }
0x1b0: {  	[tilespmem:v4+s22+$0x0] =	vst.idx.msk $0xffff, v2  }
0x1b1: {  	v4 =	vor.u32 $0xB, v3;
	v2 =	vld.idx.msk [tilespmem:v6+s23+$0x0], $0xffff  }
0x1b2: {  	v6 =	vld.idx.msk [tilespmem:v63+s23+$0x0], $0xffff;
	_ =	sdelay $0x1  }
0x1b3: {  	v5 =	vld.idx.msk [tilespmem:v5+s23+$0x0], $0xffff;
	_ =	sdelay $0x1  }
0x1b4: {  	v4 =	vld.idx.msk [tilespmem:v4+s23+$0x0], $0xffff  }
0x1b5: {  	v2 =	vmul.f32 v2, v7;
	v6 =	vmul.f32 v6, v11;
	_ =	sdelay $0x1  }
0x1b6: {  	v2 =	vadd.f32 v6, v2;
	v5 =	vmul.f32 v5, v12;
	_ =	sdelay $0x1  }
0x1b7: {  	v2 =	vadd.f32 v5, v2;
	v4 =	vmul.f32 v4, v13;
	v5 =	vor.u32 $0xC, v3  }
0x1b8: {  	v6 =	vor.u32 $0xD, v3  }
0x1b9: {  	v2 =	vadd.f32 v4, v2;
	v4 =	vor.u32 $0xE, v3  }
0x1ba: {  	v3 =	vor.u32 $0xF, v3  }
0x1bb: {  	[tilespmem:v8+s22+$0x0] =	vst.idx.msk $0xffff, v2  }
0x1bc: {  	v2 =	vld.idx.msk [tilespmem:v5+s23+$0x0], $0xffff  }
0x1bd: {  	v5 =	vld.idx.msk [tilespmem:v6+s23+$0x0], $0xffff  }
0x1be: {  	v4 =	vld.idx.msk [tilespmem:v4+s23+$0x0], $0xffff  }
0x1bf: {  	v6 =	vld.idx.msk [tilespmem:v3+s23+$0x0], $0xffff;
	_ =	sdelay $0x2  }
0x1c0: {  	v2 =	vmul.f32 v2, v7;
	v5 =	vmul.f32 v5, v11;
	_ =	sdelay $0x1  }
0x1c1: {  	s15 =	simm.s32 $0x20;
	s14 =	simm.s32 $0x10;
	v3 =	vmul.f32 v4, v12;
	v4 =	vadd.f32 v5, v2;
	v2 =	vmul.f32 v6, v13  }
.LBB2_9:
0x1c2: {  	p0 =	sne.s32 s15, $0x310;
	v5 =	vor.u32 s14, v0;
	s14 =	smov.u32 s15;
	s15 =	sadd.s32 $0x10, s15  }
0x1c3: {  	v6 =	vshll.u32 v5, $0x3;
	v5 =	vshll.u32 v5, $0x4;
	v3 =	vadd.f32 v3, v4  }
0x1c4: {  	v4 =	vor.u32 $0x1, v6;
	v7 =	vor.u32 $0x1, v5;
	v8 =	vor.u32 $0x2, v5  }
0x1c5: {  	v9 =	vor.u32 $0x3, v5;
	v2 =	vadd.f32 v2, v3;
	_ =	sdelay $0x1  }
0x1c6: {  	[tilespmem:v1+s22+$0x0] =	vst.idx.msk $0xffff, v2  }
0x1c7: {  	v3 =	vor.u32 $0x2, v6;
	v2 =	vld.idx.msk [tilespmem:v6+s0+$0x0], $0xffff  }
0x1c8: {  	v10 =	vld.idx.msk [tilespmem:v5+s23+$0x0], $0xffff  }
0x1c9: {  	v1 =	vor.u32 $0x3, v6;
	v11 =	vld.idx.msk [tilespmem:v4+s0+$0x0], $0xffff  }
0x1ca: {  	v7 =	vld.idx.msk [tilespmem:v7+s23+$0x0], $0xffff  }
0x1cb: {  	v8 =	vld.idx.msk [tilespmem:v8+s23+$0x0], $0xffff  }
0x1cc: {  	v12 =	vld.idx.msk [tilespmem:v3+s0+$0x0], $0xffff  }
0x1cd: {  	v9 =	vld.idx.msk [tilespmem:v9+s23+$0x0], $0xffff  }
0x1ce: {  	v10 =	vmul.f32 v10, v2;
	v13 =	vld.idx.msk [tilespmem:v1+s0+$0x0], $0xffff;
	_ =	sdelay $0x1  }
0x1cf: {  	v7 =	vmul.f32 v7, v11;
	_ =	sdelay $0x1  }
0x1d0: {  	v7 =	vadd.f32 v7, v10;
	v8 =	vmul.f32 v8, v12;
	_ =	sdelay $0x1  }
0x1d1: {  	v7 =	vadd.f32 v8, v7;
	v8 =	vmul.f32 v9, v13;
	v9 =	vor.u32 $0x4, v5  }
0x1d2: {  	v10 =	vor.u32 $0x5, v5  }
0x1d3: {  	v7 =	vadd.f32 v8, v7  }
0x1d4: {  	v8 =	vor.u32 $0x6, v5  }
0x1d5: {  	[tilespmem:v6+s22+$0x0] =	vst.idx.msk $0xffff, v7  }
0x1d6: {  	v7 =	vor.u32 $0x7, v5;
	v6 =	vld.idx.msk [tilespmem:v9+s23+$0x0], $0xffff  }
0x1d7: {  	v9 =	vld.idx.msk [tilespmem:v10+s23+$0x0], $0xffff;
	_ =	sdelay $0x1  }
0x1d8: {  	v8 =	vld.idx.msk [tilespmem:v8+s23+$0x0], $0xffff;
	_ =	sdelay $0x1  }
0x1d9: {  	v7 =	vld.idx.msk [tilespmem:v7+s23+$0x0], $0xffff  }
0x1da: {  	v6 =	vmul.f32 v6, v2  }
0x1db: {  	v9 =	vmul.f32 v9, v11;
	_ =	sdelay $0x1  }
0x1dc: {  	v6 =	vadd.f32 v9, v6;
	v8 =	vmul.f32 v8, v12;
	_ =	sdelay $0x1  }
0x1dd: {  	v6 =	vadd.f32 v8, v6;
	v7 =	vmul.f32 v7, v13;
	v8 =	vor.u32 $0x8, v5  }
0x1de: {  	v9 =	vor.u32 $0x9, v5  }
0x1df: {  	v6 =	vadd.f32 v7, v6  }
0x1e0: {  	v7 =	vor.u32 $0xA, v5  }
0x1e1: {  	[tilespmem:v4+s22+$0x0] =	vst.idx.msk $0xffff, v6  }
0x1e2: {  	v6 =	vor.u32 $0xB, v5;
	v4 =	vld.idx.msk [tilespmem:v8+s23+$0x0], $0xffff  }
0x1e3: {  	v8 =	vld.idx.msk [tilespmem:v9+s23+$0x0], $0xffff;
	_ =	sdelay $0x1  }
0x1e4: {  	v7 =	vld.idx.msk [tilespmem:v7+s23+$0x0], $0xffff;
	_ =	sdelay $0x1  }
0x1e5: {  	v6 =	vld.idx.msk [tilespmem:v6+s23+$0x0], $0xffff  }
0x1e6: {  	v4 =	vmul.f32 v4, v2  }
0x1e7: {  	v8 =	vmul.f32 v8, v11;
	_ =	sdelay $0x1  }
0x1e8: {  	v4 =	vadd.f32 v8, v4;
	v7 =	vmul.f32 v7, v12  }
0x1e9: {  	v8 =	vor.u32 $0xD, v5  }
0x1ea: {  	v4 =	vadd.f32 v7, v4;
	v6 =	vmul.f32 v6, v13;
	v7 =	vor.u32 $0xC, v5;
	_ =	sdelay $0x1  }
0x1eb: {  	v4 =	vadd.f32 v6, v4;
	v6 =	vor.u32 $0xE, v5  }
0x1ec: {  	v5 =	vor.u32 $0xF, v5  }
0x1ed: {  	[tilespmem:v3+s22+$0x0] =	vst.idx.msk $0xffff, v4  }
0x1ee: {  	v3 =	vld.idx.msk [tilespmem:v7+s23+$0x0], $0xffff  }
0x1ef: {  	v4 =	vld.idx.msk [tilespmem:v8+s23+$0x0], $0xffff  }
0x1f0: {  	v6 =	vld.idx.msk [tilespmem:v6+s23+$0x0], $0xffff  }
0x1f1: {  	v5 =	vld.idx.msk [tilespmem:v5+s23+$0x0], $0xffff;
	_ =	sdelay $0x1  }
.Ltmp4:
0x1f2: {  	(pc) =	sbr.rel @p0 .LBB2_9-.Ltmp4, $4  }
0x1f3: {  	v2 =	vmul.f32 v3, v2  }
0x1f4: {  	v4 =	vmul.f32 v4, v11  }
0x1f5: {  	v3 =	vmul.f32 v6, v12  }
0x1f6: {  	v4 =	vadd.f32 v4, v2;
	v2 =	vmul.f32 v5, v13  }
0x1f7: {  	v5 =	vor.u32 s14, v0  }
0x1f8: {  	v6 =	vshll.u32 v5, $0x3;
	v3 =	vadd.f32 v3, v4  }
0x1f9: {  	v46 =	vshll.u32 v5, $0x4  }
0x1fa: {  	v47 =	vor.u32 $0x1, v6;
	v2 =	vadd.f32 v2, v3  }
0x1fb: {  	v3 =	vor.u32 $0x1, v46  }
0x1fc: {  	v7 =	vor.u32 $0x2, v46;
	[tilespmem:v1+s22+$0x0] =	vst.idx.msk $0xffff, v2  }
0x1fd: {  	v2 =	vor.u32 $0x2, v6;
	v1 =	vld.idx.msk [tilespmem:v6+s0+$0x0], $0xffff  }
0x1fe: {  	v8 =	vor.u32 $0x3, v46;
	v9 =	vld.idx.msk [tilespmem:v46+s23+$0x0], $0xffff  }
0x1ff: {  	v11 =	vor.u32 $0x3, v6;
	v10 =	vld.idx.msk [tilespmem:v47+s0+$0x0], $0xffff  }
0x200: {  	v3 =	vld.idx.msk [tilespmem:v3+s23+$0x0], $0xffff  }
0x201: {  	v7 =	vld.idx.msk [tilespmem:v7+s23+$0x0], $0xffff  }
0x202: {  	v12 =	vld.idx.msk [tilespmem:v2+s0+$0x0], $0xffff  }
0x203: {  	v8 =	vld.idx.msk [tilespmem:v8+s23+$0x0], $0xffff  }
0x204: {  	v13 =	vld.idx.msk [tilespmem:v11+s0+$0x0], $0xffff  }
0x205: {  	v9 =	vmul.f32 v9, v1;
	v3 =	vmul.f32 v3, v10;
	_ =	sdelay $0x1  }
0x206: {  	v3 =	vadd.f32 v3, v9;
	v7 =	vmul.f32 v7, v12;
	_ =	sdelay $0x1  }
0x207: {  	v49 =	vor.u32 $0x4, v46;
	v48 =	vmul.f32 v8, v13;
	v3 =	vadd.f32 v7, v3  }
0x208: {  	v50 =	vor.u32 $0x5, v46  }
0x209: {  	v3 =	vadd.f32 v48, v3  }
0x20a: {  	v51 =	vor.u32 $0x6, v46  }
0x20b: {  	[tilespmem:v6+s22+$0x0] =	vst.idx.msk $0xffff, v3  }
0x20c: {  	v52 =	vor.u32 $0x7, v46;
	v3 =	vld.idx.msk [tilespmem:v49+s23+$0x0], $0xffff  }
0x20d: {  	v53 =	vld.idx.msk [tilespmem:v50+s23+$0x0], $0xffff;
	_ =	sdelay $0x1  }
0x20e: {  	v7 =	vld.idx.msk [tilespmem:v51+s23+$0x0], $0xffff;
	_ =	sdelay $0x1  }
0x20f: {  	v6 =	vld.idx.msk [tilespmem:v52+s23+$0x0], $0xffff  }
0x210: {  	v3 =	vmul.f32 v3, v1;
	v8 =	vmul.f32 v53, v10;
	_ =	sdelay $0x1  }
0x211: {  	v7 =	vmul.f32 v7, v12;
	v3 =	vadd.f32 v8, v3;
	_ =	sdelay $0x1  }
0x212: {  	v54 =	vor.u32 $0x8, v46;
	v6 =	vmul.f32 v6, v13;
	v3 =	vadd.f32 v7, v3  }
0x213: {  	v55 =	vor.u32 $0x9, v46  }
0x214: {  	v3 =	vadd.f32 v6, v3  }
0x215: {  	v56 =	vor.u32 $0xA, v46  }
0x216: {  	[tilespmem:v47+s22+$0x0] =	vst.idx.msk $0xffff, v3  }
0x217: {  	v57 =	vor.u32 $0xB, v46;
	v3 =	vld.idx.msk [tilespmem:v54+s23+$0x0], $0xffff  }
0x218: {  	v58 =	vld.idx.msk [tilespmem:v55+s23+$0x0], $0xffff;
	_ =	sdelay $0x1  }
0x219: {  	v6 =	vld.idx.msk [tilespmem:v56+s23+$0x0], $0xffff;
	_ =	sdelay $0x1  }
0x21a: {  	v5 =	vld.idx.msk [tilespmem:v57+s23+$0x0], $0xffff  }
0x21b: {  	v3 =	vmul.f32 v3, v1;
	v7 =	vmul.f32 v58, v10;
	_ =	sdelay $0x1  }
0x21c: {  	v6 =	vmul.f32 v6, v12;
	v3 =	vadd.f32 v7, v3;
	_ =	sdelay $0x1  }
0x21d: {  	v59 =	vor.u32 $0xC, v46;
	v5 =	vmul.f32 v5, v13;
	v3 =	vadd.f32 v6, v3  }
0x21e: {  	v60 =	vor.u32 $0xD, v46  }
0x21f: {  	v3 =	vadd.f32 v5, v3  }
0x220: {  	v61 =	vor.u32 $0xE, v46  }
0x221: {  	[tilespmem:v2+s22+$0x0] =	vst.idx.msk $0xffff, v3  }
0x222: {  	v2 =	vor.u32 $0xF, v46;
	v3 =	vld.idx.msk [tilespmem:v59+s23+$0x0], $0xffff  }
0x223: {  	v62 =	vld.idx.msk [tilespmem:v60+s23+$0x0], $0xffff;
	_ =	sdelay $0x1  }
0x224: {  	v5 =	vld.idx.msk [tilespmem:v61+s23+$0x0], $0xffff;
	_ =	sdelay $0x1  }
0x225: {  	v2 =	vld.idx.msk [tilespmem:v2+s23+$0x0], $0xffff  }
0x226: {  	v1 =	vmul.f32 v3, v1;
	v3 =	vmul.f32 v62, v10;
	_ =	sdelay $0x1  }
0x227: {  	v63 =	vmul.f32 v5, v12;
	v1 =	vadd.f32 v3, v1;
	_ =	sdelay $0x1  }
0x228: {  	v2 =	vmul.f32 v2, v13;
	v1 =	vadd.f32 v63, v1;
	_ =	sdelay $0x1  }
0x229: {  	v1 =	vadd.f32 v2, v1;
	_ =	sdelay $0x1  }
0x22a: {  	[tilespmem:v11+s22+$0x0] =	vst.idx.msk $0xffff, v1  }
0x22b: {  	[spmem:s1] =	stream.indirect.scatter.add.f32 [tilespmem:s22], [sflag:$0x4], $0x8, s25, s31, $0xb8;
	[tilespmem:$0x17F00] =	vst v63  }
0x22c: {  	_ =	swait.ge [sflag:s21], $0x1900  }
0x22d: {  	[sflag:s21] =	ssyncset.done $0x0  }
0x22e: {  	s13 =	sadd.s32 $0x1, s13;
	[sflag:s21] =	ssyncadd.s32 $0xFFFFE700  }
0x22f: {  	p0 =	sne.s32 s13, s19;
	[bflag:$0x0] =	sbarrier.arrive $0xFFFF  }
.Ltmp5:
0x230: {  	s17 =	rddreg [dreg:$0xa];
	(pc) =	sbr.rel @p0 .LBB2_1-.Ltmp5, $4  }
0x231: {  	[hbm:s17], [sflag:s11] =	dma.local [spmem:s20], $0x1870  }
0x232: {  	_ =	swait.ge [sflag:s21], $0x1870  }
0x233: {  	[sflag:s21] =	ssyncset.done $0x0  }
0x234: {  	[sflag:s21] =	ssyncadd.s32 $0xFFFFE790  }
0x235: {  	_ =	sfence.sel $0x180000  }
0x236: {  	[bflag:$0x0] =	sbarrier.arrive $0xFFFF  }
0x237: {  	_ =	strace $0x9000004D  }
0x238: {  	s0 =	stileid.u32;
	[bflag:$0x2] =	sbarrier.arrive $0xFFFF  }
0x239: {  	p0 =	sne.s32 s0, $0x0;
	s0 =	rddreg [dreg:$0x2]  }
0x23a: {  	s0 =	sadd.s32 @!p0 $0x100000, s0  }
0x23b: {  	[sflag:s0] =	ssyncadd.tile.s32 @!p0 $0x1;
	_ =	shalt  }
.Lfunc_end2:
_tile_overlayer_lowered:
.L_overlay_start_2:
0x23c: {  	(tag) =	ssettag $0x2  }
0x23d: {  	s0 =	rddreg [dreg:$0x0];
	s2 =	stileid.u32  }
0x23e: {  	s1 =	rddreg [dreg:$0x1];
	p0 =	sne.s32 s2, $0x0  }
0x23f: {  	s3 =	rddreg [dreg:$0x2];
	[bflag:$0x3] =	sbarrier.arrive $0xFFFF;
	s2 =	simm.s32 @!p0 $0x1C04  }
0x240: {  	[timem:s3], [sflag:s2] =	dma.local @!p0 [hbm:s0], s1  }
0x241: {  	s0 =	simm.s32 @!p0 $0x4  }
0x242: {  	_ =	swait.ge @!p0 [sflag:s0], s1  }
0x243: {  	s1 =	ssub.s32 @!p0 $0x0, s1;
	[sflag:s0] =	ssyncset.done @!p0 $0x0  }
0x244: {  	[sflag:s0] =	ssyncadd.s32 @!p0 s1  }
0x245: {  	[bflag:$0x3] =	sbarrier.arrive $0xFFFF  }
0x246: {  	_ =	shalt  }

// kernel: sparse-core-data-format-call.cloned.1.call-start
scs
called_computation_lowered:
.L_overlay_start_0:
0x0: {  	s1 =	sld [smem:$0x3FD9]  }
0x1: {  	s2 =	sld [smem:$0x3FFE];
	_ =	sdelay $0x1  }
0x2: {  	s3 =	srdreg.scid  }
0x3: {  	s0 =	sand.u32 $0x1, s3  }
0x4: {  	s17 =	sshll.u32 s0, $0xA;
	s1 =	sadd.s32 s2, s1  }
0x5: {  	s1 =	sadd.s32 s1, s17  }
0x6: {  	[smem:$0x3FC5] =	sst s1  }
0x7: {  	_ = 	snop  }
0x8: {  	(tm) =	ssettm $0x1  }
0x9: {  	s18 =	sld [smem:$0x3FFB];
	_ =	sdelay $0x3  }
0xa: {  	_ =	strace s18  }
0xb: {  	s1 =	sld [smem:$0x3FFC];
	_ =	sdelay $0x3  }
0xc: {  	_ =	strace s1  }
0xd: {  	s1 =	sld [smem:$0x3FFD];
	_ =	sdelay $0x3  }
0xe: {  	_ =	strace s1  }
0xf: {  	_ =	strace $0x8FFFFFFF  }
0x10: {  	s19 =	sld [smem:$0x3FDB];
	_ =	sdelay $0x1  }
0x11: {  	s20 =	simm.s32 $_scs_section_size  }
0x12: {  	s4 =	simm.s32 $_size__tile_overlayer_lowered;
	s5 =	simm.s32 $_tile_overlayer_lowered  }
0x13: {  	s23 =	simm.s32 $0x1BFF;
	s22 =	sshll.u32 s5, $0x1;
	s1 =	sadd.s32 s20, s19  }
0x14: {  	s6 =	simm.s32 $0x0;
	s21 =	sshll.u32 s4, $0x1;
	s4 =	sadd.s32 s22, s1  }
0x15: {  	[timem:s6], [sflag:s23] =	dma.local [hbm:s4], s21  }
0x16: {  	_ =	swait.ge [sflag:s23], s21  }
0x17: {  	s2 =	ssub.s32 $0x0, s21;
	[sflag:s23] =	ssyncset.done $0x0  }
0x18: {  	[sflag:s23] =	ssyncadd.s32 s2;
	_ =	sdelay $0x1  }
0x19: {  	s24 =	simm.s32 $0x1B8B  }
0x1a: {  	_ =	swait.ge [sflag:s24], $0x1  }
0x1b: {  	[sflag:s24] =	ssyncset.done $0x0  }
0x1c: {  	s26 =	simm.s32 $0x1B8E;
	s25 =	sld [smem:$0x3FFE];
	[sflag:s24] =	ssyncadd.s32 $0xFFFFFFFF  }
0x1d: {  	s27 =	simm.s32 $execute0_lowered;
	[smem:$0x3FD2] =	sst s26  }
0x1e: {  	s4 =	sshll.u32 s27, $0x1;
	_ =	strace $0x80000046;
	[dreg:$0x1] =	wrdreg $0xFFFFFFFF  }
0x1f: {  	s28 =	simm.s32 $_size_execute0_lowered;
	s1 =	sadd.s32 s1, s4;
	[dreg:$0x0] =	wrdreg $0x0  }
0x20: {  	s4 =	sshll.u32 s28, $0x1;
	[dreg:$0x2] =	wrdreg s1  }
0x21: {  	[dreg:$0x3] =	wrdreg s4  }
0x22: {  	[dreg:$0x4] =	wrdreg $0xC0  }
0x23: {  	_ =	task [dreg:s6], $0x5FFFF  }
0x24: {  	[dreg:$0x1] =	wrdreg $0xFFFFFFFF  }
0x25: {  	[dreg:$0x0] =	wrdreg $0x60  }
0x26: {  	[dreg:$0x2] =	wrdreg s25  }
0x27: {  	[dreg:$0x3] =	wrdreg $0x9  }
0x28: {  	_ =	task.clear_ibuf [dreg:s6], $0x4FFFF;
	_ =	strace $0x90000046  }
0x29: {  	s29 =	simm.s32 $0x9;
	_ =	strace $0x80000048  }
0x2a: {  	_ =	swait.ge [sflag:s29], $0x1  }
0x2b: {  	[sflag:s29] =	ssyncadd.s32 $0xFFFFFFFF  }
0x2c: {  	_ =	strace $0x90000048  }
0x2d: {  	_ =	sfence  }
0x2e: {  	s30 =	sld [smem:$0x0];
	_ =	sdelay $0x2  }
0x2f: {  	s31 =	sshll.u32 s3, $0xD;
	s3 =	sshrl.u32 s3, $0x2  }
0x30: {  	s2 =	sand.u32 $0x4000, s31;
	s1 =	sadd.s32 s3, s30  }
0x31: {  	s0 =	sor.u32 s2, s0;
	s1 =	sshll.u32 s1, $0x11  }
0x32: {  	s0 =	sor.u32 s1, s0  }
0x33: {  	s0 =	sadd.s32 $0x8F2B, s0  }
0x34: {  	[sflag:s0] =	ssyncadd.remote.s32 $0x1  }
0x35: {  	_ =	sfence.sel $0xFFFF  }
0x36: {  	[dreg:$0x0] =	wrdreg $0xFFFFFFFF;
	(pc) =	sbr.abs _section_cstart, $3  }
0x37: {  	[dreg:$0x1] =	wrdreg $0xFFFFFFFF  }
0x38: {  	_ =	task.clear_ibuf [dreg:s6], $0x2FFFF;
	_ =	strace $0x9FFFFFFF  }
0x39: {  	(tm) =	ssettm $0x7FFFFFFF  }
tec
execute0_lowered:
.L_overlay_start_1:
0x0: {  	(tag) =	ssettag $0x1  }
0x1: {  	s0 =	srdreg.scid  }
0x2: {  	s2 =	stileid.u32;
	s0 =	sshll.u32 s0, $0x4  }
0x3: {  	s1 =	rddreg [dreg:$0x0];
	_ =	strace $0x80000047;
	s0 =	sand.u32 $0x10, s0  }
0x4: {  	s31 =	simm.s32 $0x1;
	s5 =	simm.s32 $0x2;
	s0 =	sor.u32 s2, s0  }
0x5: {  	s13 =	simm.s32 $0x0;
	s7 =	sadd.s32 $0x1600, s1;
	s6 =	sshll.u32 s0, $0xA  }
0x6: {  	s10 =	simm.s32 $0x0;
	s1 =	sadd.s32 $0x61BE00, s1;
	s0 =	ssub.s32 $0x30D400, s6  }
0x7: {  	s11 =	simm.s32 $0x0;
	[dreg:$0x4] =	wrdreg s1;
	s4 =	sand.u32 $0x7C00, s0  }
.Ltmp0:
0x8: {  	p0 =	sne.s32 s4, $0x0;
	s4 =	simm.s32 $0x1;
	(pc) =	sbr.rel .LBB1_1-.Ltmp0, $4  }
0x9: {  	[dreg:$0x3] =	wrdreg s7;
	s0 =	sshrl.u32 s0, $0xF;
	s4 =	simm.s32 @!p0 $0x0  }
0xa: {  	[sflag:s31] =	ssyncpa.u1 $0x0;
	[dreg:$0x2] =	wrdreg s6;
	s8 =	sadd.s32 s4, s0  }
0xb: {  	[sflag:s5] =	ssyncpa.u1 $0x0;
	s9 =	sadd.s32 $0x1, s8;
	[dreg:$0x5] =	wrdreg s8  }
0xc: {  	s2 =	simm.s32 $0x0;
	s12 =	smov.u32 s6;
	[dreg:$0x6] =	wrdreg s9  }
.LBB1_7:
0xd: {  	s0 =	sadd.s32 $0x8000, s12  }
0xe: {  	s2 =	sadd.s32 $0x10, s10;
	s3 =	smov.u32 s10;
	p1 =	sgt.s32 s0, $0x30D3FF  }
0xf: {  	s3 =	smov.u32 @p1 s2  }
0x10: {  	s0 =	smov.u32 @p1 s6;
	p1 =	sgt.s32 s3, $0xF  }
0x11: {  	s3 =	simm.s32 @p1 $0x0;
	p1 =	sne.s32 s11, s9  }
.Ltmp1:
0x12: {  	p0 =	slt.u32 s11, $0x2;
	(pc) =	sbr.rel @!p1 .LBB1_8-.Ltmp1, $4  }
0x13: {  	s1 =	simm.s32 @!p0 $0x2  }
0x14: {  	s13 =	smov.u32 s12;
	_ =	swait.ge @!p0 [sflag:s1], $0x4000  }
0x15: {  	s2 =	smov.u32 s10;
	[sflag:s1] =	ssyncset.done @!p0 $0x0;
	s12 =	smov.u32 s0  }
0x16: {  	s11 =	sadd.s32 $0x1, s11;
	[sflag:s1] =	ssyncadd.s32 @!p0 $0xFFFFC000;
	s10 =	smov.u32 s3  }
.LBB1_1:
0x17: {  	p0 =	sge.u32 s11, s8  }
0x18: {  	s0 =	sshrl.u32 @!p0 s10, $0x3  }
0x19: {  	s1 =	sshll.u32 @!p0 s12, $0x3;
	s0 =	smul.u32 @!p0 $0x186A000, s0  }
0x1a: {  	s1 =	sand.u32 @!p0 $0xFFFFFC00, s1  }
0x1b: {  	s0 =	sadd.s32 @!p0 s0, s1  }
0x1c: {  	s1 =	sshrl.u32 @!p0 s0, $0xA  }
0x1d: {  	s1 =	smulhi.u32 @!p0 $0x53E2D7, s1  }
0x1e: {  	s4 =	sshll.u32 @!p0 s10, $0x7  }
0x1f: {  	s5 =	sand.u32 @!p0 $0x7F, s12;
	s4 =	sand.u32 @!p0 $0x380, s4;
	s1 =	sshrl.u32 @!p0 s1, $0x2  }
0x20: {  	s4 =	sor.u32 @!p0 s5, s4;
	s5 =	smul.u32 @!p0 $0x30D400, s1  }
0x21: {  	s31 =	sadd.s32 $0xFFFFFFFF, s11;
	s0 =	sor.u32 @!p0 s0, s4;
	s4 =	sxor.u32 @!p0 $0xFFFFFFFF, s11  }
0x22: {  	s4 =	sshll.u32 @!p0 s4, $0xE;
	s1 =	sand.u32 @!p0 $0xF, s1;
	s0 =	ssub.s32 @!p0 s0, s5  }
0x23: {  	s1 =	smul.u32 @!p0 $0x61A80, s1;
	s5 =	sshrl.u32 @!p0 s0, $0x3;
	s0 =	sand.u32 @!p0 $0x7, s0  }
0x24: {  	s4 =	sand.u32 @!p0 $0x4000, s4;
	s5 =	sadd.s32 @!p0 s7, s5;
	s0 =	sshll.u32 @!p0 s0, $0x12  }
0x25: {  	s1 =	sadd.s32 @!p0 s1, s5;
	s0 =	sor.u32 @!p0 $0x2000, s0;
	s5 =	simm.s32 @!p0 $0x186A000  }
0x26: {  	[tilespmem:s4], [sflag:$0x1] =	stream.strided.gather @!p0 [hbm4b:s1+s0], $0x4000, s5, s0, $0x38;
	[tilespmem:$0x10800] =	vst v63  }
0x27: {  	p0 =	sge.u32 s31, s8  }
.Ltmp2:
0x28: {  	_ = 	snop;
	(pc) =	sbr.rel @p0 .LBB1_7-.Ltmp2, $1  }
0x29: {  	_ =	sdelay $0x3  }
0x2a: {  	[dreg:$0x9] =	wrdreg s13  }
0x2b: {  	[dreg:$0x8] =	wrdreg s2;
	s0 =	sand.u32 $0x1, s11  }
0x2c: {  	[dreg:$0x7] =	wrdreg s12;
	s31 =	simm.s32 $0x1;
	s1 =	smul.u32 $0x11000, s0  }
0x2d: {  	_ =	swait.ge [sflag:s31], $0x4000  }
0x2e: {  	s16 =	simm.s32 $0x0;
	[sflag:s31] =	ssyncset.done $0x0;
	s1 =	sshrl.u32 s1, $0x2  }
0x2f: {  	s15 =	sshll.u32 s0, $0xE;
	[sflag:s31] =	ssyncadd.s32 $0xFFFFC000;
	s14 =	sor.u32 $0x8000, s1  }
.LBB1_3:
0x30: {  	s0 =	sshll.u32 s16, $0xA  }
0x31: {  	s1 =	sshll.u32 s16, $0x7;
	s0 =	sand.u32 $0x2000, s0  }
0x32: {  	s1 =	sand.u32 $0x380, s1;
	s0 =	sadd.s32 s0, s15  }
0x33: {  	s0 =	sadd.s32 s1, s0  }
0x34: {  	s17 =	sadd.s32 s16, s14;
	p0 =	por $0x1, $0x1;
	s18 =	simm.s32 $0x0;
	v0 =	vmov s0  }
.LBB1_4:
0x35: {  	s0 =	smul.u32 $0x44, s18;
	s1 =	sshll.u32 s18, $0x3;
	s4 =	sor.u32 $0x80, s18  }
0x36: {  	s9 =	sor.u32 $0x90, s18;
	s22 =	sor.u32 $0xA0, s18;
	s25 =	sor.u32 $0xB0, s18  }
0x37: {  	s2 =	sor.u32 $0xC0, s18;
	s3 =	sor.u32 $0xD0, s18;
	s7 =	smul.u32 $0x44, s4  }
0x38: {  	p1 =	por p0, p0;
	s29 =	sand.u32 $0x3FFFFFF8, s1;
	s13 =	smul.u32 $0x44, s9  }
0x39: {  	s8 =	sshll.u32 s4, $0x3;
	s21 =	sshll.u32 s9, $0x3;
	s5 =	smul.u32 $0x44, s22  }
0x3a: {  	s24 =	sshll.u32 s22, $0x3;
	s27 =	smul.u32 $0x44, s25;
	s28 =	sshll.u32 s25, $0x3  }
0x3b: {  	s4 =	sshll.u32 s2, $0x3;
	s25 =	smul.u32 $0x44, s3;
	s0 =	sshra.s32 s0, $0x2  }
0x3c: {  	s30 =	sand.u32 $0x3FFFFFF8, s8;
	s31 =	sand.u32 $0x1400, s21;
	s1 =	sand.u32 $0x1400, s24  }
0x3d: {  	s24 =	smul.u32 $0x44, s2;
	s8 =	sand.u32 $0x1400, s4;
	s0 =	sadd.s32 s0, s14  }
0x3e: {  	s12 =	sshra.s32 s7, $0x2;
	s23 =	sshra.s32 s13, $0x2;
	s26 =	sshra.s32 s5, $0x2  }
0x3f: {  	s5 =	sshra.s32 s27, $0x2;
	s7 =	sshll.u32 s3, $0x3;
	s9 =	sshra.s32 s25, $0x2  }
0x40: {  	s3 =	sor.u32 $0x100, s18;
	v55 =	vld.idx.msk [tilespmem:v0+s31+$0x10 ss:$0x1], $0xffff;
	s31 =	sor.u32 $0x140, s18;
	s19 =	sadd.s32 s16, s0  }
0x41: {  	s20 =	sadd.s32 s12, s17;
	s21 =	sadd.s32 s23, s17;
	s22 =	sadd.s32 s26, s17  }
0x42: {  	s0 =	sand.u32 $0x1400, s28;
	s23 =	sadd.s32 s5, s17;
	s6 =	sshra.s32 s24, $0x2  }
0x43: {  	v1 =	vld.idx.msk [tilespmem:v0+s29+$0x0 ss:$0x1], $0xffff;
	s26 =	sor.u32 $0xE0, s18;
	s5 =	sand.u32 $0x1400, s7;
	s25 =	sadd.s32 s9, s17  }
0x44: {  	v2 =	vld.idx.msk [tilespmem:v0+s29+$0x10 ss:$0x1], $0xffff;
	s28 =	sor.u32 $0xF0, s18;
	s24 =	sadd.s32 s6, s17;
	s27 =	smul.u32 $0x44, s26  }
0x45: {  	v3 =	vld.idx.msk [tilespmem:v0+s29+$0x20 ss:$0x1], $0xffff;
	s12 =	sshll.u32 s26, $0x3;
	s2 =	smul.u32 $0x44, s28;
	s28 =	sshll.u32 s28, $0x3  }
0x46: {  	s6 =	smul.u32 $0x44, s3;
	s3 =	sshll.u32 s3, $0x3;
	s4 =	sand.u32 $0x1400, s12  }
0x47: {  	v4 =	vld.idx.msk [tilespmem:v0+s29+$0x30 ss:$0x1], $0xffff;
	s7 =	sand.u32 $0x1400, s28;
	s3 =	sand.u32 $0x3FFFFFF8, s3;
	s13 =	sshra.s32 s27, $0x2  }
0x48: {  	v5 =	vld.idx.msk [tilespmem:v0+s29+$0x40 ss:$0x1], $0xffff;
	s27 =	sshra.s32 s2, $0x2;
	s2 =	sor.u32 $0x110, s18;
	s28 =	sshra.s32 s6, $0x2;
	[tilespmem:s19+$0x0 ss:$0x11] =	vst.msk $0xffff, v1  }
0x49: {  	v1 =	vld.idx.msk [tilespmem:v0+s29+$0x50 ss:$0x1], $0xffff;
	[tilespmem:s19+$0x110 ss:$0x11] =	vst.msk $0xffff, v2;
	s26 =	sadd.s32 s13, s17;
	s27 =	sadd.s32 s27, s17;
	s6 =	smul.u32 $0x44, s2  }
0x4a: {  	v2 =	vld.idx.msk [tilespmem:v0+s29+$0x60 ss:$0x1], $0xffff;
	[tilespmem:s19+$0x220 ss:$0x11] =	vst.msk $0xffff, v3;
	s28 =	sadd.s32 s28, s17;
	s2 =	sshll.u32 s2, $0x3;
	s13 =	sor.u32 $0x120, s18  }
0x4b: {  	v3 =	vld.idx.msk [tilespmem:v0+s29+$0x70 ss:$0x1], $0xffff;
	[tilespmem:s21+$0x0 ss:$0x11] =	vst.msk $0xffff, v55;
	s21 =	sor.u32 $0x170, s18;
	s2 =	sand.u32 $0x1800, s2;
	s12 =	smul.u32 $0x44, s13  }
0x4c: {  	v54 =	vld.idx.msk [tilespmem:v0+s30+$0x0 ss:$0x1], $0xffff;
	[tilespmem:s19+$0x330 ss:$0x11] =	vst.msk $0xffff, v4;
	s9 =	sshll.u32 s13, $0x3;
	s13 =	sor.u32 $0x130, s18;
	s6 =	sshra.s32 s6, $0x2  }
0x4d: {  	[tilespmem:s19+$0x440 ss:$0x11] =	vst.msk $0xffff, v5;
	s29 =	sadd.s32 s6, s17;
	s6 =	sand.u32 $0x1800, s9;
	s12 =	sshra.s32 s12, $0x2  }
0x4e: {  	s9 =	smul.u32 $0x44, s13;
	s13 =	sshll.u32 s13, $0x3;
	s30 =	sadd.s32 s12, s17;
	[tilespmem:s19+$0x550 ss:$0x11] =	vst.msk $0xffff, v1;
	v1 =	vld.idx.msk [tilespmem:v0+s1+$0x20 ss:$0x1], $0xffff  }
0x4f: {  	s1 =	sand.u32 $0x1800, s13;
	s12 =	smul.u32 $0x44, s31;
	[tilespmem:s19+$0x660 ss:$0x11] =	vst.msk $0xffff, v2;
	v2 =	vld.idx.msk [tilespmem:v0+s0+$0x30 ss:$0x1], $0xffff;
	s13 =	sshll.u32 s31, $0x3  }
0x50: {  	s31 =	sor.u32 $0x150, s18;
	[tilespmem:s19+$0x770 ss:$0x11] =	vst.msk $0xffff, v3;
	v3 =	vld.idx.msk [tilespmem:v0+s8+$0x40 ss:$0x1], $0xffff;
	s9 =	sshra.s32 s9, $0x2;
	s8 =	sand.u32 $0x1800, s13  }
0x51: {  	v56 =	vld.idx.msk [tilespmem:v0+s5+$0x50 ss:$0x1], $0xffff;
	[tilespmem:s20+$0x0 ss:$0x11] =	vst.msk $0xffff, v54;
	s19 =	smul.u32 $0x44, s31;
	s20 =	sshll.u32 s31, $0x3;
	s31 =	sor.u32 $0x160, s18  }
0x52: {  	v57 =	vld.idx.msk [tilespmem:v0+s4+$0x60 ss:$0x1], $0xffff;
	s0 =	sadd.s32 s9, s17;
	s12 =	sshra.s32 s12, $0x2;
	s4 =	sand.u32 $0x1800, s20  }
0x53: {  	s5 =	sadd.s32 s12, s17;
	s12 =	sshra.s32 s19, $0x2;
	s19 =	smul.u32 $0x44, s31  }
0x54: {  	s20 =	sshll.u32 s31, $0x3;
	s31 =	sor.u32 $0x180, s18;
	[tilespmem:s22+$0x0 ss:$0x11] =	vst.msk $0xffff, v1;
	v1 =	vld.idx.msk [tilespmem:v0+s7+$0x70 ss:$0x1], $0xffff;
	s7 =	sadd.s32 s12, s17  }
0x55: {  	[tilespmem:s23+$0x0 ss:$0x11] =	vst.msk $0xffff, v2;
	v2 =	vld.idx.msk [tilespmem:v0+s3+$0x0 ss:$0x1], $0xffff;
	s3 =	sand.u32 $0x1800, s20;
	s22 =	sshra.s32 s19, $0x2;
	s23 =	smul.u32 $0x44, s21  }
0x56: {  	[tilespmem:s24+$0x0 ss:$0x11] =	vst.msk $0xffff, v3;
	v3 =	vld.idx.msk [tilespmem:v0+s2+$0x10 ss:$0x1], $0xffff;
	s24 =	sshll.u32 s21, $0x3;
	s20 =	smul.u32 $0x44, s31;
	s21 =	sshll.u32 s31, $0x3  }
0x57: {  	[tilespmem:s25+$0x0 ss:$0x11] =	vst.msk $0xffff, v56;
	v58 =	vld.idx.msk [tilespmem:v0+s6+$0x20 ss:$0x1], $0xffff;
	s2 =	sadd.s32 s22, s17;
	s6 =	sand.u32 $0x1800, s24;
	s22 =	sor.u32 $0x190, s18  }
0x58: {  	[tilespmem:s26+$0x0 ss:$0x11] =	vst.msk $0xffff, v57;
	v59 =	vld.idx.msk [tilespmem:v0+s1+$0x30 ss:$0x1], $0xffff;
	s19 =	sshra.s32 s23, $0x2;
	s23 =	sand.u32 $0x3FFFFFF8, s21;
	s24 =	sshra.s32 s20, $0x2  }
0x59: {  	s25 =	smul.u32 $0x44, s22;
	s1 =	sadd.s32 s19, s17;
	s19 =	sor.u32 $0x1B0, s18;
	[tilespmem:s27+$0x0 ss:$0x11] =	vst.msk $0xffff, v1;
	v1 =	vld.idx.msk [tilespmem:v0+s8+$0x40 ss:$0x1], $0xffff  }
0x5a: {  	s26 =	sshll.u32 s22, $0x3;
	s22 =	sshll.u32 s19, $0x3;
	[tilespmem:s28+$0x0 ss:$0x11] =	vst.msk $0xffff, v2;
	v2 =	vld.idx.msk [tilespmem:v0+s4+$0x50 ss:$0x1], $0xffff;
	s4 =	sadd.s32 s24, s17  }
0x5b: {  	s27 =	sor.u32 $0x1A0, s18;
	[tilespmem:s29+$0x0 ss:$0x11] =	vst.msk $0xffff, v3;
	v3 =	vld.idx.msk [tilespmem:v0+s3+$0x60 ss:$0x1], $0xffff;
	s28 =	sand.u32 $0x1C00, s26;
	s29 =	sshra.s32 s25, $0x2  }
0x5c: {  	[tilespmem:s30+$0x0 ss:$0x11] =	vst.msk $0xffff, v58;
	v60 =	vld.idx.msk [tilespmem:v0+s6+$0x70 ss:$0x1], $0xffff;
	s24 =	sand.u32 $0x1C00, s22;
	s25 =	sor.u32 $0x1C0, s18;
	s26 =	smul.u32 $0x44, s19  }
0x5d: {  	[tilespmem:s0+$0x0 ss:$0x11] =	vst.msk $0xffff, v59;
	v61 =	vld.idx.msk [tilespmem:v0+s23+$0x0 ss:$0x1], $0xffff;
	s31 =	smul.u32 $0x44, s27;
	s6 =	sadd.s32 s29, s17;
	s13 =	sshll.u32 s27, $0x3  }
0x5e: {  	s27 =	sshll.u32 s25, $0x3;
	s19 =	smul.u32 $0x44, s25;
	s20 =	sand.u32 $0x1C00, s13;
	[tilespmem:s5+$0x0 ss:$0x11] =	vst.msk $0xffff, v1;
	v1 =	vld.idx.msk [tilespmem:v0+s28+$0x10 ss:$0x1], $0xffff  }
0x5f: {  	s29 =	sand.u32 $0x1C00, s27;
	s21 =	sshra.s32 s31, $0x2;
	[tilespmem:s7+$0x0 ss:$0x11] =	vst.msk $0xffff, v2;
	v2 =	vld.idx.msk [tilespmem:v0+s20+$0x20 ss:$0x1], $0xffff;
	s28 =	sor.u32 $0x1D0, s18  }
0x60: {  	s31 =	sor.u32 $0x1E0, s18;
	s23 =	sadd.s32 s21, s17;
	[tilespmem:s2+$0x0 ss:$0x11] =	vst.msk $0xffff, v3;
	v3 =	vld.idx.msk [tilespmem:v0+s24+$0x30 ss:$0x1], $0xffff;
	s30 =	sshll.u32 s28, $0x3  }
0x61: {  	[tilespmem:s1+$0x0 ss:$0x11] =	vst.msk $0xffff, v60;
	v62 =	vld.idx.msk [tilespmem:v0+s29+$0x40 ss:$0x1], $0xffff;
	s13 =	sshll.u32 s31, $0x3;
	s18 =	sor.u32 $0x1F0, s18;
	s12 =	sand.u32 $0x1C00, s30  }
0x62: {  	[tilespmem:s4+$0x0 ss:$0x11] =	vst.msk $0xffff, v61;
	s20 =	sand.u32 $0x1C00, s13;
	s24 =	smul.u32 $0x44, s31;
	s21 =	sshll.u32 s18, $0x3;
	v63 =	vld.idx.msk [tilespmem:v0+s12+$0x50 ss:$0x1], $0xffff  }
0x63: {  	s0 =	sshra.s32 s26, $0x2;
	s22 =	smul.u32 $0x44, s28;
	s2 =	sand.u32 $0x1C00, s21;
	[tilespmem:s6+$0x0 ss:$0x11] =	vst.msk $0xffff, v1;
	v1 =	vld.idx.msk [tilespmem:v0+s20+$0x60 ss:$0x1], $0xffff  }
0x64: {  	s0 =	sadd.s32 s0, s17;
	s26 =	smul.u32 $0x44, s18;
	[tilespmem:s23+$0x0 ss:$0x11] =	vst.msk $0xffff, v2;
	v2 =	vld.idx.msk [tilespmem:v0+s2+$0x70 ss:$0x1], $0xffff;
	s23 =	sshra.s32 s19, $0x2  }
.Ltmp3:
0x65: {  	s1 =	sshra.s32 s22, $0x2;
	[tilespmem:s0+$0x0 ss:$0x11] =	vst.msk $0xffff, v3;
	s25 =	sadd.s32 s23, s17;
	(pc) =	sbr.rel @p1 .LBB1_4-.Ltmp3, $4  }
0x66: {  	s28 =	sshra.s32 s24, $0x2;
	s27 =	sadd.s32 s1, s17;
	[tilespmem:s25+$0x0 ss:$0x11] =	vst.msk $0xffff, v62  }
0x67: {  	s29 =	sadd.s32 s28, s17;
	s30 =	sshra.s32 s26, $0x2;
	[tilespmem:s27+$0x0 ss:$0x11] =	vst.msk $0xffff, v63  }
0x68: {  	s31 =	sadd.s32 s30, s17;
	[tilespmem:s29+$0x0 ss:$0x11] =	vst.msk $0xffff, v1  }
0x69: {  	p0 =	por $0x0, $0x0;
	s18 =	simm.s32 $0x200;
	[tilespmem:s31+$0x0 ss:$0x11] =	vst.msk $0xffff, v2  }
0x6a: {  	s16 =	sadd.s32 $0x1, s16  }
0x6b: {  	p0 =	sne.s32 s16, $0x10  }
.Ltmp4:
0x6c: {  	_ = 	snop;
	(pc) =	sbr.rel @p0 .LBB1_3-.Ltmp4, $1  }
0x6d: {  	_ =	sdelay $0x3  }
0x6e: {  	s0 =	rddreg [dreg:$0x9]  }
0x6f: {  	s3 =	rddreg [dreg:$0x8]  }
0x70: {  	s0 =	sshll.u32 s0, $0x7;
	s1 =	sshll.u32 s3, $0x3  }
0x71: {  	s2 =	sand.u32 $0xFFFFFC00, s0;
	s1 =	sand.u32 $0xFFFFFC00, s1  }
0x72: {  	s0 =	sand.u32 $0x380, s0;
	s1 =	sadd.s32 s1, s2  }
0x73: {  	s0 =	sor.u32 s0, s1  }
0x74: {  	s0 =	sshrl.u32 s0, $0x7  }
0x75: {  	s29 =	rddreg [dreg:$0x4];
	s25 =	smulhi.u32 $0x14F8B59, s0  }
0x76: {  	s6 =	rddreg [dreg:$0x2]  }
0x77: {  	s7 =	rddreg [dreg:$0x3];
	s1 =	sshrl.u32 s25, $0xE  }
0x78: {  	s31 =	simm.s32 $0x80;
	s8 =	rddreg [dreg:$0x5];
	s1 =	smul.u32 $0x30D400, s1  }
.Ltmp5:
0x79: {  	s9 =	rddreg [dreg:$0x6];
	s26 =	sshrl.u32 s3, $0x3;
	(pc) =	sbr.rel .LBB1_7-.Ltmp5, $4  }
0x7a: {  	s28 =	sand.u32 $0x7, s3;
	s27 =	sand.u32 $0xF, s26;
	s0 =	ssub.s32 s0, s1  }
0x7b: {  	s2 =	sshll.u32 s28, $0x12;
	s1 =	sadd.s32 s29, s27;
	s0 =	sshll.u32 s0, $0x4  }
0x7c: {  	s12 =	rddreg [dreg:$0x7];
	s30 =	sor.u32 $0x10, s2;
	s0 =	sadd.s32 s0, s1  }
0x7d: {  	[hbm4b:s0+s30] =	stream.strided.scatter [tilespmem:s14], [sflag:$0x2], $0x4000, s31, s30, $0x8;
	[tilespmem:$0x10800] =	vst v63  }
.LBB1_8:
0x7e: {  	_ =	sfence.sel $0x180000  }
0x7f: {  	s0 =	simm.s32 $0x1;
	[bflag:$0x0] =	sbarrier.arrive $0xFFFF  }
0x80: {  	s30 =	simm.s32 $0x2;
	[sflag:s0] =	ssyncpa.u1 $0x1  }
0x81: {  	[sflag:s30] =	ssyncpa.u1 $0x1  }
0x82: {  	_ =	strace $0x90000047  }
0x83: {  	s31 =	stileid.u32;
	[bflag:$0x2] =	sbarrier.arrive $0xFFFF  }
0x84: {  	p0 =	sne.s32 s31, $0x0;
	s0 =	rddreg [dreg:$0x1]  }
0x85: {  	s0 =	sadd.s32 @!p0 $0x100000, s0  }
0x86: {  	[sflag:s0] =	ssyncadd.tile.s32 @!p0 $0x1;
	_ =	shalt  }
.Lfunc_end1:
_tile_overlayer_lowered:
.L_overlay_start_2:
0x87: {  	(tag) =	ssettag $0x2  }
0x88: {  	s0 =	rddreg [dreg:$0x0];
	s2 =	stileid.u32  }
0x89: {  	s1 =	rddreg [dreg:$0x1];
	p0 =	sne.s32 s2, $0x0  }
0x8a: {  	s3 =	rddreg [dreg:$0x2];
	[bflag:$0x3] =	sbarrier.arrive $0xFFFF;
	s2 =	simm.s32 @!p0 $0x1C01  }
0x8b: {  	[timem:s3], [sflag:s2] =	dma.local @!p0 [hbm:s0], s1  }
0x8c: {  	s0 =	simm.s32 @!p0 $0x1  }
0x8d: {  	_ =	swait.ge @!p0 [sflag:s0], s1  }
0x8e: {  	s1 =	ssub.s32 @!p0 $0x0, s1;
	[sflag:s0] =	ssyncset.done @!p0 $0x0  }
0x8f: {  	[sflag:s0] =	ssyncadd.s32 @!p0 s1  }
0x90: {  	[bflag:$0x3] =	sbarrier.arrive $0xFFFF  }
0x91: {  	_ =	shalt  }

</sc_bundles>
